<compile_context>
chip_gen: v7x
topology: tpu7x:2x2x1
jax: 0.10.2.dev20260603
libtpu: 0.0.44.dev20260713+nightly
codegen_flags: <defaults>
</compile_context>

<pallas_src>
import functools

import jax
import jax.numpy as jnp
from jax import lax
from jax.experimental import pallas as pl
from jax.experimental.pallas import tpu as pltpu
from jax.experimental.pallas import tpu_sc as plsc

_L = 16
_NC, _NS = 2, 16
_NW = _NC * _NS


def _dense_kernel(x_ref, h_ref, c_ref, m_ref, packed_ref, mse_ref, *, T, d):
    H = h_ref[...]
    M = m_ref[...]
    dims = (((1,), (1,)), ((), ()))
    G = jax.lax.dot_general(H, H, dims, preferred_element_type=jnp.float32)
    GM = jax.lax.dot_general(M, M, dims, preferred_element_type=jnp.float32)
    nrm = jnp.sum(H * H, axis=1, keepdims=True)
    s = jnp.sum(H, axis=1, keepdims=True)
    mn = jnp.sum(M, axis=1, keepdims=True)

    sqd = nrm + nrm.T - 2.0 * G
    ds = s - s.T
    var = (sqd - ds * ds * (1.0 / d)) * (1.0 / (d - 1.0))
    good = var > 0.0
    score = jnp.where(good, jnp.sqrt(jnp.where(good, var, 1.0)), 0.0)

    msq = mn + mn.T - 2.0 * GM
    iota_r = jax.lax.broadcasted_iota(jnp.int32, (T, T), 0)
    iota_c = jax.lax.broadcasted_iota(jnp.int32, (T, T), 1)
    invalid = (iota_r == iota_c) | (msq <= 0.5)
    packed_ref[:, :T] = jnp.where(invalid, jnp.float32(9999.0), score)

    goodn = sqd > 0.0
    packed_ref[:, T:] = jnp.where(goodn, jnp.sqrt(jnp.where(goodn, sqd, 1.0)), 0.0)

    dd = x_ref[...] - H + c_ref[...]
    mse_ref[...] = jnp.reshape(jnp.sum(M * dd * dd), (1, 1))


def _merge16(ak, av, dk, dv):
    take_a = ak <= dk
    lo_k = jnp.where(take_a, ak, dk)
    lo_v = jnp.where(take_a, av, dv)
    return plsc.sort_key_val(lo_k, lo_v)


def _topk_body(packed_hbm, out_hbm, pk_v, res_v, *, T, R):
    wid = lax.axis_index("s") * _NC + lax.axis_index("c")
    base = wid * R
    pltpu.sync_copy(packed_hbm.at[pl.ds(base, R)], pk_v)
    lane = lax.iota(jnp.int32, _L)
    first8 = lane < 8
    lane0 = lane == 0
    acc = jnp.zeros((_L,), jnp.float32)
    zeros_idx = jnp.zeros((_L,), jnp.int32)
    kept_k = [jnp.full((_L,), 3.0e38, jnp.float32) for _ in range(R)]
    kept_v = [jnp.zeros((_L,), jnp.float32) for _ in range(R)]
    for c in range(T // _L):
        for r in range(R):
            ck = pk_v[r, pl.ds(c * _L, _L)]
            cv = pk_v[r, pl.ds(T + c * _L, _L)]
            sk, sv = plsc.sort_key_val(ck, cv, descending=True)
            kept_k[r], kept_v[r] = _merge16(kept_k[r], kept_v[r], sk, sv)
    for r in range(R):
        v0 = kept_k[r][zeros_idx]
        e = jnp.where(first8, jnp.exp(v0 - kept_k[r]), 0.0)
        num = jnp.full((_L,), jnp.sum(e * kept_v[r]))
        den = jnp.full((_L,), jnp.sum(e))
        acc = acc + jnp.where(lane0, num / den, 0.0)
    res_v[...] = acc
    pltpu.sync_copy(res_v, out_hbm.at[wid])


def _make_sc_topk(T):
    R = T // _NW
    mesh = plsc.VectorSubcoreMesh(
        core_axis_name="c", subcore_axis_name="s",
        num_cores=_NC, num_subcores=_NS)
    return pl.kernel(
        functools.partial(_topk_body, T=T, R=R),
        out_type=jax.ShapeDtypeStruct((_NW, _L), jnp.float32),
        mesh=mesh,
        scratch_types=[
            pltpu.VMEM((R, 2 * T), jnp.float32),
            pltpu.VMEM((_L,), jnp.float32),
        ],
        compiler_params=pltpu.CompilerParams(needs_layout_passes=False),
    )


def kernel(X, H, C, M, T):
    del T
    T, d = H.shape
    packed, mse = pl.pallas_call(
        functools.partial(_dense_kernel, T=T, d=d),
        out_shape=[
            jax.ShapeDtypeStruct((T, 2 * T), jnp.float32),
            jax.ShapeDtypeStruct((1, 1), jnp.float32),
        ],
    )(X, H, C, M)
    partials = _make_sc_topk(T)(packed)
    return mse[0, 0] + jnp.sum(partials)

# --- scband reference (transcript-rebuilt; emitter-appended) ---
"""Pipeline reference for scband-completion-loss-37666863186630 (READ-ONLY COPY).

The authoritative reference and input builder live on the scoring server;
editing this copy changes nothing except your own understanding.
"""

import jax, jax.numpy as jnp
import numpy as np


def setup_inputs(seed: int = 0) -> dict:
    key = jax.random.key(seed)
    k1, k2, k3, k4 = jax.random.split(key, 4)
    T, d = 256, 512
    X = jax.random.normal(k1, (T, d), dtype=jnp.float32)
    H = jax.random.normal(k2, (T, d), dtype=jnp.float32)
    C = jax.random.normal(k3, (T, d), dtype=jnp.float32)
    M = jax.random.randint(k4, (T, d), 0, 2).astype(jnp.float32)
    return {"X": X, "H": H, "C": C, "M": M, "T": T}


def _pair_score(hi, hj, mi, mj):
    # torch: masked_select(H[i]-H[j], (M[i]*M[j]).ge(0)); sqrt(var(selected)) (unbiased)
    mf = ((mi * mj) >= 0).astype(jnp.float32)
    n = mf.sum()
    dd = hi - hj
    mean = (dd * mf).sum() / n
    var = (mf * (dd - mean) ** 2).sum() / (n - 1.0)
    good = var > 0
    var_safe = jnp.where(good, var, 1.0)
    return jnp.where(good, jnp.sqrt(var_safe), 0.0)


def reference(X, H, C, M, T):
    # pairwise scores [T, T]
    scores = jax.vmap(
        lambda hi, mi: jax.vmap(lambda hj, mj: _pair_score(hi, hj, mi, mj))(H, M)
    )(H, M)
    diff_any = jnp.any(M[:, None, :] != M[None, :, :], axis=-1)
    n = X.shape[0]
    eye = jnp.eye(n, dtype=bool)
    scores = jnp.where(eye | (~diff_any), jnp.float32(9999.0), scores)
    # topk smallest (largest=False) -> top_k of negated scores
    neg_vals, idx = jax.lax.top_k(-scores, 8)
    topk = -neg_vals  # ascending, matches torch largest=False sorted output
    weight = jax.nn.softmax(-topk, axis=-1)  # softmax over the 8 neighbors per row
    sq = jnp.sum((H[:, None, :] - H[idx]) ** 2, axis=-1)
    goodn = sq > 0
    sq_safe = jnp.where(goodn, sq, 1.0)
    norms = jnp.where(goodn, jnp.sqrt(sq_safe), 0.0)
    row_loss = jnp.sum(weight * norms)
    mse = jnp.sum((X * M - (H - C) * M) ** 2)
    return mse + 1.0 * row_loss + 0.0 * (T - n)

if __name__ == "__main__":
    import jax
    _d = setup_inputs()
    print(jax.jit(kernel)(*tuple(_d.values())))

</pallas_src>

<mosaic_0001>
#map = affine_map<(d0, d1) -> (0, 0)>
module attributes {stable_mosaic.version = 14 : i64} {
  func.func @_topk_body(%arg0: i32, %arg1: i32, %arg2: memref<256x512xf32, #tpu.memory_space<hbm>>, %arg3: memref<32x16xf32, #tpu.memory_space<hbm>>, %arg4: memref<8x512xf32, #tpu.memory_space<vmem>>, %arg5: memref<16xf32, #tpu.memory_space<vmem>>) attributes {dimension_semantics = [#tpu.dimension_semantics<core_parallel>, #tpu.dimension_semantics<subcore_parallel>], iteration_bounds = array<i64: 2, 16>, scalar_prefetch = 0 : i64, scratch_operands = 2 : i64, tpu.core_type = #tpu.core_type<sc_vector_subcore>, window_params = [{transform_indices = #map}, {transform_indices = #map}]} {
    %mul3A = arith.constant 2 : i32
    %mul3A_0 = arith.muli %arg1, %mul3A : i32
    %add3A = arith.addi %mul3A_0, %arg0 : i32
    %mul3A_1 = arith.constant 8 : i32
    %mul3A_2 = arith.muli %add3A, %mul3A_1 : i32
    "tpu.region"() ({
      %run_scoped3A = tpu.sem_alloc : memref<!tpu.dma_semaphore, #tpu.memory_space<semaphore_mem>>
      %dma_start3A = arith.constant 0 : i32
      %dma_start3A_2713 = tpu.memref_slice %arg2[%mul3A_2, %dma_start3A] : memref<256x512xf32, #tpu.memory_space<hbm>> -> memref<8x512xf32, #tpu.memory_space<hbm>>
      %dma_start3A_2714 = arith.constant 0 : i32
      %dma_start3A_2715 = tpu.memref_slice %arg2[%mul3A_2, %dma_start3A_2714] : memref<256x512xf32, #tpu.memory_space<hbm>> -> memref<8x512xf32, #tpu.memory_space<hbm>>
      tpu.enqueue_dma source(%dma_start3A_2715 : memref<8x512xf32, #tpu.memory_space<hbm>>) target(%arg4 : memref<8x512xf32, #tpu.memory_space<vmem>>) target_semaphore(%run_scoped3A : memref<!tpu.dma_semaphore, #tpu.memory_space<semaphore_mem>>)
      %dma_wait3A = arith.constant 0 : i32
      %dma_wait3A_2716 = tpu.memref_slice %arg2[%mul3A_2, %dma_wait3A] : memref<256x512xf32, #tpu.memory_space<hbm>> -> memref<8x512xf32, #tpu.memory_space<hbm>>
      %dma_wait3A_2717 = arith.constant 0 : i32
      %dma_wait3A_2718 = tpu.memref_slice %arg2[%mul3A_2, %dma_wait3A_2717] : memref<256x512xf32, #tpu.memory_space<hbm>> -> memref<8x512xf32, #tpu.memory_space<hbm>>
      tpu.wait_dma2 semaphore(%run_scoped3A : memref<!tpu.dma_semaphore, #tpu.memory_space<semaphore_mem>>) src(%dma_wait3A_2718 : memref<8x512xf32, #tpu.memory_space<hbm>>) dst(%arg4 : memref<8x512xf32, #tpu.memory_space<vmem>>)
      tpu.yield
    }) : () -> ()
    %iota3A = tpu.iota {dimensions = array<i32: 0>} : vector<16xi32>
    %lt3A = arith.constant 8 : i32
    %lt3A_3 = vector.broadcast %lt3A : i32 to vector<16xi32>
    %lt3A_4 = arith.cmpi slt, %iota3A, %lt3A_3 : vector<16xi32>
    %eq3A = arith.constant 0 : i32
    %eq3A_5 = vector.broadcast %eq3A : i32 to vector<16xi32>
    %eq3A_6 = arith.cmpi eq, %iota3A, %eq3A_5 : vector<16xi32>
    %broadcast_in_dim3A = arith.constant 0.000000e+00 : f32
    %broadcast_in_dim3A_7 = vector.broadcast %broadcast_in_dim3A : f32 to vector<16xf32>
    %broadcast_in_dim3A_8 = arith.constant 0 : i32
    %broadcast_in_dim3A_9 = vector.broadcast %broadcast_in_dim3A_8 : i32 to vector<16xi32>
    %broadcast_in_dim3A_10 = arith.constant 3.000000e+38 : f32
    %broadcast_in_dim3A_11 = vector.broadcast %broadcast_in_dim3A_10 : f32 to vector<16xf32>
    %broadcast_in_dim3A_12 = arith.constant 3.000000e+38 : f32
    %broadcast_in_dim3A_13 = vector.broadcast %broadcast_in_dim3A_12 : f32 to vector<16xf32>
    %broadcast_in_dim3A_14 = arith.constant 3.000000e+38 : f32
    %broadcast_in_dim3A_15 = vector.broadcast %broadcast_in_dim3A_14 : f32 to vector<16xf32>
    %broadcast_in_dim3A_16 = arith.constant 3.000000e+38 : f32
    %broadcast_in_dim3A_17 = vector.broadcast %broadcast_in_dim3A_16 : f32 to vector<16xf32>
    %broadcast_in_dim3A_18 = arith.constant 3.000000e+38 : f32
    %broadcast_in_dim3A_19 = vector.broadcast %broadcast_in_dim3A_18 : f32 to vector<16xf32>
    %broadcast_in_dim3A_20 = arith.constant 3.000000e+38 : f32
    %broadcast_in_dim3A_21 = vector.broadcast %broadcast_in_dim3A_20 : f32 to vector<16xf32>
    %broadcast_in_dim3A_22 = arith.constant 3.000000e+38 : f32
    %broadcast_in_dim3A_23 = vector.broadcast %broadcast_in_dim3A_22 : f32 to vector<16xf32>
    %broadcast_in_dim3A_24 = arith.constant 3.000000e+38 : f32
    %broadcast_in_dim3A_25 = vector.broadcast %broadcast_in_dim3A_24 : f32 to vector<16xf32>
    %broadcast_in_dim3A_26 = arith.constant 0.000000e+00 : f32
    %broadcast_in_dim3A_27 = vector.broadcast %broadcast_in_dim3A_26 : f32 to vector<16xf32>
    %broadcast_in_dim3A_28 = arith.constant 0.000000e+00 : f32
    %broadcast_in_dim3A_29 = vector.broadcast %broadcast_in_dim3A_28 : f32 to vector<16xf32>
    %broadcast_in_dim3A_30 = arith.constant 0.000000e+00 : f32
    %broadcast_in_dim3A_31 = vector.broadcast %broadcast_in_dim3A_30 : f32 to vector<16xf32>
    %broadcast_in_dim3A_32 = arith.constant 0.000000e+00 : f32
    %broadcast_in_dim3A_33 = vector.broadcast %broadcast_in_dim3A_32 : f32 to vector<16xf32>
    %broadcast_in_dim3A_34 = arith.constant 0.000000e+00 : f32
    %broadcast_in_dim3A_35 = vector.broadcast %broadcast_in_dim3A_34 : f32 to vector<16xf32>
    %broadcast_in_dim3A_36 = arith.constant 0.000000e+00 : f32
    %broadcast_in_dim3A_37 = vector.broadcast %broadcast_in_dim3A_36 : f32 to vector<16xf32>
    %broadcast_in_dim3A_38 = arith.constant 0.000000e+00 : f32
    %broadcast_in_dim3A_39 = vector.broadcast %broadcast_in_dim3A_38 : f32 to vector<16xf32>
    %broadcast_in_dim3A_40 = arith.constant 0.000000e+00 : f32
    %broadcast_in_dim3A_41 = vector.broadcast %broadcast_in_dim3A_40 : f32 to vector<16xf32>
    %get3A = arith.constant 0 : i32
    %get3A_42 = arith.index_cast %get3A : i32 to index
    %get3A_43 = arith.constant 0 : index
    %get3A_44 = tpu.vector_load %arg4[%get3A_42, %get3A_43] {strides = array<i32>} : memref<8x512xf32, #tpu.memory_space<vmem>>, vector<16xf32>,
    %get3A_45 = arith.constant 0 : i32
    %get3A_46 = arith.index_cast %get3A_45 : i32 to index
    %get3A_47 = arith.constant 256 : index
    %get3A_48 = tpu.vector_load %arg4[%get3A_46, %get3A_47] {strides = array<i32>} : memref<8x512xf32, #tpu.memory_space<vmem>>, vector<16xf32>,
    %masked_sort3A = arith.constant dense<true> : vector<16xi1>
    %masked_sort3A_49, %masked_sort3A_50, %masked_sort3A_51 = tpu.sort %get3A_44, %get3A_48 masked %masked_sort3A {descending = true} : (vector<16xf32>, vector<16xf32>, vector<16xi1>) -> (vector<16xi1>, vector<16xf32>, vector<16xf32>)
    %le3A = arith.cmpf ole, %broadcast_in_dim3A_11, %masked_sort3A_50 : vector<16xf32>
    %select_n3A = arith.select %le3A, %broadcast_in_dim3A_11, %masked_sort3A_50 : vector<16xi1>, vector<16xf32>
    %select_n3A_52 = arith.select %le3A, %broadcast_in_dim3A_27, %masked_sort3A_51 : vector<16xi1>, vector<16xf32>
    %masked_sort3A_53 = arith.constant dense<true> : vector<16xi1>
    %masked_sort3A_54, %masked_sort3A_55, %masked_sort3A_56 = tpu.sort %select_n3A, %select_n3A_52 masked %masked_sort3A_53 : (vector<16xf32>, vector<16xf32>, vector<16xi1>) -> (vector<16xi1>, vector<16xf32>, vector<16xf32>)
    %get3A_57 = arith.constant 1 : i32
    %get3A_58 = arith.index_cast %get3A_57 : i32 to index
    %get3A_59 = arith.constant 0 : index
    %get3A_60 = tpu.vector_load %arg4[%get3A_58, %get3A_59] {strides = array<i32>} : memref<8x512xf32, #tpu.memory_space<vmem>>, vector<16xf32>,
    %get3A_61 = arith.constant 1 : i32
    %get3A_62 = arith.index_cast %get3A_61 : i32 to index
    %get3A_63 = arith.constant 256 : index
    %get3A_64 = tpu.vector_load %arg4[%get3A_62, %get3A_63] {strides = array<i32>} : memref<8x512xf32, #tpu.memory_space<vmem>>, vector<16xf32>,
    %masked_sort3A_65 = arith.constant dense<true> : vector<16xi1>
    %masked_sort3A_66, %masked_sort3A_67, %masked_sort3A_68 = tpu.sort %get3A_60, %get3A_64 masked %masked_sort3A_65 {descending = true} : (vector<16xf32>, vector<16xf32>, vector<16xi1>) -> (vector<16xi1>, vector<16xf32>, vector<16xf32>)
    %le3A_69 = arith.cmpf ole, %broadcast_in_dim3A_13, %masked_sort3A_67 : vector<16xf32>
    %select_n3A_70 = arith.select %le3A_69, %broadcast_in_dim3A_13, %masked_sort3A_67 : vector<16xi1>, vector<16xf32>
    %select_n3A_71 = arith.select %le3A_69, %broadcast_in_dim3A_29, %masked_sort3A_68 : vector<16xi1>, vector<16xf32>
    %masked_sort3A_72 = arith.constant dense<true> : vector<16xi1>
    %masked_sort3A_73, %masked_sort3A_74, %masked_sort3A_75 = tpu.sort %select_n3A_70, %select_n3A_71 masked %masked_sort3A_72 : (vector<16xf32>, vector<16xf32>, vector<16xi1>) -> (vector<16xi1>, vector<16xf32>, vector<16xf32>)
    %get3A_76 = arith.constant 2 : i32
    %get3A_77 = arith.index_cast %get3A_76 : i32 to index
    %get3A_78 = arith.constant 0 : index
    %get3A_79 = tpu.vector_load %arg4[%get3A_77, %get3A_78] {strides = array<i32>} : memref<8x512xf32, #tpu.memory_space<vmem>>, vector<16xf32>,
    %get3A_80 = arith.constant 2 : i32
    %get3A_81 = arith.index_cast %get3A_80 : i32 to index
    %get3A_82 = arith.constant 256 : index
    %get3A_83 = tpu.vector_load %arg4[%get3A_81, %get3A_82] {strides = array<i32>} : memref<8x512xf32, #tpu.memory_space<vmem>>, vector<16xf32>,
    %masked_sort3A_84 = arith.constant dense<true> : vector<16xi1>
    %masked_sort3A_85, %masked_sort3A_86, %masked_sort3A_87 = tpu.sort %get3A_79, %get3A_83 masked %masked_sort3A_84 {descending = true} : (vector<16xf32>, vector<16xf32>, vector<16xi1>) -> (vector<16xi1>, vector<16xf32>, vector<16xf32>)
    %le3A_88 = arith.cmpf ole, %broadcast_in_dim3A_15, %masked_sort3A_86 : vector<16xf32>
    %select_n3A_89 = arith.select %le3A_88, %broadcast_in_dim3A_15, %masked_sort3A_86 : vector<16xi1>, vector<16xf32>
    %select_n3A_90 = arith.select %le3A_88, %broadcast_in_dim3A_31, %masked_sort3A_87 : vector<16xi1>, vector<16xf32>
    %masked_sort3A_91 = arith.constant dense<true> : vector<16xi1>
    %masked_sort3A_92, %masked_sort3A_93, %masked_sort3A_94 = tpu.sort %select_n3A_89, %select_n3A_90 masked %masked_sort3A_91 : (vector<16xf32>, vector<16xf32>, vector<16xi1>) -> (vector<16xi1>, vector<16xf32>, vector<16xf32>)
    %get3A_95 = arith.constant 3 : i32
    %get3A_96 = arith.index_cast %get3A_95 : i32 to index
    %get3A_97 = arith.constant 0 : index
    %get3A_98 = tpu.vector_load %arg4[%get3A_96, %get3A_97] {strides = array<i32>} : memref<8x512xf32, #tpu.memory_space<vmem>>, vector<16xf32>,
    %get3A_99 = arith.constant 3 : i32
    %get3A_100 = arith.index_cast %get3A_99 : i32 to index
    %get3A_101 = arith.constant 256 : index
    %get3A_102 = tpu.vector_load %arg4[%get3A_100, %get3A_101] {strides = array<i32>} : memref<8x512xf32, #tpu.memory_space<vmem>>, vector<16xf32>,
    %masked_sort3A_103 = arith.constant dense<true> : vector<16xi1>
    %masked_sort3A_104, %masked_sort3A_105, %masked_sort3A_106 = tpu.sort %get3A_98, %get3A_102 masked %masked_sort3A_103 {descending = true} : (vector<16xf32>, vector<16xf32>, vector<16xi1>) -> (vector<16xi1>, vector<16xf32>, vector<16xf32>)
    %le3A_107 = arith.cmpf ole, %broadcast_in_dim3A_17, %masked_sort3A_105 : vector<16xf32>
    %select_n3A_108 = arith.select %le3A_107, %broadcast_in_dim3A_17, %masked_sort3A_105 : vector<16xi1>, vector<16xf32>
    %select_n3A_109 = arith.select %le3A_107, %broadcast_in_dim3A_33, %masked_sort3A_106 : vector<16xi1>, vector<16xf32>
    %masked_sort3A_110 = arith.constant dense<true> : vector<16xi1>
    %masked_sort3A_111, %masked_sort3A_112, %masked_sort3A_113 = tpu.sort %select_n3A_108, %select_n3A_109 masked %masked_sort3A_110 : (vector<16xf32>, vector<16xf32>, vector<16xi1>) -> (vector<16xi1>, vector<16xf32>, vector<16xf32>)
    %get3A_114 = arith.constant 4 : i32
    %get3A_115 = arith.index_cast %get3A_114 : i32 to index
    %get3A_116 = arith.constant 0 : index
    %get3A_117 = tpu.vector_load %arg4[%get3A_115, %get3A_116] {strides = array<i32>} : memref<8x512xf32, #tpu.memory_space<vmem>>, vector<16xf32>,
    %get3A_118 = arith.constant 4 : i32
    %get3A_119 = arith.index_cast %get3A_118 : i32 to index
    %get3A_120 = arith.constant 256 : index
    %get3A_121 = tpu.vector_load %arg4[%get3A_119, %get3A_120] {strides = array<i32>} : memref<8x512xf32, #tpu.memory_space<vmem>>, vector<16xf32>,
    %masked_sort3A_122 = arith.constant dense<true> : vector<16xi1>
    %masked_sort3A_123, %masked_sort3A_124, %masked_sort3A_125 = tpu.sort %get3A_117, %get3A_121 masked %masked_sort3A_122 {descending = true} : (vector<16xf32>, vector<16xf32>, vector<16xi1>) -> (vector<16xi1>, vector<16xf32>, vector<16xf32>)
    %le3A_126 = arith.cmpf ole, %broadcast_in_dim3A_19, %masked_sort3A_124 : vector<16xf32>
    %select_n3A_127 = arith.select %le3A_126, %broadcast_in_dim3A_19, %masked_sort3A_124 : vector<16xi1>, vector<16xf32>
    %select_n3A_128 = arith.select %le3A_126, %broadcast_in_dim3A_35, %masked_sort3A_125 : vector<16xi1>, vector<16xf32>
    %masked_sort3A_129 = arith.constant dense<true> : vector<16xi1>
    %masked_sort3A_130, %masked_sort3A_131, %masked_sort3A_132 = tpu.sort %select_n3A_127, %select_n3A_128 masked %masked_sort3A_129 : (vector<16xf32>, vector<16xf32>, vector<16xi1>) -> (vector<16xi1>, vector<16xf32>, vector<16xf32>)
    %get3A_133 = arith.constant 5 : i32
    %get3A_134 = arith.index_cast %get3A_133 : i32 to index
    %get3A_135 = arith.constant 0 : index
    %get3A_136 = tpu.vector_load %arg4[%get3A_134, %get3A_135] {strides = array<i32>} : memref<8x512xf32, #tpu.memory_space<vmem>>, vector<16xf32>,
    %get3A_137 = arith.constant 5 : i32
    %get3A_138 = arith.index_cast %get3A_137 : i32 to index
    %get3A_139 = arith.constant 256 : index
    %get3A_140 = tpu.vector_load %arg4[%get3A_138, %get3A_139] {strides = array<i32>} : memref<8x512xf32, #tpu.memory_space<vmem>>, vector<16xf32>,
    %masked_sort3A_141 = arith.constant dense<true> : vector<16xi1>
    %masked_sort3A_142, %masked_sort3A_143, %masked_sort3A_144 = tpu.sort %get3A_136, %get3A_140 masked %masked_sort3A_141 {descending = true} : (vector<16xf32>, vector<16xf32>, vector<16xi1>) -> (vector<16xi1>, vector<16xf32>, vector<16xf32>)
    %le3A_145 = arith.cmpf ole, %broadcast_in_dim3A_21, %masked_sort3A_143 : vector<16xf32>
    %select_n3A_146 = arith.select %le3A_145, %broadcast_in_dim3A_21, %masked_sort3A_143 : vector<16xi1>, vector<16xf32>
    %select_n3A_147 = arith.select %le3A_145, %broadcast_in_dim3A_37, %masked_sort3A_144 : vector<16xi1>, vector<16xf32>
    %masked_sort3A_148 = arith.constant dense<true> : vector<16xi1>
    %masked_sort3A_149, %masked_sort3A_150, %masked_sort3A_151 = tpu.sort %select_n3A_146, %select_n3A_147 masked %masked_sort3A_148 : (vector<16xf32>, vector<16xf32>, vector<16xi1>) -> (vector<16xi1>, vector<16xf32>, vector<16xf32>)
    %get3A_152 = arith.constant 6 : i32
    %get3A_153 = arith.index_cast %get3A_152 : i32 to index
    %get3A_154 = arith.constant 0 : index
    %get3A_155 = tpu.vector_load %arg4[%get3A_153, %get3A_154] {strides = array<i32>} : memref<8x512xf32, #tpu.memory_space<vmem>>, vector<16xf32>,
    %get3A_156 = arith.constant 6 : i32
    %get3A_157 = arith.index_cast %get3A_156 : i32 to index
    %get3A_158 = arith.constant 256 : index
    %get3A_159 = tpu.vector_load %arg4[%get3A_157, %get3A_158] {strides = array<i32>} : memref<8x512xf32, #tpu.memory_space<vmem>>, vector<16xf32>,
    %masked_sort3A_160 = arith.constant dense<true> : vector<16xi1>
    %masked_sort3A_161, %masked_sort3A_162, %masked_sort3A_163 = tpu.sort %get3A_155, %get3A_159 masked %masked_sort3A_160 {descending = true} : (vector<16xf32>, vector<16xf32>, vector<16xi1>) -> (vector<16xi1>, vector<16xf32>, vector<16xf32>)
    %le3A_164 = arith.cmpf ole, %broadcast_in_dim3A_23, %masked_sort3A_162 : vector<16xf32>
    %select_n3A_165 = arith.select %le3A_164, %broadcast_in_dim3A_23, %masked_sort3A_162 : vector<16xi1>, vector<16xf32>
    %select_n3A_166 = arith.select %le3A_164, %broadcast_in_dim3A_39, %masked_sort3A_163 : vector<16xi1>, vector<16xf32>
    %masked_sort3A_167 = arith.constant dense<true> : vector<16xi1>
    %masked_sort3A_168, %masked_sort3A_169, %masked_sort3A_170 = tpu.sort %select_n3A_165, %select_n3A_166 masked %masked_sort3A_167 : (vector<16xf32>, vector<16xf32>, vector<16xi1>) -> (vector<16xi1>, vector<16xf32>, vector<16xf32>)
    %get3A_171 = arith.constant 7 : i32
    %get3A_172 = arith.index_cast %get3A_171 : i32 to index
    %get3A_173 = arith.constant 0 : index
    %get3A_174 = tpu.vector_load %arg4[%get3A_172, %get3A_173] {strides = array<i32>} : memref<8x512xf32, #tpu.memory_space<vmem>>, vector<16xf32>,
    %get3A_175 = arith.constant 7 : i32
    %get3A_176 = arith.index_cast %get3A_175 : i32 to index
    %get3A_177 = arith.constant 256 : index
    %get3A_178 = tpu.vector_load %arg4[%get3A_176, %get3A_177] {strides = array<i32>} : memref<8x512xf32, #tpu.memory_space<vmem>>, vector<16xf32>,
    %masked_sort3A_179 = arith.constant dense<true> : vector<16xi1>
    %masked_sort3A_180, %masked_sort3A_181, %masked_sort3A_182 = tpu.sort %get3A_174, %get3A_178 masked %masked_sort3A_179 {descending = true} : (vector<16xf32>, vector<16xf32>, vector<16xi1>) -> (vector<16xi1>, vector<16xf32>, vector<16xf32>)
    %le3A_183 = arith.cmpf ole, %broadcast_in_dim3A_25, %masked_sort3A_181 : vector<16xf32>
    %select_n3A_184 = arith.select %le3A_183, %broadcast_in_dim3A_25, %masked_sort3A_181 : vector<16xi1>, vector<16xf32>
    %select_n3A_185 = arith.select %le3A_183, %broadcast_in_dim3A_41, %masked_sort3A_182 : vector<16xi1>, vector<16xf32>
    %masked_sort3A_186 = arith.constant dense<true> : vector<16xi1>
    %masked_sort3A_187, %masked_sort3A_188, %masked_sort3A_189 = tpu.sort %select_n3A_184, %select_n3A_185 masked %masked_sort3A_186 : (vector<16xf32>, vector<16xf32>, vector<16xi1>) -> (vector<16xi1>, vector<16xf32>, vector<16xf32>)
    %get3A_190 = arith.constant 0 : i32
    %get3A_191 = arith.index_cast %get3A_190 : i32 to index
    %get3A_192 = arith.constant 16 : index
    %get3A_193 = tpu.vector_load %arg4[%get3A_191, %get3A_192] {strides = array<i32>} : memref<8x512xf32, #tpu.memory_space<vmem>>, vector<16xf32>,
    %get3A_194 = arith.constant 0 : i32
    %get3A_195 = arith.index_cast %get3A_194 : i32 to index
    %get3A_196 = arith.constant 272 : index
    %get3A_197 = tpu.vector_load %arg4[%get3A_195, %get3A_196] {strides = array<i32>} : memref<8x512xf32, #tpu.memory_space<vmem>>, vector<16xf32>,
    %masked_sort3A_198 = arith.constant dense<true> : vector<16xi1>
    %masked_sort3A_199, %masked_sort3A_200, %masked_sort3A_201 = tpu.sort %get3A_193, %get3A_197 masked %masked_sort3A_198 {descending = true} : (vector<16xf32>, vector<16xf32>, vector<16xi1>) -> (vector<16xi1>, vector<16xf32>, vector<16xf32>)
    %le3A_202 = arith.cmpf ole, %masked_sort3A_55, %masked_sort3A_200 : vector<16xf32>
    %select_n3A_203 = arith.select %le3A_202, %masked_sort3A_55, %masked_sort3A_200 : vector<16xi1>, vector<16xf32>
    %select_n3A_204 = arith.select %le3A_202, %masked_sort3A_56, %masked_sort3A_201 : vector<16xi1>, vector<16xf32>
    %masked_sort3A_205 = arith.constant dense<true> : vector<16xi1>
    %masked_sort3A_206, %masked_sort3A_207, %masked_sort3A_208 = tpu.sort %select_n3A_203, %select_n3A_204 masked %masked_sort3A_205 : (vector<16xf32>, vector<16xf32>, vector<16xi1>) -> (vector<16xi1>, vector<16xf32>, vector<16xf32>)
    %get3A_209 = arith.constant 1 : i32
    %get3A_210 = arith.index_cast %get3A_209 : i32 to index
    %get3A_211 = arith.constant 16 : index
    %get3A_212 = tpu.vector_load %arg4[%get3A_210, %get3A_211] {strides = array<i32>} : memref<8x512xf32, #tpu.memory_space<vmem>>, vector<16xf32>,
    %get3A_213 = arith.constant 1 : i32
    %get3A_214 = arith.index_cast %get3A_213 : i32 to index
    %get3A_215 = arith.constant 272 : index
    %get3A_216 = tpu.vector_load %arg4[%get3A_214, %get3A_215] {strides = array<i32>} : memref<8x512xf32, #tpu.memory_space<vmem>>, vector<16xf32>,
    %masked_sort3A_217 = arith.constant dense<true> : vector<16xi1>
    %masked_sort3A_218, %masked_sort3A_219, %masked_sort3A_220 = tpu.sort %get3A_212, %get3A_216 masked %masked_sort3A_217 {descending = true} : (vector<16xf32>, vector<16xf32>, vector<16xi1>) -> (vector<16xi1>, vector<16xf32>, vector<16xf32>)
    %le3A_221 = arith.cmpf ole, %masked_sort3A_74, %masked_sort3A_219 : vector<16xf32>
    %select_n3A_222 = arith.select %le3A_221, %masked_sort3A_74, %masked_sort3A_219 : vector<16xi1>, vector<16xf32>
    %select_n3A_223 = arith.select %le3A_221, %masked_sort3A_75, %masked_sort3A_220 : vector<16xi1>, vector<16xf32>
    %masked_sort3A_224 = arith.constant dense<true> : vector<16xi1>
    %masked_sort3A_225, %masked_sort3A_226, %masked_sort3A_227 = tpu.sort %select_n3A_222, %select_n3A_223 masked %masked_sort3A_224 : (vector<16xf32>, vector<16xf32>, vector<16xi1>) -> (vector<16xi1>, vector<16xf32>, vector<16xf32>)
    %get3A_228 = arith.constant 2 : i32
    %get3A_229 = arith.index_cast %get3A_228 : i32 to index
    %get3A_230 = arith.constant 16 : index
    %get3A_231 = tpu.vector_load %arg4[%get3A_229, %get3A_230] {strides = array<i32>} : memref<8x512xf32, #tpu.memory_space<vmem>>, vector<16xf32>,
    %get3A_232 = arith.constant 2 : i32
    %get3A_233 = arith.index_cast %get3A_232 : i32 to index
    %get3A_234 = arith.constant 272 : index
    %get3A_235 = tpu.vector_load %arg4[%get3A_233, %get3A_234] {strides = array<i32>} : memref<8x512xf32, #tpu.memory_space<vmem>>, vector<16xf32>,
    %masked_sort3A_236 = arith.constant dense<true> : vector<16xi1>
    %masked_sort3A_237, %masked_sort3A_238, %masked_sort3A_239 = tpu.sort %get3A_231, %get3A_235 masked %masked_sort3A_236 {descending = true} : (vector<16xf32>, vector<16xf32>, vector<16xi1>) -> (vector<16xi1>, vector<16xf32>, vector<16xf32>)
    %le3A_240 = arith.cmpf ole, %masked_sort3A_93, %masked_sort3A_238 : vector<16xf32>
    %select_n3A_241 = arith.select %le3A_240, %masked_sort3A_93, %masked_sort3A_238 : vector<16xi1>, vector<16xf32>
    %select_n3A_242 = arith.select %le3A_240, %masked_sort3A_94, %masked_sort3A_239 : vector<16xi1>, vector<16xf32>
    %masked_sort3A_243 = arith.constant dense<true> : vector<16xi1>
    %masked_sort3A_244, %masked_sort3A_245, %masked_sort3A_246 = tpu.sort %select_n3A_241, %select_n3A_242 masked %masked_sort3A_243 : (vector<16xf32>, vector<16xf32>, vector<16xi1>) -> (vector<16xi1>, vector<16xf32>, vector<16xf32>)
    %get3A_247 = arith.constant 3 : i32
    %get3A_248 = arith.index_cast %get3A_247 : i32 to index
    %get3A_249 = arith.constant 16 : index
    %get3A_250 = tpu.vector_load %arg4[%get3A_248, %get3A_249] {strides = array<i32>} : memref<8x512xf32, #tpu.memory_space<vmem>>, vector<16xf32>,
    %get3A_251 = arith.constant 3 : i32
    %get3A_252 = arith.index_cast %get3A_251 : i32 to index
    %get3A_253 = arith.constant 272 : index
    %get3A_254 = tpu.vector_load %arg4[%get3A_252, %get3A_253] {strides = array<i32>} : memref<8x512xf32, #tpu.memory_space<vmem>>, vector<16xf32>,
    %masked_sort3A_255 = arith.constant dense<true> : vector<16xi1>
    %masked_sort3A_256, %masked_sort3A_257, %masked_sort3A_258 = tpu.sort %get3A_250, %get3A_254 masked %masked_sort3A_255 {descending = true} : (vector<16xf32>, vector<16xf32>, vector<16xi1>) -> (vector<16xi1>, vector<16xf32>, vector<16xf32>)
    %le3A_259 = arith.cmpf ole, %masked_sort3A_112, %masked_sort3A_257 : vector<16xf32>
    %select_n3A_260 = arith.select %le3A_259, %masked_sort3A_112, %masked_sort3A_257 : vector<16xi1>, vector<16xf32>
    %select_n3A_261 = arith.select %le3A_259, %masked_sort3A_113, %masked_sort3A_258 : vector<16xi1>, vector<16xf32>
    %masked_sort3A_262 = arith.constant dense<true> : vector<16xi1>
    %masked_sort3A_263, %masked_sort3A_264, %masked_sort3A_265 = tpu.sort %select_n3A_260, %select_n3A_261 masked %masked_sort3A_262 : (vector<16xf32>, vector<16xf32>, vector<16xi1>) -> (vector<16xi1>, vector<16xf32>, vector<16xf32>)
    %get3A_266 = arith.constant 4 : i32
    %get3A_267 = arith.index_cast %get3A_266 : i32 to index
    %get3A_268 = arith.constant 16 : index
    %get3A_269 = tpu.vector_load %arg4[%get3A_267, %get3A_268] {strides = array<i32>} : memref<8x512xf32, #tpu.memory_space<vmem>>, vector<16xf32>,
    %get3A_270 = arith.constant 4 : i32
    %get3A_271 = arith.index_cast %get3A_270 : i32 to index
    %get3A_272 = arith.constant 272 : index
    %get3A_273 = tpu.vector_load %arg4[%get3A_271, %get3A_272] {strides = array<i32>} : memref<8x512xf32, #tpu.memory_space<vmem>>, vector<16xf32>,
    %masked_sort3A_274 = arith.constant dense<true> : vector<16xi1>
    %masked_sort3A_275, %masked_sort3A_276, %masked_sort3A_277 = tpu.sort %get3A_269, %get3A_273 masked %masked_sort3A_274 {descending = true} : (vector<16xf32>, vector<16xf32>, vector<16xi1>) -> (vector<16xi1>, vector<16xf32>, vector<16xf32>)
    %le3A_278 = arith.cmpf ole, %masked_sort3A_131, %masked_sort3A_276 : vector<16xf32>
    %select_n3A_279 = arith.select %le3A_278, %masked_sort3A_131, %masked_sort3A_276 : vector<16xi1>, vector<16xf32>
    %select_n3A_280 = arith.select %le3A_278, %masked_sort3A_132, %masked_sort3A_277 : vector<16xi1>, vector<16xf32>
    %masked_sort3A_281 = arith.constant dense<true> : vector<16xi1>
    %masked_sort3A_282, %masked_sort3A_283, %masked_sort3A_284 = tpu.sort %select_n3A_279, %select_n3A_280 masked %masked_sort3A_281 : (vector<16xf32>, vector<16xf32>, vector<16xi1>) -> (vector<16xi1>, vector<16xf32>, vector<16xf32>)
    %get3A_285 = arith.constant 5 : i32
    %get3A_286 = arith.index_cast %get3A_285 : i32 to index
    %get3A_287 = arith.constant 16 : index
    %get3A_288 = tpu.vector_load %arg4[%get3A_286, %get3A_287] {strides = array<i32>} : memref<8x512xf32, #tpu.memory_space<vmem>>, vector<16xf32>,
    %get3A_289 = arith.constant 5 : i32
    %get3A_290 = arith.index_cast %get3A_289 : i32 to index
    %get3A_291 = arith.constant 272 : index
    %get3A_292 = tpu.vector_load %arg4[%get3A_290, %get3A_291] {strides = array<i32>} : memref<8x512xf32, #tpu.memory_space<vmem>>, vector<16xf32>,
    %masked_sort3A_293 = arith.constant dense<true> : vector<16xi1>
    %masked_sort3A_294, %masked_sort3A_295, %masked_sort3A_296 = tpu.sort %get3A_288, %get3A_292 masked %masked_sort3A_293 {descending = true} : (vector<16xf32>, vector<16xf32>, vector<16xi1>) -> (vector<16xi1>, vector<16xf32>, vector<16xf32>)
    %le3A_297 = arith.cmpf ole, %masked_sort3A_150, %masked_sort3A_295 : vector<16xf32>
    %select_n3A_298 = arith.select %le3A_297, %masked_sort3A_150, %masked_sort3A_295 : vector<16xi1>, vector<16xf32>
    %select_n3A_299 = arith.select %le3A_297, %masked_sort3A_151, %masked_sort3A_296 : vector<16xi1>, vector<16xf32>
    %masked_sort3A_300 = arith.constant dense<true> : vector<16xi1>
    %masked_sort3A_301, %masked_sort3A_302, %masked_sort3A_303 = tpu.sort %select_n3A_298, %select_n3A_299 masked %masked_sort3A_300 : (vector<16xf32>, vector<16xf32>, vector<16xi1>) -> (vector<16xi1>, vector<16xf32>, vector<16xf32>)
    %get3A_304 = arith.constant 6 : i32
    %get3A_305 = arith.index_cast %get3A_304 : i32 to index
    %get3A_306 = arith.constant 16 : index
    %get3A_307 = tpu.vector_load %arg4[%get3A_305, %get3A_306] {strides = array<i32>} : memref<8x512xf32, #tpu.memory_space<vmem>>, vector<16xf32>,
    %get3A_308 = arith.constant 6 : i32
    %get3A_309 = arith.index_cast %get3A_308 : i32 to index
    %get3A_310 = arith.constant 272 : index
    %get3A_311 = tpu.vector_load %arg4[%get3A_309, %get3A_310] {strides = array<i32>} : memref<8x512xf32, #tpu.memory_space<vmem>>, vector<16xf32>,
    %masked_sort3A_312 = arith.constant dense<true> : vector<16xi1>
    %masked_sort3A_313, %masked_sort3A_314, %masked_sort3A_315 = tpu.sort %get3A_307, %get3A_311 masked %masked_sort3A_312 {descending = true} : (vector<16xf32>, vector<16xf32>, vector<16xi1>) -> (vector<16xi1>, vector<16xf32>, vector<16xf32>)
    %le3A_316 = arith.cmpf ole, %masked_sort3A_169, %masked_sort3A_314 : vector<16xf32>
    %select_n3A_317 = arith.select %le3A_316, %masked_sort3A_169, %masked_sort3A_314 : vector<16xi1>, vector<16xf32>
    %select_n3A_318 = arith.select %le3A_316, %masked_sort3A_170, %masked_sort3A_315 : vector<16xi1>, vector<16xf32>
    %masked_sort3A_319 = arith.constant dense<true> : vector<16xi1>
    %masked_sort3A_320, %masked_sort3A_321, %masked_sort3A_322 = tpu.sort %select_n3A_317, %select_n3A_318 masked %masked_sort3A_319 : (vector<16xf32>, vector<16xf32>, vector<16xi1>) -> (vector<16xi1>, vector<16xf32>, vector<16xf32>)
    %get3A_323 = arith.constant 7 : i32
    %get3A_324 = arith.index_cast %get3A_323 : i32 to index
    %get3A_325 = arith.constant 16 : index
    %get3A_326 = tpu.vector_load %arg4[%get3A_324, %get3A_325] {strides = array<i32>} : memref<8x512xf32, #tpu.memory_space<vmem>>, vector<16xf32>,
    %get3A_327 = arith.constant 7 : i32
    %get3A_328 = arith.index_cast %get3A_327 : i32 to index
    %get3A_329 = arith.constant 272 : index
    %get3A_330 = tpu.vector_load %arg4[%get3A_328, %get3A_329] {strides = array<i32>} : memref<8x512xf32, #tpu.memory_space<vmem>>, vector<16xf32>,
    %masked_sort3A_331 = arith.constant dense<true> : vector<16xi1>
    %masked_sort3A_332, %masked_sort3A_333, %masked_sort3A_334 = tpu.sort %get3A_326, %get3A_330 masked %masked_sort3A_331 {descending = true} : (vector<16xf32>, vector<16xf32>, vector<16xi1>) -> (vector<16xi1>, vector<16xf32>, vector<16xf32>)
    %le3A_335 = arith.cmpf ole, %masked_sort3A_188, %masked_sort3A_333 : vector<16xf32>
    %select_n3A_336 = arith.select %le3A_335, %masked_sort3A_188, %masked_sort3A_333 : vector<16xi1>, vector<16xf32>
    %select_n3A_337 = arith.select %le3A_335, %masked_sort3A_189, %masked_sort3A_334 : vector<16xi1>, vector<16xf32>
    %masked_sort3A_338 = arith.constant dense<true> : vector<16xi1>
    %masked_sort3A_339, %masked_sort3A_340, %masked_sort3A_341 = tpu.sort %select_n3A_336, %select_n3A_337 masked %masked_sort3A_338 : (vector<16xf32>, vector<16xf32>, vector<16xi1>) -> (vector<16xi1>, vector<16xf32>, vector<16xf32>)
    %get3A_342 = arith.constant 0 : i32
    %get3A_343 = arith.index_cast %get3A_342 : i32 to index
    %get3A_344 = arith.constant 32 : index
    %get3A_345 = tpu.vector_load %arg4[%get3A_343, %get3A_344] {strides = array<i32>} : memref<8x512xf32, #tpu.memory_space<vmem>>, vector<16xf32>,
    %get3A_346 = arith.constant 0 : i32
    %get3A_347 = arith.index_cast %get3A_346 : i32 to index
    %get3A_348 = arith.constant 288 : index
    %get3A_349 = tpu.vector_load %arg4[%get3A_347, %get3A_348] {strides = array<i32>} : memref<8x512xf32, #tpu.memory_space<vmem>>, vector<16xf32>,
    %masked_sort3A_350 = arith.constant dense<true> : vector<16xi1>
    %masked_sort3A_351, %masked_sort3A_352, %masked_sort3A_353 = tpu.sort %get3A_345, %get3A_349 masked %masked_sort3A_350 {descending = true} : (vector<16xf32>, vector<16xf32>, vector<16xi1>) -> (vector<16xi1>, vector<16xf32>, vector<16xf32>)
    %le3A_354 = arith.cmpf ole, %masked_sort3A_207, %masked_sort3A_352 : vector<16xf32>
    %select_n3A_355 = arith.select %le3A_354, %masked_sort3A_207, %masked_sort3A_352 : vector<16xi1>, vector<16xf32>
    %select_n3A_356 = arith.select %le3A_354, %masked_sort3A_208, %masked_sort3A_353 : vector<16xi1>, vector<16xf32>
    %masked_sort3A_357 = arith.constant dense<true> : vector<16xi1>
    %masked_sort3A_358, %masked_sort3A_359, %masked_sort3A_360 = tpu.sort %select_n3A_355, %select_n3A_356 masked %masked_sort3A_357 : (vector<16xf32>, vector<16xf32>, vector<16xi1>) -> (vector<16xi1>, vector<16xf32>, vector<16xf32>)
    %get3A_361 = arith.constant 1 : i32
    %get3A_362 = arith.index_cast %get3A_361 : i32 to index
    %get3A_363 = arith.constant 32 : index
    %get3A_364 = tpu.vector_load %arg4[%get3A_362, %get3A_363] {strides = array<i32>} : memref<8x512xf32, #tpu.memory_space<vmem>>, vector<16xf32>,
    %get3A_365 = arith.constant 1 : i32
    %get3A_366 = arith.index_cast %get3A_365 : i32 to index
    %get3A_367 = arith.constant 288 : index
    %get3A_368 = tpu.vector_load %arg4[%get3A_366, %get3A_367] {strides = array<i32>} : memref<8x512xf32, #tpu.memory_space<vmem>>, vector<16xf32>,
    %masked_sort3A_369 = arith.constant dense<true> : vector<16xi1>
    %masked_sort3A_370, %masked_sort3A_371, %masked_sort3A_372 = tpu.sort %get3A_364, %get3A_368 masked %masked_sort3A_369 {descending = true} : (vector<16xf32>, vector<16xf32>, vector<16xi1>) -> (vector<16xi1>, vector<16xf32>, vector<16xf32>)
    %le3A_373 = arith.cmpf ole, %masked_sort3A_226, %masked_sort3A_371 : vector<16xf32>
    %select_n3A_374 = arith.select %le3A_373, %masked_sort3A_226, %masked_sort3A_371 : vector<16xi1>, vector<16xf32>
    %select_n3A_375 = arith.select %le3A_373, %masked_sort3A_227, %masked_sort3A_372 : vector<16xi1>, vector<16xf32>
    %masked_sort3A_376 = arith.constant dense<true> : vector<16xi1>
    %masked_sort3A_377, %masked_sort3A_378, %masked_sort3A_379 = tpu.sort %select_n3A_374, %select_n3A_375 masked %masked_sort3A_376 : (vector<16xf32>, vector<16xf32>, vector<16xi1>) -> (vector<16xi1>, vector<16xf32>, vector<16xf32>)
    %get3A_380 = arith.constant 2 : i32
    %get3A_381 = arith.index_cast %get3A_380 : i32 to index
    %get3A_382 = arith.constant 32 : index
    %get3A_383 = tpu.vector_load %arg4[%get3A_381, %get3A_382] {strides = array<i32>} : memref<8x512xf32, #tpu.memory_space<vmem>>, vector<16xf32>,
    %get3A_384 = arith.constant 2 : i32
    %get3A_385 = arith.index_cast %get3A_384 : i32 to index
    %get3A_386 = arith.constant 288 : index
    %get3A_387 = tpu.vector_load %arg4[%get3A_385, %get3A_386] {strides = array<i32>} : memref<8x512xf32, #tpu.memory_space<vmem>>, vector<16xf32>,
    %masked_sort3A_388 = arith.constant dense<true> : vector<16xi1>
    %masked_sort3A_389, %masked_sort3A_390, %masked_sort3A_391 = tpu.sort %get3A_383, %get3A_387 masked %masked_sort3A_388 {descending = true} : (vector<16xf32>, vector<16xf32>, vector<16xi1>) -> (vector<16xi1>, vector<16xf32>, vector<16xf32>)
    %le3A_392 = arith.cmpf ole, %masked_sort3A_245, %masked_sort3A_390 : vector<16xf32>
    %select_n3A_393 = arith.select %le3A_392, %masked_sort3A_245, %masked_sort3A_390 : vector<16xi1>, vector<16xf32>
    %select_n3A_394 = arith.select %le3A_392, %masked_sort3A_246, %masked_sort3A_391 : vector<16xi1>, vector<16xf32>
    %masked_sort3A_395 = arith.constant dense<true> : vector<16xi1>
    %masked_sort3A_396, %masked_sort3A_397, %masked_sort3A_398 = tpu.sort %select_n3A_393, %select_n3A_394 masked %masked_sort3A_395 : (vector<16xf32>, vector<16xf32>, vector<16xi1>) -> (vector<16xi1>, vector<16xf32>, vector<16xf32>)
    %get3A_399 = arith.constant 3 : i32
    %get3A_400 = arith.index_cast %get3A_399 : i32 to index
    %get3A_401 = arith.constant 32 : index
    %get3A_402 = tpu.vector_load %arg4[%get3A_400, %get3A_401] {strides = array<i32>} : memref<8x512xf32, #tpu.memory_space<vmem>>, vector<16xf32>,
    %get3A_403 = arith.constant 3 : i32
    %get3A_404 = arith.index_cast %get3A_403 : i32 to index
    %get3A_405 = arith.constant 288 : index
    %get3A_406 = tpu.vector_load %arg4[%get3A_404, %get3A_405] {strides = array<i32>} : memref<8x512xf32, #tpu.memory_space<vmem>>, vector<16xf32>,
    %masked_sort3A_407 = arith.constant dense<true> : vector<16xi1>
    %masked_sort3A_408, %masked_sort3A_409, %masked_sort3A_410 = tpu.sort %get3A_402, %get3A_406 masked %masked_sort3A_407 {descending = true} : (vector<16xf32>, vector<16xf32>, vector<16xi1>) -> (vector<16xi1>, vector<16xf32>, vector<16xf32>)
    %le3A_411 = arith.cmpf ole, %masked_sort3A_264, %masked_sort3A_409 : vector<16xf32>
    %select_n3A_412 = arith.select %le3A_411, %masked_sort3A_264, %masked_sort3A_409 : vector<16xi1>, vector<16xf32>
    %select_n3A_413 = arith.select %le3A_411, %masked_sort3A_265, %masked_sort3A_410 : vector<16xi1>, vector<16xf32>
    %masked_sort3A_414 = arith.constant dense<true> : vector<16xi1>
    %masked_sort3A_415, %masked_sort3A_416, %masked_sort3A_417 = tpu.sort %select_n3A_412, %select_n3A_413 masked %masked_sort3A_414 : (vector<16xf32>, vector<16xf32>, vector<16xi1>) -> (vector<16xi1>, vector<16xf32>, vector<16xf32>)
    %get3A_418 = arith.constant 4 : i32
    %get3A_419 = arith.index_cast %get3A_418 : i32 to index
    %get3A_420 = arith.constant 32 : index
    %get3A_421 = tpu.vector_load %arg4[%get3A_419, %get3A_420] {strides = array<i32>} : memref<8x512xf32, #tpu.memory_space<vmem>>, vector<16xf32>,
    %get3A_422 = arith.constant 4 : i32
    %get3A_423 = arith.index_cast %get3A_422 : i32 to index
    %get3A_424 = arith.constant 288 : index
    %get3A_425 = tpu.vector_load %arg4[%get3A_423, %get3A_424] {strides = array<i32>} : memref<8x512xf32, #tpu.memory_space<vmem>>, vector<16xf32>,
    %masked_sort3A_426 = arith.constant dense<true> : vector<16xi1>
    %masked_sort3A_427, %masked_sort3A_428, %masked_sort3A_429 = tpu.sort %get3A_421, %get3A_425 masked %masked_sort3A_426 {descending = true} : (vector<16xf32>, vector<16xf32>, vector<16xi1>) -> (vector<16xi1>, vector<16xf32>, vector<16xf32>)
    %le3A_430 = arith.cmpf ole, %masked_sort3A_283, %masked_sort3A_428 : vector<16xf32>
    %select_n3A_431 = arith.select %le3A_430, %masked_sort3A_283, %masked_sort3A_428 : vector<16xi1>, vector<16xf32>
    %select_n3A_432 = arith.select %le3A_430, %masked_sort3A_284, %masked_sort3A_429 : vector<16xi1>, vector<16xf32>
    %masked_sort3A_433 = arith.constant dense<true> : vector<16xi1>
    %masked_sort3A_434, %masked_sort3A_435, %masked_sort3A_436 = tpu.sort %select_n3A_431, %select_n3A_432 masked %masked_sort3A_433 : (vector<16xf32>, vector<16xf32>, vector<16xi1>) -> (vector<16xi1>, vector<16xf32>, vector<16xf32>)
    %get3A_437 = arith.constant 5 : i32
    %get3A_438 = arith.index_cast %get3A_437 : i32 to index
    %get3A_439 = arith.constant 32 : index
    %get3A_440 = tpu.vector_load %arg4[%get3A_438, %get3A_439] {strides = array<i32>} : memref<8x512xf32, #tpu.memory_space<vmem>>, vector<16xf32>,
    %get3A_441 = arith.constant 5 : i32
    %get3A_442 = arith.index_cast %get3A_441 : i32 to index
    %get3A_443 = arith.constant 288 : index
    %get3A_444 = tpu.vector_load %arg4[%get3A_442, %get3A_443] {strides = array<i32>} : memref<8x512xf32, #tpu.memory_space<vmem>>, vector<16xf32>,
    %masked_sort3A_445 = arith.constant dense<true> : vector<16xi1>
    %masked_sort3A_446, %masked_sort3A_447, %masked_sort3A_448 = tpu.sort %get3A_440, %get3A_444 masked %masked_sort3A_445 {descending = true} : (vector<16xf32>, vector<16xf32>, vector<16xi1>) -> (vector<16xi1>, vector<16xf32>, vector<16xf32>)
    %le3A_449 = arith.cmpf ole, %masked_sort3A_302, %masked_sort3A_447 : vector<16xf32>
    %select_n3A_450 = arith.select %le3A_449, %masked_sort3A_302, %masked_sort3A_447 : vector<16xi1>, vector<16xf32>
    %select_n3A_451 = arith.select %le3A_449, %masked_sort3A_303, %masked_sort3A_448 : vector<16xi1>, vector<16xf32>
    %masked_sort3A_452 = arith.constant dense<true> : vector<16xi1>
    %masked_sort3A_453, %masked_sort3A_454, %masked_sort3A_455 = tpu.sort %select_n3A_450, %select_n3A_451 masked %masked_sort3A_452 : (vector<16xf32>, vector<16xf32>, vector<16xi1>) -> (vector<16xi1>, vector<16xf32>, vector<16xf32>)
    %get3A_456 = arith.constant 6 : i32
    %get3A_457 = arith.index_cast %get3A_456 : i32 to index
    %get3A_458 = arith.constant 32 : index
    %get3A_459 = tpu.vector_load %arg4[%get3A_457, %get3A_458] {strides = array<i32>} : memref<8x512xf32, #tpu.memory_space<vmem>>, vector<16xf32>,
    %get3A_460 = arith.constant 6 : i32
    %get3A_461 = arith.index_cast %get3A_460 : i32 to index
    %get3A_462 = arith.constant 288 : index
    %get3A_463 = tpu.vector_load %arg4[%get3A_461, %get3A_462] {strides = array<i32>} : memref<8x512xf32, #tpu.memory_space<vmem>>, vector<16xf32>,
    %masked_sort3A_464 = arith.constant dense<true> : vector<16xi1>
    %masked_sort3A_465, %masked_sort3A_466, %masked_sort3A_467 = tpu.sort %get3A_459, %get3A_463 masked %masked_sort3A_464 {descending = true} : (vector<16xf32>, vector<16xf32>, vector<16xi1>) -> (vector<16xi1>, vector<16xf32>, vector<16xf32>)
    %le3A_468 = arith.cmpf ole, %masked_sort3A_321, %masked_sort3A_466 : vector<16xf32>
    %select_n3A_469 = arith.select %le3A_468, %masked_sort3A_321, %masked_sort3A_466 : vector<16xi1>, vector<16xf32>
    %select_n3A_470 = arith.select %le3A_468, %masked_sort3A_322, %masked_sort3A_467 : vector<16xi1>, vector<16xf32>
    %masked_sort3A_471 = arith.constant dense<true> : vector<16xi1>
    %masked_sort3A_472, %masked_sort3A_473, %masked_sort3A_474 = tpu.sort %select_n3A_469, %select_n3A_470 masked %masked_sort3A_471 : (vector<16xf32>, vector<16xf32>, vector<16xi1>) -> (vector<16xi1>, vector<16xf32>, vector<16xf32>)
    %get3A_475 = arith.constant 7 : i32
    %get3A_476 = arith.index_cast %get3A_475 : i32 to index
    %get3A_477 = arith.constant 32 : index
    %get3A_478 = tpu.vector_load %arg4[%get3A_476, %get3A_477] {strides = array<i32>} : memref<8x512xf32, #tpu.memory_space<vmem>>, vector<16xf32>,
    %get3A_479 = arith.constant 7 : i32
    %get3A_480 = arith.index_cast %get3A_479 : i32 to index
    %get3A_481 = arith.constant 288 : index
    %get3A_482 = tpu.vector_load %arg4[%get3A_480, %get3A_481] {strides = array<i32>} : memref<8x512xf32, #tpu.memory_space<vmem>>, vector<16xf32>,
    %masked_sort3A_483 = arith.constant dense<true> : vector<16xi1>
    %masked_sort3A_484, %masked_sort3A_485, %masked_sort3A_486 = tpu.sort %get3A_478, %get3A_482 masked %masked_sort3A_483 {descending = true} : (vector<16xf32>, vector<16xf32>, vector<16xi1>) -> (vector<16xi1>, vector<16xf32>, vector<16xf32>)
    %le3A_487 = arith.cmpf ole, %masked_sort3A_340, %masked_sort3A_485 : vector<16xf32>
    %select_n3A_488 = arith.select %le3A_487, %masked_sort3A_340, %masked_sort3A_485 : vector<16xi1>, vector<16xf32>
    %select_n3A_489 = arith.select %le3A_487, %masked_sort3A_341, %masked_sort3A_486 : vector<16xi1>, vector<16xf32>
    %masked_sort3A_490 = arith.constant dense<true> : vector<16xi1>
    %masked_sort3A_491, %masked_sort3A_492, %masked_sort3A_493 = tpu.sort %select_n3A_488, %select_n3A_489 masked %masked_sort3A_490 : (vector<16xf32>, vector<16xf32>, vector<16xi1>) -> (vector<16xi1>, vector<16xf32>, vector<16xf32>)
    %get3A_494 = arith.constant 0 : i32
    %get3A_495 = arith.index_cast %get3A_494 : i32 to index
    %get3A_496 = arith.constant 48 : index
    %get3A_497 = tpu.vector_load %arg4[%get3A_495, %get3A_496] {strides = array<i32>} : memref<8x512xf32, #tpu.memory_space<vmem>>, vector<16xf32>,
    %get3A_498 = arith.constant 0 : i32
    %get3A_499 = arith.index_cast %get3A_498 : i32 to index
    %get3A_500 = arith.constant 304 : index
    %get3A_501 = tpu.vector_load %arg4[%get3A_499, %get3A_500] {strides = array<i32>} : memref<8x512xf32, #tpu.memory_space<vmem>>, vector<16xf32>,
    %masked_sort3A_502 = arith.constant dense<true> : vector<16xi1>
    %masked_sort3A_503, %masked_sort3A_504, %masked_sort3A_505 = tpu.sort %get3A_497, %get3A_501 masked %masked_sort3A_502 {descending = true} : (vector<16xf32>, vector<16xf32>, vector<16xi1>) -> (vector<16xi1>, vector<16xf32>, vector<16xf32>)
    %le3A_506 = arith.cmpf ole, %masked_sort3A_359, %masked_sort3A_504 : vector<16xf32>
    %select_n3A_507 = arith.select %le3A_506, %masked_sort3A_359, %masked_sort3A_504 : vector<16xi1>, vector<16xf32>
    %select_n3A_508 = arith.select %le3A_506, %masked_sort3A_360, %masked_sort3A_505 : vector<16xi1>, vector<16xf32>
    %masked_sort3A_509 = arith.constant dense<true> : vector<16xi1>
    %masked_sort3A_510, %masked_sort3A_511, %masked_sort3A_512 = tpu.sort %select_n3A_507, %select_n3A_508 masked %masked_sort3A_509 : (vector<16xf32>, vector<16xf32>, vector<16xi1>) -> (vector<16xi1>, vector<16xf32>, vector<16xf32>)
    %get3A_513 = arith.constant 1 : i32
    %get3A_514 = arith.index_cast %get3A_513 : i32 to index
    %get3A_515 = arith.constant 48 : index
    %get3A_516 = tpu.vector_load %arg4[%get3A_514, %get3A_515] {strides = array<i32>} : memref<8x512xf32, #tpu.memory_space<vmem>>, vector<16xf32>,
    %get3A_517 = arith.constant 1 : i32
    %get3A_518 = arith.index_cast %get3A_517 : i32 to index
    %get3A_519 = arith.constant 304 : index
    %get3A_520 = tpu.vector_load %arg4[%get3A_518, %get3A_519] {strides = array<i32>} : memref<8x512xf32, #tpu.memory_space<vmem>>, vector<16xf32>,
    %masked_sort3A_521 = arith.constant dense<true> : vector<16xi1>
    %masked_sort3A_522, %masked_sort3A_523, %masked_sort3A_524 = tpu.sort %get3A_516, %get3A_520 masked %masked_sort3A_521 {descending = true} : (vector<16xf32>, vector<16xf32>, vector<16xi1>) -> (vector<16xi1>, vector<16xf32>, vector<16xf32>)
    %le3A_525 = arith.cmpf ole, %masked_sort3A_378, %masked_sort3A_523 : vector<16xf32>
    %select_n3A_526 = arith.select %le3A_525, %masked_sort3A_378, %masked_sort3A_523 : vector<16xi1>, vector<16xf32>
    %select_n3A_527 = arith.select %le3A_525, %masked_sort3A_379, %masked_sort3A_524 : vector<16xi1>, vector<16xf32>
    %masked_sort3A_528 = arith.constant dense<true> : vector<16xi1>
    %masked_sort3A_529, %masked_sort3A_530, %masked_sort3A_531 = tpu.sort %select_n3A_526, %select_n3A_527 masked %masked_sort3A_528 : (vector<16xf32>, vector<16xf32>, vector<16xi1>) -> (vector<16xi1>, vector<16xf32>, vector<16xf32>)
    %get3A_532 = arith.constant 2 : i32
    %get3A_533 = arith.index_cast %get3A_532 : i32 to index
    %get3A_534 = arith.constant 48 : index
    %get3A_535 = tpu.vector_load %arg4[%get3A_533, %get3A_534] {strides = array<i32>} : memref<8x512xf32, #tpu.memory_space<vmem>>, vector<16xf32>,
    %get3A_536 = arith.constant 2 : i32
    %get3A_537 = arith.index_cast %get3A_536 : i32 to index
    %get3A_538 = arith.constant 304 : index
    %get3A_539 = tpu.vector_load %arg4[%get3A_537, %get3A_538] {strides = array<i32>} : memref<8x512xf32, #tpu.memory_space<vmem>>, vector<16xf32>,
    %masked_sort3A_540 = arith.constant dense<true> : vector<16xi1>
    %masked_sort3A_541, %masked_sort3A_542, %masked_sort3A_543 = tpu.sort %get3A_535, %get3A_539 masked %masked_sort3A_540 {descending = true} : (vector<16xf32>, vector<16xf32>, vector<16xi1>) -> (vector<16xi1>, vector<16xf32>, vector<16xf32>)
    %le3A_544 = arith.cmpf ole, %masked_sort3A_397, %masked_sort3A_542 : vector<16xf32>
    %select_n3A_545 = arith.select %le3A_544, %masked_sort3A_397, %masked_sort3A_542 : vector<16xi1>, vector<16xf32>
    %select_n3A_546 = arith.select %le3A_544, %masked_sort3A_398, %masked_sort3A_543 : vector<16xi1>, vector<16xf32>
    %masked_sort3A_547 = arith.constant dense<true> : vector<16xi1>
    %masked_sort3A_548, %masked_sort3A_549, %masked_sort3A_550 = tpu.sort %select_n3A_545, %select_n3A_546 masked %masked_sort3A_547 : (vector<16xf32>, vector<16xf32>, vector<16xi1>) -> (vector<16xi1>, vector<16xf32>, vector<16xf32>)
    %get3A_551 = arith.constant 3 : i32
    %get3A_552 = arith.index_cast %get3A_551 : i32 to index
    %get3A_553 = arith.constant 48 : index
    %get3A_554 = tpu.vector_load %arg4[%get3A_552, %get3A_553] {strides = array<i32>} : memref<8x512xf32, #tpu.memory_space<vmem>>, vector<16xf32>,
    %get3A_555 = arith.constant 3 : i32
    %get3A_556 = arith.index_cast %get3A_555 : i32 to index
    %get3A_557 = arith.constant 304 : index
    %get3A_558 = tpu.vector_load %arg4[%get3A_556, %get3A_557] {strides = array<i32>} : memref<8x512xf32, #tpu.memory_space<vmem>>, vector<16xf32>,
    %masked_sort3A_559 = arith.constant dense<true> : vector<16xi1>
    %masked_sort3A_560, %masked_sort3A_561, %masked_sort3A_562 = tpu.sort %get3A_554, %get3A_558 masked %masked_sort3A_559 {descending = true} : (vector<16xf32>, vector<16xf32>, vector<16xi1>) -> (vector<16xi1>, vector<16xf32>, vector<16xf32>)
    %le3A_563 = arith.cmpf ole, %masked_sort3A_416, %masked_sort3A_561 : vector<16xf32>
    %select_n3A_564 = arith.select %le3A_563, %masked_sort3A_416, %masked_sort3A_561 : vector<16xi1>, vector<16xf32>
    %select_n3A_565 = arith.select %le3A_563, %masked_sort3A_417, %masked_sort3A_562 : vector<16xi1>, vector<16xf32>
    %masked_sort3A_566 = arith.constant dense<true> : vector<16xi1>
    %masked_sort3A_567, %masked_sort3A_568, %masked_sort3A_569 = tpu.sort %select_n3A_564, %select_n3A_565 masked %masked_sort3A_566 : (vector<16xf32>, vector<16xf32>, vector<16xi1>) -> (vector<16xi1>, vector<16xf32>, vector<16xf32>)
    %get3A_570 = arith.constant 4 : i32
    %get3A_571 = arith.index_cast %get3A_570 : i32 to index
    %get3A_572 = arith.constant 48 : index
    %get3A_573 = tpu.vector_load %arg4[%get3A_571, %get3A_572] {strides = array<i32>} : memref<8x512xf32, #tpu.memory_space<vmem>>, vector<16xf32>,
    %get3A_574 = arith.constant 4 : i32
    %get3A_575 = arith.index_cast %get3A_574 : i32 to index
    %get3A_576 = arith.constant 304 : index
    %get3A_577 = tpu.vector_load %arg4[%get3A_575, %get3A_576] {strides = array<i32>} : memref<8x512xf32, #tpu.memory_space<vmem>>, vector<16xf32>,
    %masked_sort3A_578 = arith.constant dense<true> : vector<16xi1>
    %masked_sort3A_579, %masked_sort3A_580, %masked_sort3A_581 = tpu.sort %get3A_573, %get3A_577 masked %masked_sort3A_578 {descending = true} : (vector<16xf32>, vector<16xf32>, vector<16xi1>) -> (vector<16xi1>, vector<16xf32>, vector<16xf32>)
    %le3A_582 = arith.cmpf ole, %masked_sort3A_435, %masked_sort3A_580 : vector<16xf32>
    %select_n3A_583 = arith.select %le3A_582, %masked_sort3A_435, %masked_sort3A_580 : vector<16xi1>, vector<16xf32>
    %select_n3A_584 = arith.select %le3A_582, %masked_sort3A_436, %masked_sort3A_581 : vector<16xi1>, vector<16xf32>
    %masked_sort3A_585 = arith.constant dense<true> : vector<16xi1>
    %masked_sort3A_586, %masked_sort3A_587, %masked_sort3A_588 = tpu.sort %select_n3A_583, %select_n3A_584 masked %masked_sort3A_585 : (vector<16xf32>, vector<16xf32>, vector<16xi1>) -> (vector<16xi1>, vector<16xf32>, vector<16xf32>)
    %get3A_589 = arith.constant 5 : i32
    %get3A_590 = arith.index_cast %get3A_589 : i32 to index
    %get3A_591 = arith.constant 48 : index
    %get3A_592 = tpu.vector_load %arg4[%get3A_590, %get3A_591] {strides = array<i32>} : memref<8x512xf32, #tpu.memory_space<vmem>>, vector<16xf32>,
    %get3A_593 = arith.constant 5 : i32
    %get3A_594 = arith.index_cast %get3A_593 : i32 to index
    %get3A_595 = arith.constant 304 : index
    %get3A_596 = tpu.vector_load %arg4[%get3A_594, %get3A_595] {strides = array<i32>} : memref<8x512xf32, #tpu.memory_space<vmem>>, vector<16xf32>,
    %masked_sort3A_597 = arith.constant dense<true> : vector<16xi1>
    %masked_sort3A_598, %masked_sort3A_599, %masked_sort3A_600 = tpu.sort %get3A_592, %get3A_596 masked %masked_sort3A_597 {descending = true} : (vector<16xf32>, vector<16xf32>, vector<16xi1>) -> (vector<16xi1>, vector<16xf32>, vector<16xf32>)
    %le3A_601 = arith.cmpf ole, %masked_sort3A_454, %masked_sort3A_599 : vector<16xf32>
    %select_n3A_602 = arith.select %le3A_601, %masked_sort3A_454, %masked_sort3A_599 : vector<16xi1>, vector<16xf32>
    %select_n3A_603 = arith.select %le3A_601, %masked_sort3A_455, %masked_sort3A_600 : vector<16xi1>, vector<16xf32>
    %masked_sort3A_604 = arith.constant dense<true> : vector<16xi1>
    %masked_sort3A_605, %masked_sort3A_606, %masked_sort3A_607 = tpu.sort %select_n3A_602, %select_n3A_603 masked %masked_sort3A_604 : (vector<16xf32>, vector<16xf32>, vector<16xi1>) -> (vector<16xi1>, vector<16xf32>, vector<16xf32>)
    %get3A_608 = arith.constant 6 : i32
    %get3A_609 = arith.index_cast %get3A_608 : i32 to index
    %get3A_610 = arith.constant 48 : index
    %get3A_611 = tpu.vector_load %arg4[%get3A_609, %get3A_610] {strides = array<i32>} : memref<8x512xf32, #tpu.memory_space<vmem>>, vector<16xf32>,
    %get3A_612 = arith.constant 6 : i32
    %get3A_613 = arith.index_cast %get3A_612 : i32 to index
    %get3A_614 = arith.constant 304 : index
    %get3A_615 = tpu.vector_load %arg4[%get3A_613, %get3A_614] {strides = array<i32>} : memref<8x512xf32, #tpu.memory_space<vmem>>, vector<16xf32>,
    %masked_sort3A_616 = arith.constant dense<true> : vector<16xi1>
    %masked_sort3A_617, %masked_sort3A_618, %masked_sort3A_619 = tpu.sort %get3A_611, %get3A_615 masked %masked_sort3A_616 {descending = true} : (vector<16xf32>, vector<16xf32>, vector<16xi1>) -> (vector<16xi1>, vector<16xf32>, vector<16xf32>)
    %le3A_620 = arith.cmpf ole, %masked_sort3A_473, %masked_sort3A_618 : vector<16xf32>
    %select_n3A_621 = arith.select %le3A_620, %masked_sort3A_473, %masked_sort3A_618 : vector<16xi1>, vector<16xf32>
    %select_n3A_622 = arith.select %le3A_620, %masked_sort3A_474, %masked_sort3A_619 : vector<16xi1>, vector<16xf32>
    %masked_sort3A_623 = arith.constant dense<true> : vector<16xi1>
    %masked_sort3A_624, %masked_sort3A_625, %masked_sort3A_626 = tpu.sort %select_n3A_621, %select_n3A_622 masked %masked_sort3A_623 : (vector<16xf32>, vector<16xf32>, vector<16xi1>) -> (vector<16xi1>, vector<16xf32>, vector<16xf32>)
    %get3A_627 = arith.constant 7 : i32
    %get3A_628 = arith.index_cast %get3A_627 : i32 to index
    %get3A_629 = arith.constant 48 : index
    %get3A_630 = tpu.vector_load %arg4[%get3A_628, %get3A_629] {strides = array<i32>} : memref<8x512xf32, #tpu.memory_space<vmem>>, vector<16xf32>,
    %get3A_631 = arith.constant 7 : i32
    %get3A_632 = arith.index_cast %get3A_631 : i32 to index
    %get3A_633 = arith.constant 304 : index
    %get3A_634 = tpu.vector_load %arg4[%get3A_632, %get3A_633] {strides = array<i32>} : memref<8x512xf32, #tpu.memory_space<vmem>>, vector<16xf32>,
    %masked_sort3A_635 = arith.constant dense<true> : vector<16xi1>
    %masked_sort3A_636, %masked_sort3A_637, %masked_sort3A_638 = tpu.sort %get3A_630, %get3A_634 masked %masked_sort3A_635 {descending = true} : (vector<16xf32>, vector<16xf32>, vector<16xi1>) -> (vector<16xi1>, vector<16xf32>, vector<16xf32>)
    %le3A_639 = arith.cmpf ole, %masked_sort3A_492, %masked_sort3A_637 : vector<16xf32>
    %select_n3A_640 = arith.select %le3A_639, %masked_sort3A_492, %masked_sort3A_637 : vector<16xi1>, vector<16xf32>
    %select_n3A_641 = arith.select %le3A_639, %masked_sort3A_493, %masked_sort3A_638 : vector<16xi1>, vector<16xf32>
    %masked_sort3A_642 = arith.constant dense<true> : vector<16xi1>
    %masked_sort3A_643, %masked_sort3A_644, %masked_sort3A_645 = tpu.sort %select_n3A_640, %select_n3A_641 masked %masked_sort3A_642 : (vector<16xf32>, vector<16xf32>, vector<16xi1>) -> (vector<16xi1>, vector<16xf32>, vector<16xf32>)
    %get3A_646 = arith.constant 0 : i32
    %get3A_647 = arith.index_cast %get3A_646 : i32 to index
    %get3A_648 = arith.constant 64 : index
    %get3A_649 = tpu.vector_load %arg4[%get3A_647, %get3A_648] {strides = array<i32>} : memref<8x512xf32, #tpu.memory_space<vmem>>, vector<16xf32>,
    %get3A_650 = arith.constant 0 : i32
    %get3A_651 = arith.index_cast %get3A_650 : i32 to index
    %get3A_652 = arith.constant 320 : index
    %get3A_653 = tpu.vector_load %arg4[%get3A_651, %get3A_652] {strides = array<i32>} : memref<8x512xf32, #tpu.memory_space<vmem>>, vector<16xf32>,
    %masked_sort3A_654 = arith.constant dense<true> : vector<16xi1>
    %masked_sort3A_655, %masked_sort3A_656, %masked_sort3A_657 = tpu.sort %get3A_649, %get3A_653 masked %masked_sort3A_654 {descending = true} : (vector<16xf32>, vector<16xf32>, vector<16xi1>) -> (vector<16xi1>, vector<16xf32>, vector<16xf32>)
    %le3A_658 = arith.cmpf ole, %masked_sort3A_511, %masked_sort3A_656 : vector<16xf32>
    %select_n3A_659 = arith.select %le3A_658, %masked_sort3A_511, %masked_sort3A_656 : vector<16xi1>, vector<16xf32>
    %select_n3A_660 = arith.select %le3A_658, %masked_sort3A_512, %masked_sort3A_657 : vector<16xi1>, vector<16xf32>
    %masked_sort3A_661 = arith.constant dense<true> : vector<16xi1>
    %masked_sort3A_662, %masked_sort3A_663, %masked_sort3A_664 = tpu.sort %select_n3A_659, %select_n3A_660 masked %masked_sort3A_661 : (vector<16xf32>, vector<16xf32>, vector<16xi1>) -> (vector<16xi1>, vector<16xf32>, vector<16xf32>)
    %get3A_665 = arith.constant 1 : i32
    %get3A_666 = arith.index_cast %get3A_665 : i32 to index
    %get3A_667 = arith.constant 64 : index
    %get3A_668 = tpu.vector_load %arg4[%get3A_666, %get3A_667] {strides = array<i32>} : memref<8x512xf32, #tpu.memory_space<vmem>>, vector<16xf32>,
    %get3A_669 = arith.constant 1 : i32
    %get3A_670 = arith.index_cast %get3A_669 : i32 to index
    %get3A_671 = arith.constant 320 : index
    %get3A_672 = tpu.vector_load %arg4[%get3A_670, %get3A_671] {strides = array<i32>} : memref<8x512xf32, #tpu.memory_space<vmem>>, vector<16xf32>,
    %masked_sort3A_673 = arith.constant dense<true> : vector<16xi1>
    %masked_sort3A_674, %masked_sort3A_675, %masked_sort3A_676 = tpu.sort %get3A_668, %get3A_672 masked %masked_sort3A_673 {descending = true} : (vector<16xf32>, vector<16xf32>, vector<16xi1>) -> (vector<16xi1>, vector<16xf32>, vector<16xf32>)
    %le3A_677 = arith.cmpf ole, %masked_sort3A_530, %masked_sort3A_675 : vector<16xf32>
    %select_n3A_678 = arith.select %le3A_677, %masked_sort3A_530, %masked_sort3A_675 : vector<16xi1>, vector<16xf32>
    %select_n3A_679 = arith.select %le3A_677, %masked_sort3A_531, %masked_sort3A_676 : vector<16xi1>, vector<16xf32>
    %masked_sort3A_680 = arith.constant dense<true> : vector<16xi1>
    %masked_sort3A_681, %masked_sort3A_682, %masked_sort3A_683 = tpu.sort %select_n3A_678, %select_n3A_679 masked %masked_sort3A_680 : (vector<16xf32>, vector<16xf32>, vector<16xi1>) -> (vector<16xi1>, vector<16xf32>, vector<16xf32>)
    %get3A_684 = arith.constant 2 : i32
    %get3A_685 = arith.index_cast %get3A_684 : i32 to index
    %get3A_686 = arith.constant 64 : index
    %get3A_687 = tpu.vector_load %arg4[%get3A_685, %get3A_686] {strides = array<i32>} : memref<8x512xf32, #tpu.memory_space<vmem>>, vector<16xf32>,
    %get3A_688 = arith.constant 2 : i32
    %get3A_689 = arith.index_cast %get3A_688 : i32 to index
    %get3A_690 = arith.constant 320 : index
    %get3A_691 = tpu.vector_load %arg4[%get3A_689, %get3A_690] {strides = array<i32>} : memref<8x512xf32, #tpu.memory_space<vmem>>, vector<16xf32>,
    %masked_sort3A_692 = arith.constant dense<true> : vector<16xi1>
    %masked_sort3A_693, %masked_sort3A_694, %masked_sort3A_695 = tpu.sort %get3A_687, %get3A_691 masked %masked_sort3A_692 {descending = true} : (vector<16xf32>, vector<16xf32>, vector<16xi1>) -> (vector<16xi1>, vector<16xf32>, vector<16xf32>)
    %le3A_696 = arith.cmpf ole, %masked_sort3A_549, %masked_sort3A_694 : vector<16xf32>
    %select_n3A_697 = arith.select %le3A_696, %masked_sort3A_549, %masked_sort3A_694 : vector<16xi1>, vector<16xf32>
    %select_n3A_698 = arith.select %le3A_696, %masked_sort3A_550, %masked_sort3A_695 : vector<16xi1>, vector<16xf32>
    %masked_sort3A_699 = arith.constant dense<true> : vector<16xi1>
    %masked_sort3A_700, %masked_sort3A_701, %masked_sort3A_702 = tpu.sort %select_n3A_697, %select_n3A_698 masked %masked_sort3A_699 : (vector<16xf32>, vector<16xf32>, vector<16xi1>) -> (vector<16xi1>, vector<16xf32>, vector<16xf32>)
    %get3A_703 = arith.constant 3 : i32
    %get3A_704 = arith.index_cast %get3A_703 : i32 to index
    %get3A_705 = arith.constant 64 : index
    %get3A_706 = tpu.vector_load %arg4[%get3A_704, %get3A_705] {strides = array<i32>} : memref<8x512xf32, #tpu.memory_space<vmem>>, vector<16xf32>,
    %get3A_707 = arith.constant 3 : i32
    %get3A_708 = arith.index_cast %get3A_707 : i32 to index
    %get3A_709 = arith.constant 320 : index
    %get3A_710 = tpu.vector_load %arg4[%get3A_708, %get3A_709] {strides = array<i32>} : memref<8x512xf32, #tpu.memory_space<vmem>>, vector<16xf32>,
    %masked_sort3A_711 = arith.constant dense<true> : vector<16xi1>
    %masked_sort3A_712, %masked_sort3A_713, %masked_sort3A_714 = tpu.sort %get3A_706, %get3A_710 masked %masked_sort3A_711 {descending = true} : (vector<16xf32>, vector<16xf32>, vector<16xi1>) -> (vector<16xi1>, vector<16xf32>, vector<16xf32>)
    %le3A_715 = arith.cmpf ole, %masked_sort3A_568, %masked_sort3A_713 : vector<16xf32>
    %select_n3A_716 = arith.select %le3A_715, %masked_sort3A_568, %masked_sort3A_713 : vector<16xi1>, vector<16xf32>
    %select_n3A_717 = arith.select %le3A_715, %masked_sort3A_569, %masked_sort3A_714 : vector<16xi1>, vector<16xf32>
    %masked_sort3A_718 = arith.constant dense<true> : vector<16xi1>
    %masked_sort3A_719, %masked_sort3A_720, %masked_sort3A_721 = tpu.sort %select_n3A_716, %select_n3A_717 masked %masked_sort3A_718 : (vector<16xf32>, vector<16xf32>, vector<16xi1>) -> (vector<16xi1>, vector<16xf32>, vector<16xf32>)
    %get3A_722 = arith.constant 4 : i32
    %get3A_723 = arith.index_cast %get3A_722 : i32 to index
    %get3A_724 = arith.constant 64 : index
    %get3A_725 = tpu.vector_load %arg4[%get3A_723, %get3A_724] {strides = array<i32>} : memref<8x512xf32, #tpu.memory_space<vmem>>, vector<16xf32>,
    %get3A_726 = arith.constant 4 : i32
    %get3A_727 = arith.index_cast %get3A_726 : i32 to index
    %get3A_728 = arith.constant 320 : index
    %get3A_729 = tpu.vector_load %arg4[%get3A_727, %get3A_728] {strides = array<i32>} : memref<8x512xf32, #tpu.memory_space<vmem>>, vector<16xf32>,
    %masked_sort3A_730 = arith.constant dense<true> : vector<16xi1>
    %masked_sort3A_731, %masked_sort3A_732, %masked_sort3A_733 = tpu.sort %get3A_725, %get3A_729 masked %masked_sort3A_730 {descending = true} : (vector<16xf32>, vector<16xf32>, vector<16xi1>) -> (vector<16xi1>, vector<16xf32>, vector<16xf32>)
    %le3A_734 = arith.cmpf ole, %masked_sort3A_587, %masked_sort3A_732 : vector<16xf32>
    %select_n3A_735 = arith.select %le3A_734, %masked_sort3A_587, %masked_sort3A_732 : vector<16xi1>, vector<16xf32>
    %select_n3A_736 = arith.select %le3A_734, %masked_sort3A_588, %masked_sort3A_733 : vector<16xi1>, vector<16xf32>
    %masked_sort3A_737 = arith.constant dense<true> : vector<16xi1>
    %masked_sort3A_738, %masked_sort3A_739, %masked_sort3A_740 = tpu.sort %select_n3A_735, %select_n3A_736 masked %masked_sort3A_737 : (vector<16xf32>, vector<16xf32>, vector<16xi1>) -> (vector<16xi1>, vector<16xf32>, vector<16xf32>)
    %get3A_741 = arith.constant 5 : i32
    %get3A_742 = arith.index_cast %get3A_741 : i32 to index
    %get3A_743 = arith.constant 64 : index
    %get3A_744 = tpu.vector_load %arg4[%get3A_742, %get3A_743] {strides = array<i32>} : memref<8x512xf32, #tpu.memory_space<vmem>>, vector<16xf32>,
    %get3A_745 = arith.constant 5 : i32
    %get3A_746 = arith.index_cast %get3A_745 : i32 to index
    %get3A_747 = arith.constant 320 : index
    %get3A_748 = tpu.vector_load %arg4[%get3A_746, %get3A_747] {strides = array<i32>} : memref<8x512xf32, #tpu.memory_space<vmem>>, vector<16xf32>,
    %masked_sort3A_749 = arith.constant dense<true> : vector<16xi1>
    %masked_sort3A_750, %masked_sort3A_751, %masked_sort3A_752 = tpu.sort %get3A_744, %get3A_748 masked %masked_sort3A_749 {descending = true} : (vector<16xf32>, vector<16xf32>, vector<16xi1>) -> (vector<16xi1>, vector<16xf32>, vector<16xf32>)
    %le3A_753 = arith.cmpf ole, %masked_sort3A_606, %masked_sort3A_751 : vector<16xf32>
    %select_n3A_754 = arith.select %le3A_753, %masked_sort3A_606, %masked_sort3A_751 : vector<16xi1>, vector<16xf32>
    %select_n3A_755 = arith.select %le3A_753, %masked_sort3A_607, %masked_sort3A_752 : vector<16xi1>, vector<16xf32>
    %masked_sort3A_756 = arith.constant dense<true> : vector<16xi1>
    %masked_sort3A_757, %masked_sort3A_758, %masked_sort3A_759 = tpu.sort %select_n3A_754, %select_n3A_755 masked %masked_sort3A_756 : (vector<16xf32>, vector<16xf32>, vector<16xi1>) -> (vector<16xi1>, vector<16xf32>, vector<16xf32>)
    %get3A_760 = arith.constant 6 : i32
    %get3A_761 = arith.index_cast %get3A_760 : i32 to index
    %get3A_762 = arith.constant 64 : index
    %get3A_763 = tpu.vector_load %arg4[%get3A_761, %get3A_762] {strides = array<i32>} : memref<8x512xf32, #tpu.memory_space<vmem>>, vector<16xf32>,
    %get3A_764 = arith.constant 6 : i32
    %get3A_765 = arith.index_cast %get3A_764 : i32 to index
    %get3A_766 = arith.constant 320 : index
    %get3A_767 = tpu.vector_load %arg4[%get3A_765, %get3A_766] {strides = array<i32>} : memref<8x512xf32, #tpu.memory_space<vmem>>, vector<16xf32>,
    %masked_sort3A_768 = arith.constant dense<true> : vector<16xi1>
    %masked_sort3A_769, %masked_sort3A_770, %masked_sort3A_771 = tpu.sort %get3A_763, %get3A_767 masked %masked_sort3A_768 {descending = true} : (vector<16xf32>, vector<16xf32>, vector<16xi1>) -> (vector<16xi1>, vector<16xf32>, vector<16xf32>)
    %le3A_772 = arith.cmpf ole, %masked_sort3A_625, %masked_sort3A_770 : vector<16xf32>
    %select_n3A_773 = arith.select %le3A_772, %masked_sort3A_625, %masked_sort3A_770 : vector<16xi1>, vector<16xf32>
    %select_n3A_774 = arith.select %le3A_772, %masked_sort3A_626, %masked_sort3A_771 : vector<16xi1>, vector<16xf32>
    %masked_sort3A_775 = arith.constant dense<true> : vector<16xi1>
    %masked_sort3A_776, %masked_sort3A_777, %masked_sort3A_778 = tpu.sort %select_n3A_773, %select_n3A_774 masked %masked_sort3A_775 : (vector<16xf32>, vector<16xf32>, vector<16xi1>) -> (vector<16xi1>, vector<16xf32>, vector<16xf32>)
    %get3A_779 = arith.constant 7 : i32
    %get3A_780 = arith.index_cast %get3A_779 : i32 to index
    %get3A_781 = arith.constant 64 : index
    %get3A_782 = tpu.vector_load %arg4[%get3A_780, %get3A_781] {strides = array<i32>} : memref<8x512xf32, #tpu.memory_space<vmem>>, vector<16xf32>,
    %get3A_783 = arith.constant 7 : i32
    %get3A_784 = arith.index_cast %get3A_783 : i32 to index
    %get3A_785 = arith.constant 320 : index
    %get3A_786 = tpu.vector_load %arg4[%get3A_784, %get3A_785] {strides = array<i32>} : memref<8x512xf32, #tpu.memory_space<vmem>>, vector<16xf32>,
    %masked_sort3A_787 = arith.constant dense<true> : vector<16xi1>
    %masked_sort3A_788, %masked_sort3A_789, %masked_sort3A_790 = tpu.sort %get3A_782, %get3A_786 masked %masked_sort3A_787 {descending = true} : (vector<16xf32>, vector<16xf32>, vector<16xi1>) -> (vector<16xi1>, vector<16xf32>, vector<16xf32>)
    %le3A_791 = arith.cmpf ole, %masked_sort3A_644, %masked_sort3A_789 : vector<16xf32>
    %select_n3A_792 = arith.select %le3A_791, %masked_sort3A_644, %masked_sort3A_789 : vector<16xi1>, vector<16xf32>
    %select_n3A_793 = arith.select %le3A_791, %masked_sort3A_645, %masked_sort3A_790 : vector<16xi1>, vector<16xf32>
    %masked_sort3A_794 = arith.constant dense<true> : vector<16xi1>
    %masked_sort3A_795, %masked_sort3A_796, %masked_sort3A_797 = tpu.sort %select_n3A_792, %select_n3A_793 masked %masked_sort3A_794 : (vector<16xf32>, vector<16xf32>, vector<16xi1>) -> (vector<16xi1>, vector<16xf32>, vector<16xf32>)
    %get3A_798 = arith.constant 0 : i32
    %get3A_799 = arith.index_cast %get3A_798 : i32 to index
    %get3A_800 = arith.constant 80 : index
    %get3A_801 = tpu.vector_load %arg4[%get3A_799, %get3A_800] {strides = array<i32>} : memref<8x512xf32, #tpu.memory_space<vmem>>, vector<16xf32>,
    %get3A_802 = arith.constant 0 : i32
    %get3A_803 = arith.index_cast %get3A_802 : i32 to index
    %get3A_804 = arith.constant 336 : index
    %get3A_805 = tpu.vector_load %arg4[%get3A_803, %get3A_804] {strides = array<i32>} : memref<8x512xf32, #tpu.memory_space<vmem>>, vector<16xf32>,
    %masked_sort3A_806 = arith.constant dense<true> : vector<16xi1>
    %masked_sort3A_807, %masked_sort3A_808, %masked_sort3A_809 = tpu.sort %get3A_801, %get3A_805 masked %masked_sort3A_806 {descending = true} : (vector<16xf32>, vector<16xf32>, vector<16xi1>) -> (vector<16xi1>, vector<16xf32>, vector<16xf32>)
    %le3A_810 = arith.cmpf ole, %masked_sort3A_663, %masked_sort3A_808 : vector<16xf32>
    %select_n3A_811 = arith.select %le3A_810, %masked_sort3A_663, %masked_sort3A_808 : vector<16xi1>, vector<16xf32>
    %select_n3A_812 = arith.select %le3A_810, %masked_sort3A_664, %masked_sort3A_809 : vector<16xi1>, vector<16xf32>
    %masked_sort3A_813 = arith.constant dense<true> : vector<16xi1>
    %masked_sort3A_814, %masked_sort3A_815, %masked_sort3A_816 = tpu.sort %select_n3A_811, %select_n3A_812 masked %masked_sort3A_813 : (vector<16xf32>, vector<16xf32>, vector<16xi1>) -> (vector<16xi1>, vector<16xf32>, vector<16xf32>)
    %get3A_817 = arith.constant 1 : i32
    %get3A_818 = arith.index_cast %get3A_817 : i32 to index
    %get3A_819 = arith.constant 80 : index
    %get3A_820 = tpu.vector_load %arg4[%get3A_818, %get3A_819] {strides = array<i32>} : memref<8x512xf32, #tpu.memory_space<vmem>>, vector<16xf32>,
    %get3A_821 = arith.constant 1 : i32
    %get3A_822 = arith.index_cast %get3A_821 : i32 to index
    %get3A_823 = arith.constant 336 : index
    %get3A_824 = tpu.vector_load %arg4[%get3A_822, %get3A_823] {strides = array<i32>} : memref<8x512xf32, #tpu.memory_space<vmem>>, vector<16xf32>,
    %masked_sort3A_825 = arith.constant dense<true> : vector<16xi1>
    %masked_sort3A_826, %masked_sort3A_827, %masked_sort3A_828 = tpu.sort %get3A_820, %get3A_824 masked %masked_sort3A_825 {descending = true} : (vector<16xf32>, vector<16xf32>, vector<16xi1>) -> (vector<16xi1>, vector<16xf32>, vector<16xf32>)
    %le3A_829 = arith.cmpf ole, %masked_sort3A_682, %masked_sort3A_827 : vector<16xf32>
    %select_n3A_830 = arith.select %le3A_829, %masked_sort3A_682, %masked_sort3A_827 : vector<16xi1>, vector<16xf32>
    %select_n3A_831 = arith.select %le3A_829, %masked_sort3A_683, %masked_sort3A_828 : vector<16xi1>, vector<16xf32>
    %masked_sort3A_832 = arith.constant dense<true> : vector<16xi1>
    %masked_sort3A_833, %masked_sort3A_834, %masked_sort3A_835 = tpu.sort %select_n3A_830, %select_n3A_831 masked %masked_sort3A_832 : (vector<16xf32>, vector<16xf32>, vector<16xi1>) -> (vector<16xi1>, vector<16xf32>, vector<16xf32>)
    %get3A_836 = arith.constant 2 : i32
    %get3A_837 = arith.index_cast %get3A_836 : i32 to index
    %get3A_838 = arith.constant 80 : index
    %get3A_839 = tpu.vector_load %arg4[%get3A_837, %get3A_838] {strides = array<i32>} : memref<8x512xf32, #tpu.memory_space<vmem>>, vector<16xf32>,
    %get3A_840 = arith.constant 2 : i32
    %get3A_841 = arith.index_cast %get3A_840 : i32 to index
    %get3A_842 = arith.constant 336 : index
    %get3A_843 = tpu.vector_load %arg4[%get3A_841, %get3A_842] {strides = array<i32>} : memref<8x512xf32, #tpu.memory_space<vmem>>, vector<16xf32>,
    %masked_sort3A_844 = arith.constant dense<true> : vector<16xi1>
    %masked_sort3A_845, %masked_sort3A_846, %masked_sort3A_847 = tpu.sort %get3A_839, %get3A_843 masked %masked_sort3A_844 {descending = true} : (vector<16xf32>, vector<16xf32>, vector<16xi1>) -> (vector<16xi1>, vector<16xf32>, vector<16xf32>)
    %le3A_848 = arith.cmpf ole, %masked_sort3A_701, %masked_sort3A_846 : vector<16xf32>
    %select_n3A_849 = arith.select %le3A_848, %masked_sort3A_701, %masked_sort3A_846 : vector<16xi1>, vector<16xf32>
    %select_n3A_850 = arith.select %le3A_848, %masked_sort3A_702, %masked_sort3A_847 : vector<16xi1>, vector<16xf32>
    %masked_sort3A_851 = arith.constant dense<true> : vector<16xi1>
    %masked_sort3A_852, %masked_sort3A_853, %masked_sort3A_854 = tpu.sort %select_n3A_849, %select_n3A_850 masked %masked_sort3A_851 : (vector<16xf32>, vector<16xf32>, vector<16xi1>) -> (vector<16xi1>, vector<16xf32>, vector<16xf32>)
    %get3A_855 = arith.constant 3 : i32
    %get3A_856 = arith.index_cast %get3A_855 : i32 to index
    %get3A_857 = arith.constant 80 : index
    %get3A_858 = tpu.vector_load %arg4[%get3A_856, %get3A_857] {strides = array<i32>} : memref<8x512xf32, #tpu.memory_space<vmem>>, vector<16xf32>,
    %get3A_859 = arith.constant 3 : i32
    %get3A_860 = arith.index_cast %get3A_859 : i32 to index
    %get3A_861 = arith.constant 336 : index
    %get3A_862 = tpu.vector_load %arg4[%get3A_860, %get3A_861] {strides = array<i32>} : memref<8x512xf32, #tpu.memory_space<vmem>>, vector<16xf32>,
    %masked_sort3A_863 = arith.constant dense<true> : vector<16xi1>
    %masked_sort3A_864, %masked_sort3A_865, %masked_sort3A_866 = tpu.sort %get3A_858, %get3A_862 masked %masked_sort3A_863 {descending = true} : (vector<16xf32>, vector<16xf32>, vector<16xi1>) -> (vector<16xi1>, vector<16xf32>, vector<16xf32>)
    %le3A_867 = arith.cmpf ole, %masked_sort3A_720, %masked_sort3A_865 : vector<16xf32>
    %select_n3A_868 = arith.select %le3A_867, %masked_sort3A_720, %masked_sort3A_865 : vector<16xi1>, vector<16xf32>
    %select_n3A_869 = arith.select %le3A_867, %masked_sort3A_721, %masked_sort3A_866 : vector<16xi1>, vector<16xf32>
    %masked_sort3A_870 = arith.constant dense<true> : vector<16xi1>
    %masked_sort3A_871, %masked_sort3A_872, %masked_sort3A_873 = tpu.sort %select_n3A_868, %select_n3A_869 masked %masked_sort3A_870 : (vector<16xf32>, vector<16xf32>, vector<16xi1>) -> (vector<16xi1>, vector<16xf32>, vector<16xf32>)
    %get3A_874 = arith.constant 4 : i32
    %get3A_875 = arith.index_cast %get3A_874 : i32 to index
    %get3A_876 = arith.constant 80 : index
    %get3A_877 = tpu.vector_load %arg4[%get3A_875, %get3A_876] {strides = array<i32>} : memref<8x512xf32, #tpu.memory_space<vmem>>, vector<16xf32>,
    %get3A_878 = arith.constant 4 : i32
    %get3A_879 = arith.index_cast %get3A_878 : i32 to index
    %get3A_880 = arith.constant 336 : index
    %get3A_881 = tpu.vector_load %arg4[%get3A_879, %get3A_880] {strides = array<i32>} : memref<8x512xf32, #tpu.memory_space<vmem>>, vector<16xf32>,
    %masked_sort3A_882 = arith.constant dense<true> : vector<16xi1>
    %masked_sort3A_883, %masked_sort3A_884, %masked_sort3A_885 = tpu.sort %get3A_877, %get3A_881 masked %masked_sort3A_882 {descending = true} : (vector<16xf32>, vector<16xf32>, vector<16xi1>) -> (vector<16xi1>, vector<16xf32>, vector<16xf32>)
    %le3A_886 = arith.cmpf ole, %masked_sort3A_739, %masked_sort3A_884 : vector<16xf32>
    %select_n3A_887 = arith.select %le3A_886, %masked_sort3A_739, %masked_sort3A_884 : vector<16xi1>, vector<16xf32>
    %select_n3A_888 = arith.select %le3A_886, %masked_sort3A_740, %masked_sort3A_885 : vector<16xi1>, vector<16xf32>
    %masked_sort3A_889 = arith.constant dense<true> : vector<16xi1>
    %masked_sort3A_890, %masked_sort3A_891, %masked_sort3A_892 = tpu.sort %select_n3A_887, %select_n3A_888 masked %masked_sort3A_889 : (vector<16xf32>, vector<16xf32>, vector<16xi1>) -> (vector<16xi1>, vector<16xf32>, vector<16xf32>)
    %get3A_893 = arith.constant 5 : i32
    %get3A_894 = arith.index_cast %get3A_893 : i32 to index
    %get3A_895 = arith.constant 80 : index
    %get3A_896 = tpu.vector_load %arg4[%get3A_894, %get3A_895] {strides = array<i32>} : memref<8x512xf32, #tpu.memory_space<vmem>>, vector<16xf32>,
    %get3A_897 = arith.constant 5 : i32
    %get3A_898 = arith.index_cast %get3A_897 : i32 to index
    %get3A_899 = arith.constant 336 : index
    %get3A_900 = tpu.vector_load %arg4[%get3A_898, %get3A_899] {strides = array<i32>} : memref<8x512xf32, #tpu.memory_space<vmem>>, vector<16xf32>,
    %masked_sort3A_901 = arith.constant dense<true> : vector<16xi1>
    %masked_sort3A_902, %masked_sort3A_903, %masked_sort3A_904 = tpu.sort %get3A_896, %get3A_900 masked %masked_sort3A_901 {descending = true} : (vector<16xf32>, vector<16xf32>, vector<16xi1>) -> (vector<16xi1>, vector<16xf32>, vector<16xf32>)
    %le3A_905 = arith.cmpf ole, %masked_sort3A_758, %masked_sort3A_903 : vector<16xf32>
    %select_n3A_906 = arith.select %le3A_905, %masked_sort3A_758, %masked_sort3A_903 : vector<16xi1>, vector<16xf32>
    %select_n3A_907 = arith.select %le3A_905, %masked_sort3A_759, %masked_sort3A_904 : vector<16xi1>, vector<16xf32>
    %masked_sort3A_908 = arith.constant dense<true> : vector<16xi1>
    %masked_sort3A_909, %masked_sort3A_910, %masked_sort3A_911 = tpu.sort %select_n3A_906, %select_n3A_907 masked %masked_sort3A_908 : (vector<16xf32>, vector<16xf32>, vector<16xi1>) -> (vector<16xi1>, vector<16xf32>, vector<16xf32>)
    %get3A_912 = arith.constant 6 : i32
    %get3A_913 = arith.index_cast %get3A_912 : i32 to index
    %get3A_914 = arith.constant 80 : index
    %get3A_915 = tpu.vector_load %arg4[%get3A_913, %get3A_914] {strides = array<i32>} : memref<8x512xf32, #tpu.memory_space<vmem>>, vector<16xf32>,
    %get3A_916 = arith.constant 6 : i32
    %get3A_917 = arith.index_cast %get3A_916 : i32 to index
    %get3A_918 = arith.constant 336 : index
    %get3A_919 = tpu.vector_load %arg4[%get3A_917, %get3A_918] {strides = array<i32>} : memref<8x512xf32, #tpu.memory_space<vmem>>, vector<16xf32>,
    %masked_sort3A_920 = arith.constant dense<true> : vector<16xi1>
    %masked_sort3A_921, %masked_sort3A_922, %masked_sort3A_923 = tpu.sort %get3A_915, %get3A_919 masked %masked_sort3A_920 {descending = true} : (vector<16xf32>, vector<16xf32>, vector<16xi1>) -> (vector<16xi1>, vector<16xf32>, vector<16xf32>)
    %le3A_924 = arith.cmpf ole, %masked_sort3A_777, %masked_sort3A_922 : vector<16xf32>
    %select_n3A_925 = arith.select %le3A_924, %masked_sort3A_777, %masked_sort3A_922 : vector<16xi1>, vector<16xf32>
    %select_n3A_926 = arith.select %le3A_924, %masked_sort3A_778, %masked_sort3A_923 : vector<16xi1>, vector<16xf32>
    %masked_sort3A_927 = arith.constant dense<true> : vector<16xi1>
    %masked_sort3A_928, %masked_sort3A_929, %masked_sort3A_930 = tpu.sort %select_n3A_925, %select_n3A_926 masked %masked_sort3A_927 : (vector<16xf32>, vector<16xf32>, vector<16xi1>) -> (vector<16xi1>, vector<16xf32>, vector<16xf32>)
    %get3A_931 = arith.constant 7 : i32
    %get3A_932 = arith.index_cast %get3A_931 : i32 to index
    %get3A_933 = arith.constant 80 : index
    %get3A_934 = tpu.vector_load %arg4[%get3A_932, %get3A_933] {strides = array<i32>} : memref<8x512xf32, #tpu.memory_space<vmem>>, vector<16xf32>,
    %get3A_935 = arith.constant 7 : i32
    %get3A_936 = arith.index_cast %get3A_935 : i32 to index
    %get3A_937 = arith.constant 336 : index
    %get3A_938 = tpu.vector_load %arg4[%get3A_936, %get3A_937] {strides = array<i32>} : memref<8x512xf32, #tpu.memory_space<vmem>>, vector<16xf32>,
    %masked_sort3A_939 = arith.constant dense<true> : vector<16xi1>
    %masked_sort3A_940, %masked_sort3A_941, %masked_sort3A_942 = tpu.sort %get3A_934, %get3A_938 masked %masked_sort3A_939 {descending = true} : (vector<16xf32>, vector<16xf32>, vector<16xi1>) -> (vector<16xi1>, vector<16xf32>, vector<16xf32>)
    %le3A_943 = arith.cmpf ole, %masked_sort3A_796, %masked_sort3A_941 : vector<16xf32>
    %select_n3A_944 = arith.select %le3A_943, %masked_sort3A_796, %masked_sort3A_941 : vector<16xi1>, vector<16xf32>
    %select_n3A_945 = arith.select %le3A_943, %masked_sort3A_797, %masked_sort3A_942 : vector<16xi1>, vector<16xf32>
    %masked_sort3A_946 = arith.constant dense<true> : vector<16xi1>
    %masked_sort3A_947, %masked_sort3A_948, %masked_sort3A_949 = tpu.sort %select_n3A_944, %select_n3A_945 masked %masked_sort3A_946 : (vector<16xf32>, vector<16xf32>, vector<16xi1>) -> (vector<16xi1>, vector<16xf32>, vector<16xf32>)
    %get3A_950 = arith.constant 0 : i32
    %get3A_951 = arith.index_cast %get3A_950 : i32 to index
    %get3A_952 = arith.constant 96 : index
    %get3A_953 = tpu.vector_load %arg4[%get3A_951, %get3A_952] {strides = array<i32>} : memref<8x512xf32, #tpu.memory_space<vmem>>, vector<16xf32>,
    %get3A_954 = arith.constant 0 : i32
    %get3A_955 = arith.index_cast %get3A_954 : i32 to index
    %get3A_956 = arith.constant 352 : index
    %get3A_957 = tpu.vector_load %arg4[%get3A_955, %get3A_956] {strides = array<i32>} : memref<8x512xf32, #tpu.memory_space<vmem>>, vector<16xf32>,
    %masked_sort3A_958 = arith.constant dense<true> : vector<16xi1>
    %masked_sort3A_959, %masked_sort3A_960, %masked_sort3A_961 = tpu.sort %get3A_953, %get3A_957 masked %masked_sort3A_958 {descending = true} : (vector<16xf32>, vector<16xf32>, vector<16xi1>) -> (vector<16xi1>, vector<16xf32>, vector<16xf32>)
    %le3A_962 = arith.cmpf ole, %masked_sort3A_815, %masked_sort3A_960 : vector<16xf32>
    %select_n3A_963 = arith.select %le3A_962, %masked_sort3A_815, %masked_sort3A_960 : vector<16xi1>, vector<16xf32>
    %select_n3A_964 = arith.select %le3A_962, %masked_sort3A_816, %masked_sort3A_961 : vector<16xi1>, vector<16xf32>
    %masked_sort3A_965 = arith.constant dense<true> : vector<16xi1>
    %masked_sort3A_966, %masked_sort3A_967, %masked_sort3A_968 = tpu.sort %select_n3A_963, %select_n3A_964 masked %masked_sort3A_965 : (vector<16xf32>, vector<16xf32>, vector<16xi1>) -> (vector<16xi1>, vector<16xf32>, vector<16xf32>)
    %get3A_969 = arith.constant 1 : i32
    %get3A_970 = arith.index_cast %get3A_969 : i32 to index
    %get3A_971 = arith.constant 96 : index
    %get3A_972 = tpu.vector_load %arg4[%get3A_970, %get3A_971] {strides = array<i32>} : memref<8x512xf32, #tpu.memory_space<vmem>>, vector<16xf32>,
    %get3A_973 = arith.constant 1 : i32
    %get3A_974 = arith.index_cast %get3A_973 : i32 to index
    %get3A_975 = arith.constant 352 : index
    %get3A_976 = tpu.vector_load %arg4[%get3A_974, %get3A_975] {strides = array<i32>} : memref<8x512xf32, #tpu.memory_space<vmem>>, vector<16xf32>,
    %masked_sort3A_977 = arith.constant dense<true> : vector<16xi1>
    %masked_sort3A_978, %masked_sort3A_979, %masked_sort3A_980 = tpu.sort %get3A_972, %get3A_976 masked %masked_sort3A_977 {descending = true} : (vector<16xf32>, vector<16xf32>, vector<16xi1>) -> (vector<16xi1>, vector<16xf32>, vector<16xf32>)
    %le3A_981 = arith.cmpf ole, %masked_sort3A_834, %masked_sort3A_979 : vector<16xf32>
    %select_n3A_982 = arith.select %le3A_981, %masked_sort3A_834, %masked_sort3A_979 : vector<16xi1>, vector<16xf32>
    %select_n3A_983 = arith.select %le3A_981, %masked_sort3A_835, %masked_sort3A_980 : vector<16xi1>, vector<16xf32>
    %masked_sort3A_984 = arith.constant dense<true> : vector<16xi1>
    %masked_sort3A_985, %masked_sort3A_986, %masked_sort3A_987 = tpu.sort %select_n3A_982, %select_n3A_983 masked %masked_sort3A_984 : (vector<16xf32>, vector<16xf32>, vector<16xi1>) -> (vector<16xi1>, vector<16xf32>, vector<16xf32>)
    %get3A_988 = arith.constant 2 : i32
    %get3A_989 = arith.index_cast %get3A_988 : i32 to index
    %get3A_990 = arith.constant 96 : index
    %get3A_991 = tpu.vector_load %arg4[%get3A_989, %get3A_990] {strides = array<i32>} : memref<8x512xf32, #tpu.memory_space<vmem>>, vector<16xf32>,
    %get3A_992 = arith.constant 2 : i32
    %get3A_993 = arith.index_cast %get3A_992 : i32 to index
    %get3A_994 = arith.constant 352 : index
    %get3A_995 = tpu.vector_load %arg4[%get3A_993, %get3A_994] {strides = array<i32>} : memref<8x512xf32, #tpu.memory_space<vmem>>, vector<16xf32>,
    %masked_sort3A_996 = arith.constant dense<true> : vector<16xi1>
    %masked_sort3A_997, %masked_sort3A_998, %masked_sort3A_999 = tpu.sort %get3A_991, %get3A_995 masked %masked_sort3A_996 {descending = true} : (vector<16xf32>, vector<16xf32>, vector<16xi1>) -> (vector<16xi1>, vector<16xf32>, vector<16xf32>)
    %le3A_1000 = arith.cmpf ole, %masked_sort3A_853, %masked_sort3A_998 : vector<16xf32>
    %select_n3A_1001 = arith.select %le3A_1000, %masked_sort3A_853, %masked_sort3A_998 : vector<16xi1>, vector<16xf32>
    %select_n3A_1002 = arith.select %le3A_1000, %masked_sort3A_854, %masked_sort3A_999 : vector<16xi1>, vector<16xf32>
    %masked_sort3A_1003 = arith.constant dense<true> : vector<16xi1>
    %masked_sort3A_1004, %masked_sort3A_1005, %masked_sort3A_1006 = tpu.sort %select_n3A_1001, %select_n3A_1002 masked %masked_sort3A_1003 : (vector<16xf32>, vector<16xf32>, vector<16xi1>) -> (vector<16xi1>, vector<16xf32>, vector<16xf32>)
    %get3A_1007 = arith.constant 3 : i32
    %get3A_1008 = arith.index_cast %get3A_1007 : i32 to index
    %get3A_1009 = arith.constant 96 : index
    %get3A_1010 = tpu.vector_load %arg4[%get3A_1008, %get3A_1009] {strides = array<i32>} : memref<8x512xf32, #tpu.memory_space<vmem>>, vector<16xf32>,
    %get3A_1011 = arith.constant 3 : i32
    %get3A_1012 = arith.index_cast %get3A_1011 : i32 to index
    %get3A_1013 = arith.constant 352 : index
    %get3A_1014 = tpu.vector_load %arg4[%get3A_1012, %get3A_1013] {strides = array<i32>} : memref<8x512xf32, #tpu.memory_space<vmem>>, vector<16xf32>,
    %masked_sort3A_1015 = arith.constant dense<true> : vector<16xi1>
    %masked_sort3A_1016, %masked_sort3A_1017, %masked_sort3A_1018 = tpu.sort %get3A_1010, %get3A_1014 masked %masked_sort3A_1015 {descending = true} : (vector<16xf32>, vector<16xf32>, vector<16xi1>) -> (vector<16xi1>, vector<16xf32>, vector<16xf32>)
    %le3A_1019 = arith.cmpf ole, %masked_sort3A_872, %masked_sort3A_1017 : vector<16xf32>
    %select_n3A_1020 = arith.select %le3A_1019, %masked_sort3A_872, %masked_sort3A_1017 : vector<16xi1>, vector<16xf32>
    %select_n3A_1021 = arith.select %le3A_1019, %masked_sort3A_873, %masked_sort3A_1018 : vector<16xi1>, vector<16xf32>
    %masked_sort3A_1022 = arith.constant dense<true> : vector<16xi1>
    %masked_sort3A_1023, %masked_sort3A_1024, %masked_sort3A_1025 = tpu.sort %select_n3A_1020, %select_n3A_1021 masked %masked_sort3A_1022 : (vector<16xf32>, vector<16xf32>, vector<16xi1>) -> (vector<16xi1>, vector<16xf32>, vector<16xf32>)
    %get3A_1026 = arith.constant 4 : i32
    %get3A_1027 = arith.index_cast %get3A_1026 : i32 to index
    %get3A_1028 = arith.constant 96 : index
    %get3A_1029 = tpu.vector_load %arg4[%get3A_1027, %get3A_1028] {strides = array<i32>} : memref<8x512xf32, #tpu.memory_space<vmem>>, vector<16xf32>,
    %get3A_1030 = arith.constant 4 : i32
    %get3A_1031 = arith.index_cast %get3A_1030 : i32 to index
    %get3A_1032 = arith.constant 352 : index
    %get3A_1033 = tpu.vector_load %arg4[%get3A_1031, %get3A_1032] {strides = array<i32>} : memref<8x512xf32, #tpu.memory_space<vmem>>, vector<16xf32>,
    %masked_sort3A_1034 = arith.constant dense<true> : vector<16xi1>
    %masked_sort3A_1035, %masked_sort3A_1036, %masked_sort3A_1037 = tpu.sort %get3A_1029, %get3A_1033 masked %masked_sort3A_1034 {descending = true} : (vector<16xf32>, vector<16xf32>, vector<16xi1>) -> (vector<16xi1>, vector<16xf32>, vector<16xf32>)
    %le3A_1038 = arith.cmpf ole, %masked_sort3A_891, %masked_sort3A_1036 : vector<16xf32>
    %select_n3A_1039 = arith.select %le3A_1038, %masked_sort3A_891, %masked_sort3A_1036 : vector<16xi1>, vector<16xf32>
    %select_n3A_1040 = arith.select %le3A_1038, %masked_sort3A_892, %masked_sort3A_1037 : vector<16xi1>, vector<16xf32>
    %masked_sort3A_1041 = arith.constant dense<true> : vector<16xi1>
    %masked_sort3A_1042, %masked_sort3A_1043, %masked_sort3A_1044 = tpu.sort %select_n3A_1039, %select_n3A_1040 masked %masked_sort3A_1041 : (vector<16xf32>, vector<16xf32>, vector<16xi1>) -> (vector<16xi1>, vector<16xf32>, vector<16xf32>)
    %get3A_1045 = arith.constant 5 : i32
    %get3A_1046 = arith.index_cast %get3A_1045 : i32 to index
    %get3A_1047 = arith.constant 96 : index
    %get3A_1048 = tpu.vector_load %arg4[%get3A_1046, %get3A_1047] {strides = array<i32>} : memref<8x512xf32, #tpu.memory_space<vmem>>, vector<16xf32>,
    %get3A_1049 = arith.constant 5 : i32
    %get3A_1050 = arith.index_cast %get3A_1049 : i32 to index
    %get3A_1051 = arith.constant 352 : index
    %get3A_1052 = tpu.vector_load %arg4[%get3A_1050, %get3A_1051] {strides = array<i32>} : memref<8x512xf32, #tpu.memory_space<vmem>>, vector<16xf32>,
    %masked_sort3A_1053 = arith.constant dense<true> : vector<16xi1>
    %masked_sort3A_1054, %masked_sort3A_1055, %masked_sort3A_1056 = tpu.sort %get3A_1048, %get3A_1052 masked %masked_sort3A_1053 {descending = true} : (vector<16xf32>, vector<16xf32>, vector<16xi1>) -> (vector<16xi1>, vector<16xf32>, vector<16xf32>)
    %le3A_1057 = arith.cmpf ole, %masked_sort3A_910, %masked_sort3A_1055 : vector<16xf32>
    %select_n3A_1058 = arith.select %le3A_1057, %masked_sort3A_910, %masked_sort3A_1055 : vector<16xi1>, vector<16xf32>
    %select_n3A_1059 = arith.select %le3A_1057, %masked_sort3A_911, %masked_sort3A_1056 : vector<16xi1>, vector<16xf32>
    %masked_sort3A_1060 = arith.constant dense<true> : vector<16xi1>
    %masked_sort3A_1061, %masked_sort3A_1062, %masked_sort3A_1063 = tpu.sort %select_n3A_1058, %select_n3A_1059 masked %masked_sort3A_1060 : (vector<16xf32>, vector<16xf32>, vector<16xi1>) -> (vector<16xi1>, vector<16xf32>, vector<16xf32>)
    %get3A_1064 = arith.constant 6 : i32
    %get3A_1065 = arith.index_cast %get3A_1064 : i32 to index
    %get3A_1066 = arith.constant 96 : index
    %get3A_1067 = tpu.vector_load %arg4[%get3A_1065, %get3A_1066] {strides = array<i32>} : memref<8x512xf32, #tpu.memory_space<vmem>>, vector<16xf32>,
    %get3A_1068 = arith.constant 6 : i32
    %get3A_1069 = arith.index_cast %get3A_1068 : i32 to index
    %get3A_1070 = arith.constant 352 : index
    %get3A_1071 = tpu.vector_load %arg4[%get3A_1069, %get3A_1070] {strides = array<i32>} : memref<8x512xf32, #tpu.memory_space<vmem>>, vector<16xf32>,
    %masked_sort3A_1072 = arith.constant dense<true> : vector<16xi1>
    %masked_sort3A_1073, %masked_sort3A_1074, %masked_sort3A_1075 = tpu.sort %get3A_1067, %get3A_1071 masked %masked_sort3A_1072 {descending = true} : (vector<16xf32>, vector<16xf32>, vector<16xi1>) -> (vector<16xi1>, vector<16xf32>, vector<16xf32>)
    %le3A_1076 = arith.cmpf ole, %masked_sort3A_929, %masked_sort3A_1074 : vector<16xf32>
    %select_n3A_1077 = arith.select %le3A_1076, %masked_sort3A_929, %masked_sort3A_1074 : vector<16xi1>, vector<16xf32>
    %select_n3A_1078 = arith.select %le3A_1076, %masked_sort3A_930, %masked_sort3A_1075 : vector<16xi1>, vector<16xf32>
    %masked_sort3A_1079 = arith.constant dense<true> : vector<16xi1>
    %masked_sort3A_1080, %masked_sort3A_1081, %masked_sort3A_1082 = tpu.sort %select_n3A_1077, %select_n3A_1078 masked %masked_sort3A_1079 : (vector<16xf32>, vector<16xf32>, vector<16xi1>) -> (vector<16xi1>, vector<16xf32>, vector<16xf32>)
    %get3A_1083 = arith.constant 7 : i32
    %get3A_1084 = arith.index_cast %get3A_1083 : i32 to index
    %get3A_1085 = arith.constant 96 : index
    %get3A_1086 = tpu.vector_load %arg4[%get3A_1084, %get3A_1085] {strides = array<i32>} : memref<8x512xf32, #tpu.memory_space<vmem>>, vector<16xf32>,
    %get3A_1087 = arith.constant 7 : i32
    %get3A_1088 = arith.index_cast %get3A_1087 : i32 to index
    %get3A_1089 = arith.constant 352 : index
    %get3A_1090 = tpu.vector_load %arg4[%get3A_1088, %get3A_1089] {strides = array<i32>} : memref<8x512xf32, #tpu.memory_space<vmem>>, vector<16xf32>,
    %masked_sort3A_1091 = arith.constant dense<true> : vector<16xi1>
    %masked_sort3A_1092, %masked_sort3A_1093, %masked_sort3A_1094 = tpu.sort %get3A_1086, %get3A_1090 masked %masked_sort3A_1091 {descending = true} : (vector<16xf32>, vector<16xf32>, vector<16xi1>) -> (vector<16xi1>, vector<16xf32>, vector<16xf32>)
    %le3A_1095 = arith.cmpf ole, %masked_sort3A_948, %masked_sort3A_1093 : vector<16xf32>
    %select_n3A_1096 = arith.select %le3A_1095, %masked_sort3A_948, %masked_sort3A_1093 : vector<16xi1>, vector<16xf32>
    %select_n3A_1097 = arith.select %le3A_1095, %masked_sort3A_949, %masked_sort3A_1094 : vector<16xi1>, vector<16xf32>
    %masked_sort3A_1098 = arith.constant dense<true> : vector<16xi1>
    %masked_sort3A_1099, %masked_sort3A_1100, %masked_sort3A_1101 = tpu.sort %select_n3A_1096, %select_n3A_1097 masked %masked_sort3A_1098 : (vector<16xf32>, vector<16xf32>, vector<16xi1>) -> (vector<16xi1>, vector<16xf32>, vector<16xf32>)
    %get3A_1102 = arith.constant 0 : i32
    %get3A_1103 = arith.index_cast %get3A_1102 : i32 to index
    %get3A_1104 = arith.constant 112 : index
    %get3A_1105 = tpu.vector_load %arg4[%get3A_1103, %get3A_1104] {strides = array<i32>} : memref<8x512xf32, #tpu.memory_space<vmem>>, vector<16xf32>,
    %get3A_1106 = arith.constant 0 : i32
    %get3A_1107 = arith.index_cast %get3A_1106 : i32 to index
    %get3A_1108 = arith.constant 368 : index
    %get3A_1109 = tpu.vector_load %arg4[%get3A_1107, %get3A_1108] {strides = array<i32>} : memref<8x512xf32, #tpu.memory_space<vmem>>, vector<16xf32>,
    %masked_sort3A_1110 = arith.constant dense<true> : vector<16xi1>
    %masked_sort3A_1111, %masked_sort3A_1112, %masked_sort3A_1113 = tpu.sort %get3A_1105, %get3A_1109 masked %masked_sort3A_1110 {descending = true} : (vector<16xf32>, vector<16xf32>, vector<16xi1>) -> (vector<16xi1>, vector<16xf32>, vector<16xf32>)
    %le3A_1114 = arith.cmpf ole, %masked_sort3A_967, %masked_sort3A_1112 : vector<16xf32>
    %select_n3A_1115 = arith.select %le3A_1114, %masked_sort3A_967, %masked_sort3A_1112 : vector<16xi1>, vector<16xf32>
    %select_n3A_1116 = arith.select %le3A_1114, %masked_sort3A_968, %masked_sort3A_1113 : vector<16xi1>, vector<16xf32>
    %masked_sort3A_1117 = arith.constant dense<true> : vector<16xi1>
    %masked_sort3A_1118, %masked_sort3A_1119, %masked_sort3A_1120 = tpu.sort %select_n3A_1115, %select_n3A_1116 masked %masked_sort3A_1117 : (vector<16xf32>, vector<16xf32>, vector<16xi1>) -> (vector<16xi1>, vector<16xf32>, vector<16xf32>)
    %get3A_1121 = arith.constant 1 : i32
    %get3A_1122 = arith.index_cast %get3A_1121 : i32 to index
    %get3A_1123 = arith.constant 112 : index
    %get3A_1124 = tpu.vector_load %arg4[%get3A_1122, %get3A_1123] {strides = array<i32>} : memref<8x512xf32, #tpu.memory_space<vmem>>, vector<16xf32>,
    %get3A_1125 = arith.constant 1 : i32
    %get3A_1126 = arith.index_cast %get3A_1125 : i32 to index
    %get3A_1127 = arith.constant 368 : index
    %get3A_1128 = tpu.vector_load %arg4[%get3A_1126, %get3A_1127] {strides = array<i32>} : memref<8x512xf32, #tpu.memory_space<vmem>>, vector<16xf32>,
    %masked_sort3A_1129 = arith.constant dense<true> : vector<16xi1>
    %masked_sort3A_1130, %masked_sort3A_1131, %masked_sort3A_1132 = tpu.sort %get3A_1124, %get3A_1128 masked %masked_sort3A_1129 {descending = true} : (vector<16xf32>, vector<16xf32>, vector<16xi1>) -> (vector<16xi1>, vector<16xf32>, vector<16xf32>)
    %le3A_1133 = arith.cmpf ole, %masked_sort3A_986, %masked_sort3A_1131 : vector<16xf32>
    %select_n3A_1134 = arith.select %le3A_1133, %masked_sort3A_986, %masked_sort3A_1131 : vector<16xi1>, vector<16xf32>
    %select_n3A_1135 = arith.select %le3A_1133, %masked_sort3A_987, %masked_sort3A_1132 : vector<16xi1>, vector<16xf32>
    %masked_sort3A_1136 = arith.constant dense<true> : vector<16xi1>
    %masked_sort3A_1137, %masked_sort3A_1138, %masked_sort3A_1139 = tpu.sort %select_n3A_1134, %select_n3A_1135 masked %masked_sort3A_1136 : (vector<16xf32>, vector<16xf32>, vector<16xi1>) -> (vector<16xi1>, vector<16xf32>, vector<16xf32>)
    %get3A_1140 = arith.constant 2 : i32
    %get3A_1141 = arith.index_cast %get3A_1140 : i32 to index
    %get3A_1142 = arith.constant 112 : index
    %get3A_1143 = tpu.vector_load %arg4[%get3A_1141, %get3A_1142] {strides = array<i32>} : memref<8x512xf32, #tpu.memory_space<vmem>>, vector<16xf32>,
    %get3A_1144 = arith.constant 2 : i32
    %get3A_1145 = arith.index_cast %get3A_1144 : i32 to index
    %get3A_1146 = arith.constant 368 : index
    %get3A_1147 = tpu.vector_load %arg4[%get3A_1145, %get3A_1146] {strides = array<i32>} : memref<8x512xf32, #tpu.memory_space<vmem>>, vector<16xf32>,
    %masked_sort3A_1148 = arith.constant dense<true> : vector<16xi1>
    %masked_sort3A_1149, %masked_sort3A_1150, %masked_sort3A_1151 = tpu.sort %get3A_1143, %get3A_1147 masked %masked_sort3A_1148 {descending = true} : (vector<16xf32>, vector<16xf32>, vector<16xi1>) -> (vector<16xi1>, vector<16xf32>, vector<16xf32>)
    %le3A_1152 = arith.cmpf ole, %masked_sort3A_1005, %masked_sort3A_1150 : vector<16xf32>
    %select_n3A_1153 = arith.select %le3A_1152, %masked_sort3A_1005, %masked_sort3A_1150 : vector<16xi1>, vector<16xf32>
    %select_n3A_1154 = arith.select %le3A_1152, %masked_sort3A_1006, %masked_sort3A_1151 : vector<16xi1>, vector<16xf32>
    %masked_sort3A_1155 = arith.constant dense<true> : vector<16xi1>
    %masked_sort3A_1156, %masked_sort3A_1157, %masked_sort3A_1158 = tpu.sort %select_n3A_1153, %select_n3A_1154 masked %masked_sort3A_1155 : (vector<16xf32>, vector<16xf32>, vector<16xi1>) -> (vector<16xi1>, vector<16xf32>, vector<16xf32>)
    %get3A_1159 = arith.constant 3 : i32
    %get3A_1160 = arith.index_cast %get3A_1159 : i32 to index
    %get3A_1161 = arith.constant 112 : index
    %get3A_1162 = tpu.vector_load %arg4[%get3A_1160, %get3A_1161] {strides = array<i32>} : memref<8x512xf32, #tpu.memory_space<vmem>>, vector<16xf32>,
    %get3A_1163 = arith.constant 3 : i32
    %get3A_1164 = arith.index_cast %get3A_1163 : i32 to index
    %get3A_1165 = arith.constant 368 : index
    %get3A_1166 = tpu.vector_load %arg4[%get3A_1164, %get3A_1165] {strides = array<i32>} : memref<8x512xf32, #tpu.memory_space<vmem>>, vector<16xf32>,
    %masked_sort3A_1167 = arith.constant dense<true> : vector<16xi1>
    %masked_sort3A_1168, %masked_sort3A_1169, %masked_sort3A_1170 = tpu.sort %get3A_1162, %get3A_1166 masked %masked_sort3A_1167 {descending = true} : (vector<16xf32>, vector<16xf32>, vector<16xi1>) -> (vector<16xi1>, vector<16xf32>, vector<16xf32>)
    %le3A_1171 = arith.cmpf ole, %masked_sort3A_1024, %masked_sort3A_1169 : vector<16xf32>
    %select_n3A_1172 = arith.select %le3A_1171, %masked_sort3A_1024, %masked_sort3A_1169 : vector<16xi1>, vector<16xf32>
    %select_n3A_1173 = arith.select %le3A_1171, %masked_sort3A_1025, %masked_sort3A_1170 : vector<16xi1>, vector<16xf32>
    %masked_sort3A_1174 = arith.constant dense<true> : vector<16xi1>
    %masked_sort3A_1175, %masked_sort3A_1176, %masked_sort3A_1177 = tpu.sort %select_n3A_1172, %select_n3A_1173 masked %masked_sort3A_1174 : (vector<16xf32>, vector<16xf32>, vector<16xi1>) -> (vector<16xi1>, vector<16xf32>, vector<16xf32>)
    %get3A_1178 = arith.constant 4 : i32
    %get3A_1179 = arith.index_cast %get3A_1178 : i32 to index
    %get3A_1180 = arith.constant 112 : index
    %get3A_1181 = tpu.vector_load %arg4[%get3A_1179, %get3A_1180] {strides = array<i32>} : memref<8x512xf32, #tpu.memory_space<vmem>>, vector<16xf32>,
    %get3A_1182 = arith.constant 4 : i32
    %get3A_1183 = arith.index_cast %get3A_1182 : i32 to index
    %get3A_1184 = arith.constant 368 : index
    %get3A_1185 = tpu.vector_load %arg4[%get3A_1183, %get3A_1184] {strides = array<i32>} : memref<8x512xf32, #tpu.memory_space<vmem>>, vector<16xf32>,
    %masked_sort3A_1186 = arith.constant dense<true> : vector<16xi1>
    %masked_sort3A_1187, %masked_sort3A_1188, %masked_sort3A_1189 = tpu.sort %get3A_1181, %get3A_1185 masked %masked_sort3A_1186 {descending = true} : (vector<16xf32>, vector<16xf32>, vector<16xi1>) -> (vector<16xi1>, vector<16xf32>, vector<16xf32>)
    %le3A_1190 = arith.cmpf ole, %masked_sort3A_1043, %masked_sort3A_1188 : vector<16xf32>
    %select_n3A_1191 = arith.select %le3A_1190, %masked_sort3A_1043, %masked_sort3A_1188 : vector<16xi1>, vector<16xf32>
    %select_n3A_1192 = arith.select %le3A_1190, %masked_sort3A_1044, %masked_sort3A_1189 : vector<16xi1>, vector<16xf32>
    %masked_sort3A_1193 = arith.constant dense<true> : vector<16xi1>
    %masked_sort3A_1194, %masked_sort3A_1195, %masked_sort3A_1196 = tpu.sort %select_n3A_1191, %select_n3A_1192 masked %masked_sort3A_1193 : (vector<16xf32>, vector<16xf32>, vector<16xi1>) -> (vector<16xi1>, vector<16xf32>, vector<16xf32>)
    %get3A_1197 = arith.constant 5 : i32
    %get3A_1198 = arith.index_cast %get3A_1197 : i32 to index
    %get3A_1199 = arith.constant 112 : index
    %get3A_1200 = tpu.vector_load %arg4[%get3A_1198, %get3A_1199] {strides = array<i32>} : memref<8x512xf32, #tpu.memory_space<vmem>>, vector<16xf32>,
    %get3A_1201 = arith.constant 5 : i32
    %get3A_1202 = arith.index_cast %get3A_1201 : i32 to index
    %get3A_1203 = arith.constant 368 : index
    %get3A_1204 = tpu.vector_load %arg4[%get3A_1202, %get3A_1203] {strides = array<i32>} : memref<8x512xf32, #tpu.memory_space<vmem>>, vector<16xf32>,
    %masked_sort3A_1205 = arith.constant dense<true> : vector<16xi1>
    %masked_sort3A_1206, %masked_sort3A_1207, %masked_sort3A_1208 = tpu.sort %get3A_1200, %get3A_1204 masked %masked_sort3A_1205 {descending = true} : (vector<16xf32>, vector<16xf32>, vector<16xi1>) -> (vector<16xi1>, vector<16xf32>, vector<16xf32>)
    %le3A_1209 = arith.cmpf ole, %masked_sort3A_1062, %masked_sort3A_1207 : vector<16xf32>
    %select_n3A_1210 = arith.select %le3A_1209, %masked_sort3A_1062, %masked_sort3A_1207 : vector<16xi1>, vector<16xf32>
    %select_n3A_1211 = arith.select %le3A_1209, %masked_sort3A_1063, %masked_sort3A_1208 : vector<16xi1>, vector<16xf32>
    %masked_sort3A_1212 = arith.constant dense<true> : vector<16xi1>
    %masked_sort3A_1213, %masked_sort3A_1214, %masked_sort3A_1215 = tpu.sort %select_n3A_1210, %select_n3A_1211 masked %masked_sort3A_1212 : (vector<16xf32>, vector<16xf32>, vector<16xi1>) -> (vector<16xi1>, vector<16xf32>, vector<16xf32>)
    %get3A_1216 = arith.constant 6 : i32
    %get3A_1217 = arith.index_cast %get3A_1216 : i32 to index
    %get3A_1218 = arith.constant 112 : index
    %get3A_1219 = tpu.vector_load %arg4[%get3A_1217, %get3A_1218] {strides = array<i32>} : memref<8x512xf32, #tpu.memory_space<vmem>>, vector<16xf32>,
    %get3A_1220 = arith.constant 6 : i32
    %get3A_1221 = arith.index_cast %get3A_1220 : i32 to index
    %get3A_1222 = arith.constant 368 : index
    %get3A_1223 = tpu.vector_load %arg4[%get3A_1221, %get3A_1222] {strides = array<i32>} : memref<8x512xf32, #tpu.memory_space<vmem>>, vector<16xf32>,
    %masked_sort3A_1224 = arith.constant dense<true> : vector<16xi1>
    %masked_sort3A_1225, %masked_sort3A_1226, %masked_sort3A_1227 = tpu.sort %get3A_1219, %get3A_1223 masked %masked_sort3A_1224 {descending = true} : (vector<16xf32>, vector<16xf32>, vector<16xi1>) -> (vector<16xi1>, vector<16xf32>, vector<16xf32>)
    %le3A_1228 = arith.cmpf ole, %masked_sort3A_1081, %masked_sort3A_1226 : vector<16xf32>
    %select_n3A_1229 = arith.select %le3A_1228, %masked_sort3A_1081, %masked_sort3A_1226 : vector<16xi1>, vector<16xf32>
    %select_n3A_1230 = arith.select %le3A_1228, %masked_sort3A_1082, %masked_sort3A_1227 : vector<16xi1>, vector<16xf32>
    %masked_sort3A_1231 = arith.constant dense<true> : vector<16xi1>
    %masked_sort3A_1232, %masked_sort3A_1233, %masked_sort3A_1234 = tpu.sort %select_n3A_1229, %select_n3A_1230 masked %masked_sort3A_1231 : (vector<16xf32>, vector<16xf32>, vector<16xi1>) -> (vector<16xi1>, vector<16xf32>, vector<16xf32>)
    %get3A_1235 = arith.constant 7 : i32
    %get3A_1236 = arith.index_cast %get3A_1235 : i32 to index
    %get3A_1237 = arith.constant 112 : index
    %get3A_1238 = tpu.vector_load %arg4[%get3A_1236, %get3A_1237] {strides = array<i32>} : memref<8x512xf32, #tpu.memory_space<vmem>>, vector<16xf32>,
    %get3A_1239 = arith.constant 7 : i32
    %get3A_1240 = arith.index_cast %get3A_1239 : i32 to index
    %get3A_1241 = arith.constant 368 : index
    %get3A_1242 = tpu.vector_load %arg4[%get3A_1240, %get3A_1241] {strides = array<i32>} : memref<8x512xf32, #tpu.memory_space<vmem>>, vector<16xf32>,
    %masked_sort3A_1243 = arith.constant dense<true> : vector<16xi1>
    %masked_sort3A_1244, %masked_sort3A_1245, %masked_sort3A_1246 = tpu.sort %get3A_1238, %get3A_1242 masked %masked_sort3A_1243 {descending = true} : (vector<16xf32>, vector<16xf32>, vector<16xi1>) -> (vector<16xi1>, vector<16xf32>, vector<16xf32>)
    %le3A_1247 = arith.cmpf ole, %masked_sort3A_1100, %masked_sort3A_1245 : vector<16xf32>
    %select_n3A_1248 = arith.select %le3A_1247, %masked_sort3A_1100, %masked_sort3A_1245 : vector<16xi1>, vector<16xf32>
    %select_n3A_1249 = arith.select %le3A_1247, %masked_sort3A_1101, %masked_sort3A_1246 : vector<16xi1>, vector<16xf32>
    %masked_sort3A_1250 = arith.constant dense<true> : vector<16xi1>
    %masked_sort3A_1251, %masked_sort3A_1252, %masked_sort3A_1253 = tpu.sort %select_n3A_1248, %select_n3A_1249 masked %masked_sort3A_1250 : (vector<16xf32>, vector<16xf32>, vector<16xi1>) -> (vector<16xi1>, vector<16xf32>, vector<16xf32>)
    %get3A_1254 = arith.constant 0 : i32
    %get3A_1255 = arith.index_cast %get3A_1254 : i32 to index
    %get3A_1256 = arith.constant 128 : index
    %get3A_1257 = tpu.vector_load %arg4[%get3A_1255, %get3A_1256] {strides = array<i32>} : memref<8x512xf32, #tpu.memory_space<vmem>>, vector<16xf32>,
    %get3A_1258 = arith.constant 0 : i32
    %get3A_1259 = arith.index_cast %get3A_1258 : i32 to index
    %get3A_1260 = arith.constant 384 : index
    %get3A_1261 = tpu.vector_load %arg4[%get3A_1259, %get3A_1260] {strides = array<i32>} : memref<8x512xf32, #tpu.memory_space<vmem>>, vector<16xf32>,
    %masked_sort3A_1262 = arith.constant dense<true> : vector<16xi1>
    %masked_sort3A_1263, %masked_sort3A_1264, %masked_sort3A_1265 = tpu.sort %get3A_1257, %get3A_1261 masked %masked_sort3A_1262 {descending = true} : (vector<16xf32>, vector<16xf32>, vector<16xi1>) -> (vector<16xi1>, vector<16xf32>, vector<16xf32>)
    %le3A_1266 = arith.cmpf ole, %masked_sort3A_1119, %masked_sort3A_1264 : vector<16xf32>
    %select_n3A_1267 = arith.select %le3A_1266, %masked_sort3A_1119, %masked_sort3A_1264 : vector<16xi1>, vector<16xf32>
    %select_n3A_1268 = arith.select %le3A_1266, %masked_sort3A_1120, %masked_sort3A_1265 : vector<16xi1>, vector<16xf32>
    %masked_sort3A_1269 = arith.constant dense<true> : vector<16xi1>
    %masked_sort3A_1270, %masked_sort3A_1271, %masked_sort3A_1272 = tpu.sort %select_n3A_1267, %select_n3A_1268 masked %masked_sort3A_1269 : (vector<16xf32>, vector<16xf32>, vector<16xi1>) -> (vector<16xi1>, vector<16xf32>, vector<16xf32>)
    %get3A_1273 = arith.constant 1 : i32
    %get3A_1274 = arith.index_cast %get3A_1273 : i32 to index
    %get3A_1275 = arith.constant 128 : index
    %get3A_1276 = tpu.vector_load %arg4[%get3A_1274, %get3A_1275] {strides = array<i32>} : memref<8x512xf32, #tpu.memory_space<vmem>>, vector<16xf32>,
    %get3A_1277 = arith.constant 1 : i32
    %get3A_1278 = arith.index_cast %get3A_1277 : i32 to index
    %get3A_1279 = arith.constant 384 : index
    %get3A_1280 = tpu.vector_load %arg4[%get3A_1278, %get3A_1279] {strides = array<i32>} : memref<8x512xf32, #tpu.memory_space<vmem>>, vector<16xf32>,
    %masked_sort3A_1281 = arith.constant dense<true> : vector<16xi1>
    %masked_sort3A_1282, %masked_sort3A_1283, %masked_sort3A_1284 = tpu.sort %get3A_1276, %get3A_1280 masked %masked_sort3A_1281 {descending = true} : (vector<16xf32>, vector<16xf32>, vector<16xi1>) -> (vector<16xi1>, vector<16xf32>, vector<16xf32>)
    %le3A_1285 = arith.cmpf ole, %masked_sort3A_1138, %masked_sort3A_1283 : vector<16xf32>
    %select_n3A_1286 = arith.select %le3A_1285, %masked_sort3A_1138, %masked_sort3A_1283 : vector<16xi1>, vector<16xf32>
    %select_n3A_1287 = arith.select %le3A_1285, %masked_sort3A_1139, %masked_sort3A_1284 : vector<16xi1>, vector<16xf32>
    %masked_sort3A_1288 = arith.constant dense<true> : vector<16xi1>
    %masked_sort3A_1289, %masked_sort3A_1290, %masked_sort3A_1291 = tpu.sort %select_n3A_1286, %select_n3A_1287 masked %masked_sort3A_1288 : (vector<16xf32>, vector<16xf32>, vector<16xi1>) -> (vector<16xi1>, vector<16xf32>, vector<16xf32>)
    %get3A_1292 = arith.constant 2 : i32
    %get3A_1293 = arith.index_cast %get3A_1292 : i32 to index
    %get3A_1294 = arith.constant 128 : index
    %get3A_1295 = tpu.vector_load %arg4[%get3A_1293, %get3A_1294] {strides = array<i32>} : memref<8x512xf32, #tpu.memory_space<vmem>>, vector<16xf32>,
    %get3A_1296 = arith.constant 2 : i32
    %get3A_1297 = arith.index_cast %get3A_1296 : i32 to index
    %get3A_1298 = arith.constant 384 : index
    %get3A_1299 = tpu.vector_load %arg4[%get3A_1297, %get3A_1298] {strides = array<i32>} : memref<8x512xf32, #tpu.memory_space<vmem>>, vector<16xf32>,
    %masked_sort3A_1300 = arith.constant dense<true> : vector<16xi1>
    %masked_sort3A_1301, %masked_sort3A_1302, %masked_sort3A_1303 = tpu.sort %get3A_1295, %get3A_1299 masked %masked_sort3A_1300 {descending = true} : (vector<16xf32>, vector<16xf32>, vector<16xi1>) -> (vector<16xi1>, vector<16xf32>, vector<16xf32>)
    %le3A_1304 = arith.cmpf ole, %masked_sort3A_1157, %masked_sort3A_1302 : vector<16xf32>
    %select_n3A_1305 = arith.select %le3A_1304, %masked_sort3A_1157, %masked_sort3A_1302 : vector<16xi1>, vector<16xf32>
    %select_n3A_1306 = arith.select %le3A_1304, %masked_sort3A_1158, %masked_sort3A_1303 : vector<16xi1>, vector<16xf32>
    %masked_sort3A_1307 = arith.constant dense<true> : vector<16xi1>
    %masked_sort3A_1308, %masked_sort3A_1309, %masked_sort3A_1310 = tpu.sort %select_n3A_1305, %select_n3A_1306 masked %masked_sort3A_1307 : (vector<16xf32>, vector<16xf32>, vector<16xi1>) -> (vector<16xi1>, vector<16xf32>, vector<16xf32>)
    %get3A_1311 = arith.constant 3 : i32
    %get3A_1312 = arith.index_cast %get3A_1311 : i32 to index
    %get3A_1313 = arith.constant 128 : index
    %get3A_1314 = tpu.vector_load %arg4[%get3A_1312, %get3A_1313] {strides = array<i32>} : memref<8x512xf32, #tpu.memory_space<vmem>>, vector<16xf32>,
    %get3A_1315 = arith.constant 3 : i32
    %get3A_1316 = arith.index_cast %get3A_1315 : i32 to index
    %get3A_1317 = arith.constant 384 : index
    %get3A_1318 = tpu.vector_load %arg4[%get3A_1316, %get3A_1317] {strides = array<i32>} : memref<8x512xf32, #tpu.memory_space<vmem>>, vector<16xf32>,
    %masked_sort3A_1319 = arith.constant dense<true> : vector<16xi1>
    %masked_sort3A_1320, %masked_sort3A_1321, %masked_sort3A_1322 = tpu.sort %get3A_1314, %get3A_1318 masked %masked_sort3A_1319 {descending = true} : (vector<16xf32>, vector<16xf32>, vector<16xi1>) -> (vector<16xi1>, vector<16xf32>, vector<16xf32>)
    %le3A_1323 = arith.cmpf ole, %masked_sort3A_1176, %masked_sort3A_1321 : vector<16xf32>
    %select_n3A_1324 = arith.select %le3A_1323, %masked_sort3A_1176, %masked_sort3A_1321 : vector<16xi1>, vector<16xf32>
    %select_n3A_1325 = arith.select %le3A_1323, %masked_sort3A_1177, %masked_sort3A_1322 : vector<16xi1>, vector<16xf32>
    %masked_sort3A_1326 = arith.constant dense<true> : vector<16xi1>
    %masked_sort3A_1327, %masked_sort3A_1328, %masked_sort3A_1329 = tpu.sort %select_n3A_1324, %select_n3A_1325 masked %masked_sort3A_1326 : (vector<16xf32>, vector<16xf32>, vector<16xi1>) -> (vector<16xi1>, vector<16xf32>, vector<16xf32>)
    %get3A_1330 = arith.constant 4 : i32
    %get3A_1331 = arith.index_cast %get3A_1330 : i32 to index
    %get3A_1332 = arith.constant 128 : index
    %get3A_1333 = tpu.vector_load %arg4[%get3A_1331, %get3A_1332] {strides = array<i32>} : memref<8x512xf32, #tpu.memory_space<vmem>>, vector<16xf32>,
    %get3A_1334 = arith.constant 4 : i32
    %get3A_1335 = arith.index_cast %get3A_1334 : i32 to index
    %get3A_1336 = arith.constant 384 : index
    %get3A_1337 = tpu.vector_load %arg4[%get3A_1335, %get3A_1336] {strides = array<i32>} : memref<8x512xf32, #tpu.memory_space<vmem>>, vector<16xf32>,
    %masked_sort3A_1338 = arith.constant dense<true> : vector<16xi1>
    %masked_sort3A_1339, %masked_sort3A_1340, %masked_sort3A_1341 = tpu.sort %get3A_1333, %get3A_1337 masked %masked_sort3A_1338 {descending = true} : (vector<16xf32>, vector<16xf32>, vector<16xi1>) -> (vector<16xi1>, vector<16xf32>, vector<16xf32>)
    %le3A_1342 = arith.cmpf ole, %masked_sort3A_1195, %masked_sort3A_1340 : vector<16xf32>
    %select_n3A_1343 = arith.select %le3A_1342, %masked_sort3A_1195, %masked_sort3A_1340 : vector<16xi1>, vector<16xf32>
    %select_n3A_1344 = arith.select %le3A_1342, %masked_sort3A_1196, %masked_sort3A_1341 : vector<16xi1>, vector<16xf32>
    %masked_sort3A_1345 = arith.constant dense<true> : vector<16xi1>
    %masked_sort3A_1346, %masked_sort3A_1347, %masked_sort3A_1348 = tpu.sort %select_n3A_1343, %select_n3A_1344 masked %masked_sort3A_1345 : (vector<16xf32>, vector<16xf32>, vector<16xi1>) -> (vector<16xi1>, vector<16xf32>, vector<16xf32>)
    %get3A_1349 = arith.constant 5 : i32
    %get3A_1350 = arith.index_cast %get3A_1349 : i32 to index
    %get3A_1351 = arith.constant 128 : index
    %get3A_1352 = tpu.vector_load %arg4[%get3A_1350, %get3A_1351] {strides = array<i32>} : memref<8x512xf32, #tpu.memory_space<vmem>>, vector<16xf32>,
    %get3A_1353 = arith.constant 5 : i32
    %get3A_1354 = arith.index_cast %get3A_1353 : i32 to index
    %get3A_1355 = arith.constant 384 : index
    %get3A_1356 = tpu.vector_load %arg4[%get3A_1354, %get3A_1355] {strides = array<i32>} : memref<8x512xf32, #tpu.memory_space<vmem>>, vector<16xf32>,
    %masked_sort3A_1357 = arith.constant dense<true> : vector<16xi1>
    %masked_sort3A_1358, %masked_sort3A_1359, %masked_sort3A_1360 = tpu.sort %get3A_1352, %get3A_1356 masked %masked_sort3A_1357 {descending = true} : (vector<16xf32>, vector<16xf32>, vector<16xi1>) -> (vector<16xi1>, vector<16xf32>, vector<16xf32>)
    %le3A_1361 = arith.cmpf ole, %masked_sort3A_1214, %masked_sort3A_1359 : vector<16xf32>
    %select_n3A_1362 = arith.select %le3A_1361, %masked_sort3A_1214, %masked_sort3A_1359 : vector<16xi1>, vector<16xf32>
    %select_n3A_1363 = arith.select %le3A_1361, %masked_sort3A_1215, %masked_sort3A_1360 : vector<16xi1>, vector<16xf32>
    %masked_sort3A_1364 = arith.constant dense<true> : vector<16xi1>
    %masked_sort3A_1365, %masked_sort3A_1366, %masked_sort3A_1367 = tpu.sort %select_n3A_1362, %select_n3A_1363 masked %masked_sort3A_1364 : (vector<16xf32>, vector<16xf32>, vector<16xi1>) -> (vector<16xi1>, vector<16xf32>, vector<16xf32>)
    %get3A_1368 = arith.constant 6 : i32
    %get3A_1369 = arith.index_cast %get3A_1368 : i32 to index
    %get3A_1370 = arith.constant 128 : index
    %get3A_1371 = tpu.vector_load %arg4[%get3A_1369, %get3A_1370] {strides = array<i32>} : memref<8x512xf32, #tpu.memory_space<vmem>>, vector<16xf32>,
    %get3A_1372 = arith.constant 6 : i32
    %get3A_1373 = arith.index_cast %get3A_1372 : i32 to index
    %get3A_1374 = arith.constant 384 : index
    %get3A_1375 = tpu.vector_load %arg4[%get3A_1373, %get3A_1374] {strides = array<i32>} : memref<8x512xf32, #tpu.memory_space<vmem>>, vector<16xf32>,
    %masked_sort3A_1376 = arith.constant dense<true> : vector<16xi1>
    %masked_sort3A_1377, %masked_sort3A_1378, %masked_sort3A_1379 = tpu.sort %get3A_1371, %get3A_1375 masked %masked_sort3A_1376 {descending = true} : (vector<16xf32>, vector<16xf32>, vector<16xi1>) -> (vector<16xi1>, vector<16xf32>, vector<16xf32>)
    %le3A_1380 = arith.cmpf ole, %masked_sort3A_1233, %masked_sort3A_1378 : vector<16xf32>
    %select_n3A_1381 = arith.select %le3A_1380, %masked_sort3A_1233, %masked_sort3A_1378 : vector<16xi1>, vector<16xf32>
    %select_n3A_1382 = arith.select %le3A_1380, %masked_sort3A_1234, %masked_sort3A_1379 : vector<16xi1>, vector<16xf32>
    %masked_sort3A_1383 = arith.constant dense<true> : vector<16xi1>
    %masked_sort3A_1384, %masked_sort3A_1385, %masked_sort3A_1386 = tpu.sort %select_n3A_1381, %select_n3A_1382 masked %masked_sort3A_1383 : (vector<16xf32>, vector<16xf32>, vector<16xi1>) -> (vector<16xi1>, vector<16xf32>, vector<16xf32>)
    %get3A_1387 = arith.constant 7 : i32
    %get3A_1388 = arith.index_cast %get3A_1387 : i32 to index
    %get3A_1389 = arith.constant 128 : index
    %get3A_1390 = tpu.vector_load %arg4[%get3A_1388, %get3A_1389] {strides = array<i32>} : memref<8x512xf32, #tpu.memory_space<vmem>>, vector<16xf32>,
    %get3A_1391 = arith.constant 7 : i32
    %get3A_1392 = arith.index_cast %get3A_1391 : i32 to index
    %get3A_1393 = arith.constant 384 : index
    %get3A_1394 = tpu.vector_load %arg4[%get3A_1392, %get3A_1393] {strides = array<i32>} : memref<8x512xf32, #tpu.memory_space<vmem>>, vector<16xf32>,
    %masked_sort3A_1395 = arith.constant dense<true> : vector<16xi1>
    %masked_sort3A_1396, %masked_sort3A_1397, %masked_sort3A_1398 = tpu.sort %get3A_1390, %get3A_1394 masked %masked_sort3A_1395 {descending = true} : (vector<16xf32>, vector<16xf32>, vector<16xi1>) -> (vector<16xi1>, vector<16xf32>, vector<16xf32>)
    %le3A_1399 = arith.cmpf ole, %masked_sort3A_1252, %masked_sort3A_1397 : vector<16xf32>
    %select_n3A_1400 = arith.select %le3A_1399, %masked_sort3A_1252, %masked_sort3A_1397 : vector<16xi1>, vector<16xf32>
    %select_n3A_1401 = arith.select %le3A_1399, %masked_sort3A_1253, %masked_sort3A_1398 : vector<16xi1>, vector<16xf32>
    %masked_sort3A_1402 = arith.constant dense<true> : vector<16xi1>
    %masked_sort3A_1403, %masked_sort3A_1404, %masked_sort3A_1405 = tpu.sort %select_n3A_1400, %select_n3A_1401 masked %masked_sort3A_1402 : (vector<16xf32>, vector<16xf32>, vector<16xi1>) -> (vector<16xi1>, vector<16xf32>, vector<16xf32>)
    %get3A_1406 = arith.constant 0 : i32
    %get3A_1407 = arith.index_cast %get3A_1406 : i32 to index
    %get3A_1408 = arith.constant 144 : index
    %get3A_1409 = tpu.vector_load %arg4[%get3A_1407, %get3A_1408] {strides = array<i32>} : memref<8x512xf32, #tpu.memory_space<vmem>>, vector<16xf32>,
    %get3A_1410 = arith.constant 0 : i32
    %get3A_1411 = arith.index_cast %get3A_1410 : i32 to index
    %get3A_1412 = arith.constant 400 : index
    %get3A_1413 = tpu.vector_load %arg4[%get3A_1411, %get3A_1412] {strides = array<i32>} : memref<8x512xf32, #tpu.memory_space<vmem>>, vector<16xf32>,
    %masked_sort3A_1414 = arith.constant dense<true> : vector<16xi1>
    %masked_sort3A_1415, %masked_sort3A_1416, %masked_sort3A_1417 = tpu.sort %get3A_1409, %get3A_1413 masked %masked_sort3A_1414 {descending = true} : (vector<16xf32>, vector<16xf32>, vector<16xi1>) -> (vector<16xi1>, vector<16xf32>, vector<16xf32>)
    %le3A_1418 = arith.cmpf ole, %masked_sort3A_1271, %masked_sort3A_1416 : vector<16xf32>
    %select_n3A_1419 = arith.select %le3A_1418, %masked_sort3A_1271, %masked_sort3A_1416 : vector<16xi1>, vector<16xf32>
    %select_n3A_1420 = arith.select %le3A_1418, %masked_sort3A_1272, %masked_sort3A_1417 : vector<16xi1>, vector<16xf32>
    %masked_sort3A_1421 = arith.constant dense<true> : vector<16xi1>
    %masked_sort3A_1422, %masked_sort3A_1423, %masked_sort3A_1424 = tpu.sort %select_n3A_1419, %select_n3A_1420 masked %masked_sort3A_1421 : (vector<16xf32>, vector<16xf32>, vector<16xi1>) -> (vector<16xi1>, vector<16xf32>, vector<16xf32>)
    %get3A_1425 = arith.constant 1 : i32
    %get3A_1426 = arith.index_cast %get3A_1425 : i32 to index
    %get3A_1427 = arith.constant 144 : index
    %get3A_1428 = tpu.vector_load %arg4[%get3A_1426, %get3A_1427] {strides = array<i32>} : memref<8x512xf32, #tpu.memory_space<vmem>>, vector<16xf32>,
    %get3A_1429 = arith.constant 1 : i32
    %get3A_1430 = arith.index_cast %get3A_1429 : i32 to index
    %get3A_1431 = arith.constant 400 : index
    %get3A_1432 = tpu.vector_load %arg4[%get3A_1430, %get3A_1431] {strides = array<i32>} : memref<8x512xf32, #tpu.memory_space<vmem>>, vector<16xf32>,
    %masked_sort3A_1433 = arith.constant dense<true> : vector<16xi1>
    %masked_sort3A_1434, %masked_sort3A_1435, %masked_sort3A_1436 = tpu.sort %get3A_1428, %get3A_1432 masked %masked_sort3A_1433 {descending = true} : (vector<16xf32>, vector<16xf32>, vector<16xi1>) -> (vector<16xi1>, vector<16xf32>, vector<16xf32>)
    %le3A_1437 = arith.cmpf ole, %masked_sort3A_1290, %masked_sort3A_1435 : vector<16xf32>
    %select_n3A_1438 = arith.select %le3A_1437, %masked_sort3A_1290, %masked_sort3A_1435 : vector<16xi1>, vector<16xf32>
    %select_n3A_1439 = arith.select %le3A_1437, %masked_sort3A_1291, %masked_sort3A_1436 : vector<16xi1>, vector<16xf32>
    %masked_sort3A_1440 = arith.constant dense<true> : vector<16xi1>
    %masked_sort3A_1441, %masked_sort3A_1442, %masked_sort3A_1443 = tpu.sort %select_n3A_1438, %select_n3A_1439 masked %masked_sort3A_1440 : (vector<16xf32>, vector<16xf32>, vector<16xi1>) -> (vector<16xi1>, vector<16xf32>, vector<16xf32>)
    %get3A_1444 = arith.constant 2 : i32
    %get3A_1445 = arith.index_cast %get3A_1444 : i32 to index
    %get3A_1446 = arith.constant 144 : index
    %get3A_1447 = tpu.vector_load %arg4[%get3A_1445, %get3A_1446] {strides = array<i32>} : memref<8x512xf32, #tpu.memory_space<vmem>>, vector<16xf32>,
    %get3A_1448 = arith.constant 2 : i32
    %get3A_1449 = arith.index_cast %get3A_1448 : i32 to index
    %get3A_1450 = arith.constant 400 : index
    %get3A_1451 = tpu.vector_load %arg4[%get3A_1449, %get3A_1450] {strides = array<i32>} : memref<8x512xf32, #tpu.memory_space<vmem>>, vector<16xf32>,
    %masked_sort3A_1452 = arith.constant dense<true> : vector<16xi1>
    %masked_sort3A_1453, %masked_sort3A_1454, %masked_sort3A_1455 = tpu.sort %get3A_1447, %get3A_1451 masked %masked_sort3A_1452 {descending = true} : (vector<16xf32>, vector<16xf32>, vector<16xi1>) -> (vector<16xi1>, vector<16xf32>, vector<16xf32>)
    %le3A_1456 = arith.cmpf ole, %masked_sort3A_1309, %masked_sort3A_1454 : vector<16xf32>
    %select_n3A_1457 = arith.select %le3A_1456, %masked_sort3A_1309, %masked_sort3A_1454 : vector<16xi1>, vector<16xf32>
    %select_n3A_1458 = arith.select %le3A_1456, %masked_sort3A_1310, %masked_sort3A_1455 : vector<16xi1>, vector<16xf32>
    %masked_sort3A_1459 = arith.constant dense<true> : vector<16xi1>
    %masked_sort3A_1460, %masked_sort3A_1461, %masked_sort3A_1462 = tpu.sort %select_n3A_1457, %select_n3A_1458 masked %masked_sort3A_1459 : (vector<16xf32>, vector<16xf32>, vector<16xi1>) -> (vector<16xi1>, vector<16xf32>, vector<16xf32>)
    %get3A_1463 = arith.constant 3 : i32
    %get3A_1464 = arith.index_cast %get3A_1463 : i32 to index
    %get3A_1465 = arith.constant 144 : index
    %get3A_1466 = tpu.vector_load %arg4[%get3A_1464, %get3A_1465] {strides = array<i32>} : memref<8x512xf32, #tpu.memory_space<vmem>>, vector<16xf32>,
    %get3A_1467 = arith.constant 3 : i32
    %get3A_1468 = arith.index_cast %get3A_1467 : i32 to index
    %get3A_1469 = arith.constant 400 : index
    %get3A_1470 = tpu.vector_load %arg4[%get3A_1468, %get3A_1469] {strides = array<i32>} : memref<8x512xf32, #tpu.memory_space<vmem>>, vector<16xf32>,
    %masked_sort3A_1471 = arith.constant dense<true> : vector<16xi1>
    %masked_sort3A_1472, %masked_sort3A_1473, %masked_sort3A_1474 = tpu.sort %get3A_1466, %get3A_1470 masked %masked_sort3A_1471 {descending = true} : (vector<16xf32>, vector<16xf32>, vector<16xi1>) -> (vector<16xi1>, vector<16xf32>, vector<16xf32>)
    %le3A_1475 = arith.cmpf ole, %masked_sort3A_1328, %masked_sort3A_1473 : vector<16xf32>
    %select_n3A_1476 = arith.select %le3A_1475, %masked_sort3A_1328, %masked_sort3A_1473 : vector<16xi1>, vector<16xf32>
    %select_n3A_1477 = arith.select %le3A_1475, %masked_sort3A_1329, %masked_sort3A_1474 : vector<16xi1>, vector<16xf32>
    %masked_sort3A_1478 = arith.constant dense<true> : vector<16xi1>
    %masked_sort3A_1479, %masked_sort3A_1480, %masked_sort3A_1481 = tpu.sort %select_n3A_1476, %select_n3A_1477 masked %masked_sort3A_1478 : (vector<16xf32>, vector<16xf32>, vector<16xi1>) -> (vector<16xi1>, vector<16xf32>, vector<16xf32>)
    %get3A_1482 = arith.constant 4 : i32
    %get3A_1483 = arith.index_cast %get3A_1482 : i32 to index
    %get3A_1484 = arith.constant 144 : index
    %get3A_1485 = tpu.vector_load %arg4[%get3A_1483, %get3A_1484] {strides = array<i32>} : memref<8x512xf32, #tpu.memory_space<vmem>>, vector<16xf32>,
    %get3A_1486 = arith.constant 4 : i32
    %get3A_1487 = arith.index_cast %get3A_1486 : i32 to index
    %get3A_1488 = arith.constant 400 : index
    %get3A_1489 = tpu.vector_load %arg4[%get3A_1487, %get3A_1488] {strides = array<i32>} : memref<8x512xf32, #tpu.memory_space<vmem>>, vector<16xf32>,
    %masked_sort3A_1490 = arith.constant dense<true> : vector<16xi1>
    %masked_sort3A_1491, %masked_sort3A_1492, %masked_sort3A_1493 = tpu.sort %get3A_1485, %get3A_1489 masked %masked_sort3A_1490 {descending = true} : (vector<16xf32>, vector<16xf32>, vector<16xi1>) -> (vector<16xi1>, vector<16xf32>, vector<16xf32>)
    %le3A_1494 = arith.cmpf ole, %masked_sort3A_1347, %masked_sort3A_1492 : vector<16xf32>
    %select_n3A_1495 = arith.select %le3A_1494, %masked_sort3A_1347, %masked_sort3A_1492 : vector<16xi1>, vector<16xf32>
    %select_n3A_1496 = arith.select %le3A_1494, %masked_sort3A_1348, %masked_sort3A_1493 : vector<16xi1>, vector<16xf32>
    %masked_sort3A_1497 = arith.constant dense<true> : vector<16xi1>
    %masked_sort3A_1498, %masked_sort3A_1499, %masked_sort3A_1500 = tpu.sort %select_n3A_1495, %select_n3A_1496 masked %masked_sort3A_1497 : (vector<16xf32>, vector<16xf32>, vector<16xi1>) -> (vector<16xi1>, vector<16xf32>, vector<16xf32>)
    %get3A_1501 = arith.constant 5 : i32
    %get3A_1502 = arith.index_cast %get3A_1501 : i32 to index
    %get3A_1503 = arith.constant 144 : index
    %get3A_1504 = tpu.vector_load %arg4[%get3A_1502, %get3A_1503] {strides = array<i32>} : memref<8x512xf32, #tpu.memory_space<vmem>>, vector<16xf32>,
    %get3A_1505 = arith.constant 5 : i32
    %get3A_1506 = arith.index_cast %get3A_1505 : i32 to index
    %get3A_1507 = arith.constant 400 : index
    %get3A_1508 = tpu.vector_load %arg4[%get3A_1506, %get3A_1507] {strides = array<i32>} : memref<8x512xf32, #tpu.memory_space<vmem>>, vector<16xf32>,
    %masked_sort3A_1509 = arith.constant dense<true> : vector<16xi1>
    %masked_sort3A_1510, %masked_sort3A_1511, %masked_sort3A_1512 = tpu.sort %get3A_1504, %get3A_1508 masked %masked_sort3A_1509 {descending = true} : (vector<16xf32>, vector<16xf32>, vector<16xi1>) -> (vector<16xi1>, vector<16xf32>, vector<16xf32>)
    %le3A_1513 = arith.cmpf ole, %masked_sort3A_1366, %masked_sort3A_1511 : vector<16xf32>
    %select_n3A_1514 = arith.select %le3A_1513, %masked_sort3A_1366, %masked_sort3A_1511 : vector<16xi1>, vector<16xf32>
    %select_n3A_1515 = arith.select %le3A_1513, %masked_sort3A_1367, %masked_sort3A_1512 : vector<16xi1>, vector<16xf32>
    %masked_sort3A_1516 = arith.constant dense<true> : vector<16xi1>
    %masked_sort3A_1517, %masked_sort3A_1518, %masked_sort3A_1519 = tpu.sort %select_n3A_1514, %select_n3A_1515 masked %masked_sort3A_1516 : (vector<16xf32>, vector<16xf32>, vector<16xi1>) -> (vector<16xi1>, vector<16xf32>, vector<16xf32>)
    %get3A_1520 = arith.constant 6 : i32
    %get3A_1521 = arith.index_cast %get3A_1520 : i32 to index
    %get3A_1522 = arith.constant 144 : index
    %get3A_1523 = tpu.vector_load %arg4[%get3A_1521, %get3A_1522] {strides = array<i32>} : memref<8x512xf32, #tpu.memory_space<vmem>>, vector<16xf32>,
    %get3A_1524 = arith.constant 6 : i32
    %get3A_1525 = arith.index_cast %get3A_1524 : i32 to index
    %get3A_1526 = arith.constant 400 : index
    %get3A_1527 = tpu.vector_load %arg4[%get3A_1525, %get3A_1526] {strides = array<i32>} : memref<8x512xf32, #tpu.memory_space<vmem>>, vector<16xf32>,
    %masked_sort3A_1528 = arith.constant dense<true> : vector<16xi1>
    %masked_sort3A_1529, %masked_sort3A_1530, %masked_sort3A_1531 = tpu.sort %get3A_1523, %get3A_1527 masked %masked_sort3A_1528 {descending = true} : (vector<16xf32>, vector<16xf32>, vector<16xi1>) -> (vector<16xi1>, vector<16xf32>, vector<16xf32>)
    %le3A_1532 = arith.cmpf ole, %masked_sort3A_1385, %masked_sort3A_1530 : vector<16xf32>
    %select_n3A_1533 = arith.select %le3A_1532, %masked_sort3A_1385, %masked_sort3A_1530 : vector<16xi1>, vector<16xf32>
    %select_n3A_1534 = arith.select %le3A_1532, %masked_sort3A_1386, %masked_sort3A_1531 : vector<16xi1>, vector<16xf32>
    %masked_sort3A_1535 = arith.constant dense<true> : vector<16xi1>
    %masked_sort3A_1536, %masked_sort3A_1537, %masked_sort3A_1538 = tpu.sort %select_n3A_1533, %select_n3A_1534 masked %masked_sort3A_1535 : (vector<16xf32>, vector<16xf32>, vector<16xi1>) -> (vector<16xi1>, vector<16xf32>, vector<16xf32>)
    %get3A_1539 = arith.constant 7 : i32
    %get3A_1540 = arith.index_cast %get3A_1539 : i32 to index
    %get3A_1541 = arith.constant 144 : index
    %get3A_1542 = tpu.vector_load %arg4[%get3A_1540, %get3A_1541] {strides = array<i32>} : memref<8x512xf32, #tpu.memory_space<vmem>>, vector<16xf32>,
    %get3A_1543 = arith.constant 7 : i32
    %get3A_1544 = arith.index_cast %get3A_1543 : i32 to index
    %get3A_1545 = arith.constant 400 : index
    %get3A_1546 = tpu.vector_load %arg4[%get3A_1544, %get3A_1545] {strides = array<i32>} : memref<8x512xf32, #tpu.memory_space<vmem>>, vector<16xf32>,
    %masked_sort3A_1547 = arith.constant dense<true> : vector<16xi1>
    %masked_sort3A_1548, %masked_sort3A_1549, %masked_sort3A_1550 = tpu.sort %get3A_1542, %get3A_1546 masked %masked_sort3A_1547 {descending = true} : (vector<16xf32>, vector<16xf32>, vector<16xi1>) -> (vector<16xi1>, vector<16xf32>, vector<16xf32>)
    %le3A_1551 = arith.cmpf ole, %masked_sort3A_1404, %masked_sort3A_1549 : vector<16xf32>
    %select_n3A_1552 = arith.select %le3A_1551, %masked_sort3A_1404, %masked_sort3A_1549 : vector<16xi1>, vector<16xf32>
    %select_n3A_1553 = arith.select %le3A_1551, %masked_sort3A_1405, %masked_sort3A_1550 : vector<16xi1>, vector<16xf32>
    %masked_sort3A_1554 = arith.constant dense<true> : vector<16xi1>
    %masked_sort3A_1555, %masked_sort3A_1556, %masked_sort3A_1557 = tpu.sort %select_n3A_1552, %select_n3A_1553 masked %masked_sort3A_1554 : (vector<16xf32>, vector<16xf32>, vector<16xi1>) -> (vector<16xi1>, vector<16xf32>, vector<16xf32>)
    %get3A_1558 = arith.constant 0 : i32
    %get3A_1559 = arith.index_cast %get3A_1558 : i32 to index
    %get3A_1560 = arith.constant 160 : index
    %get3A_1561 = tpu.vector_load %arg4[%get3A_1559, %get3A_1560] {strides = array<i32>} : memref<8x512xf32, #tpu.memory_space<vmem>>, vector<16xf32>,
    %get3A_1562 = arith.constant 0 : i32
    %get3A_1563 = arith.index_cast %get3A_1562 : i32 to index
    %get3A_1564 = arith.constant 416 : index
    %get3A_1565 = tpu.vector_load %arg4[%get3A_1563, %get3A_1564] {strides = array<i32>} : memref<8x512xf32, #tpu.memory_space<vmem>>, vector<16xf32>,
    %masked_sort3A_1566 = arith.constant dense<true> : vector<16xi1>
    %masked_sort3A_1567, %masked_sort3A_1568, %masked_sort3A_1569 = tpu.sort %get3A_1561, %get3A_1565 masked %masked_sort3A_1566 {descending = true} : (vector<16xf32>, vector<16xf32>, vector<16xi1>) -> (vector<16xi1>, vector<16xf32>, vector<16xf32>)
    %le3A_1570 = arith.cmpf ole, %masked_sort3A_1423, %masked_sort3A_1568 : vector<16xf32>
    %select_n3A_1571 = arith.select %le3A_1570, %masked_sort3A_1423, %masked_sort3A_1568 : vector<16xi1>, vector<16xf32>
    %select_n3A_1572 = arith.select %le3A_1570, %masked_sort3A_1424, %masked_sort3A_1569 : vector<16xi1>, vector<16xf32>
    %masked_sort3A_1573 = arith.constant dense<true> : vector<16xi1>
    %masked_sort3A_1574, %masked_sort3A_1575, %masked_sort3A_1576 = tpu.sort %select_n3A_1571, %select_n3A_1572 masked %masked_sort3A_1573 : (vector<16xf32>, vector<16xf32>, vector<16xi1>) -> (vector<16xi1>, vector<16xf32>, vector<16xf32>)
    %get3A_1577 = arith.constant 1 : i32
    %get3A_1578 = arith.index_cast %get3A_1577 : i32 to index
    %get3A_1579 = arith.constant 160 : index
    %get3A_1580 = tpu.vector_load %arg4[%get3A_1578, %get3A_1579] {strides = array<i32>} : memref<8x512xf32, #tpu.memory_space<vmem>>, vector<16xf32>,
    %get3A_1581 = arith.constant 1 : i32
    %get3A_1582 = arith.index_cast %get3A_1581 : i32 to index
    %get3A_1583 = arith.constant 416 : index
    %get3A_1584 = tpu.vector_load %arg4[%get3A_1582, %get3A_1583] {strides = array<i32>} : memref<8x512xf32, #tpu.memory_space<vmem>>, vector<16xf32>,
    %masked_sort3A_1585 = arith.constant dense<true> : vector<16xi1>
    %masked_sort3A_1586, %masked_sort3A_1587, %masked_sort3A_1588 = tpu.sort %get3A_1580, %get3A_1584 masked %masked_sort3A_1585 {descending = true} : (vector<16xf32>, vector<16xf32>, vector<16xi1>) -> (vector<16xi1>, vector<16xf32>, vector<16xf32>)
    %le3A_1589 = arith.cmpf ole, %masked_sort3A_1442, %masked_sort3A_1587 : vector<16xf32>
    %select_n3A_1590 = arith.select %le3A_1589, %masked_sort3A_1442, %masked_sort3A_1587 : vector<16xi1>, vector<16xf32>
    %select_n3A_1591 = arith.select %le3A_1589, %masked_sort3A_1443, %masked_sort3A_1588 : vector<16xi1>, vector<16xf32>
    %masked_sort3A_1592 = arith.constant dense<true> : vector<16xi1>
    %masked_sort3A_1593, %masked_sort3A_1594, %masked_sort3A_1595 = tpu.sort %select_n3A_1590, %select_n3A_1591 masked %masked_sort3A_1592 : (vector<16xf32>, vector<16xf32>, vector<16xi1>) -> (vector<16xi1>, vector<16xf32>, vector<16xf32>)
    %get3A_1596 = arith.constant 2 : i32
    %get3A_1597 = arith.index_cast %get3A_1596 : i32 to index
    %get3A_1598 = arith.constant 160 : index
    %get3A_1599 = tpu.vector_load %arg4[%get3A_1597, %get3A_1598] {strides = array<i32>} : memref<8x512xf32, #tpu.memory_space<vmem>>, vector<16xf32>,
    %get3A_1600 = arith.constant 2 : i32
    %get3A_1601 = arith.index_cast %get3A_1600 : i32 to index
    %get3A_1602 = arith.constant 416 : index
    %get3A_1603 = tpu.vector_load %arg4[%get3A_1601, %get3A_1602] {strides = array<i32>} : memref<8x512xf32, #tpu.memory_space<vmem>>, vector<16xf32>,
    %masked_sort3A_1604 = arith.constant dense<true> : vector<16xi1>
    %masked_sort3A_1605, %masked_sort3A_1606, %masked_sort3A_1607 = tpu.sort %get3A_1599, %get3A_1603 masked %masked_sort3A_1604 {descending = true} : (vector<16xf32>, vector<16xf32>, vector<16xi1>) -> (vector<16xi1>, vector<16xf32>, vector<16xf32>)
    %le3A_1608 = arith.cmpf ole, %masked_sort3A_1461, %masked_sort3A_1606 : vector<16xf32>
    %select_n3A_1609 = arith.select %le3A_1608, %masked_sort3A_1461, %masked_sort3A_1606 : vector<16xi1>, vector<16xf32>
    %select_n3A_1610 = arith.select %le3A_1608, %masked_sort3A_1462, %masked_sort3A_1607 : vector<16xi1>, vector<16xf32>
    %masked_sort3A_1611 = arith.constant dense<true> : vector<16xi1>
    %masked_sort3A_1612, %masked_sort3A_1613, %masked_sort3A_1614 = tpu.sort %select_n3A_1609, %select_n3A_1610 masked %masked_sort3A_1611 : (vector<16xf32>, vector<16xf32>, vector<16xi1>) -> (vector<16xi1>, vector<16xf32>, vector<16xf32>)
    %get3A_1615 = arith.constant 3 : i32
    %get3A_1616 = arith.index_cast %get3A_1615 : i32 to index
    %get3A_1617 = arith.constant 160 : index
    %get3A_1618 = tpu.vector_load %arg4[%get3A_1616, %get3A_1617] {strides = array<i32>} : memref<8x512xf32, #tpu.memory_space<vmem>>, vector<16xf32>,
    %get3A_1619 = arith.constant 3 : i32
    %get3A_1620 = arith.index_cast %get3A_1619 : i32 to index
    %get3A_1621 = arith.constant 416 : index
    %get3A_1622 = tpu.vector_load %arg4[%get3A_1620, %get3A_1621] {strides = array<i32>} : memref<8x512xf32, #tpu.memory_space<vmem>>, vector<16xf32>,
    %masked_sort3A_1623 = arith.constant dense<true> : vector<16xi1>
    %masked_sort3A_1624, %masked_sort3A_1625, %masked_sort3A_1626 = tpu.sort %get3A_1618, %get3A_1622 masked %masked_sort3A_1623 {descending = true} : (vector<16xf32>, vector<16xf32>, vector<16xi1>) -> (vector<16xi1>, vector<16xf32>, vector<16xf32>)
    %le3A_1627 = arith.cmpf ole, %masked_sort3A_1480, %masked_sort3A_1625 : vector<16xf32>
    %select_n3A_1628 = arith.select %le3A_1627, %masked_sort3A_1480, %masked_sort3A_1625 : vector<16xi1>, vector<16xf32>
    %select_n3A_1629 = arith.select %le3A_1627, %masked_sort3A_1481, %masked_sort3A_1626 : vector<16xi1>, vector<16xf32>
    %masked_sort3A_1630 = arith.constant dense<true> : vector<16xi1>
    %masked_sort3A_1631, %masked_sort3A_1632, %masked_sort3A_1633 = tpu.sort %select_n3A_1628, %select_n3A_1629 masked %masked_sort3A_1630 : (vector<16xf32>, vector<16xf32>, vector<16xi1>) -> (vector<16xi1>, vector<16xf32>, vector<16xf32>)
    %get3A_1634 = arith.constant 4 : i32
    %get3A_1635 = arith.index_cast %get3A_1634 : i32 to index
    %get3A_1636 = arith.constant 160 : index
    %get3A_1637 = tpu.vector_load %arg4[%get3A_1635, %get3A_1636] {strides = array<i32>} : memref<8x512xf32, #tpu.memory_space<vmem>>, vector<16xf32>,
    %get3A_1638 = arith.constant 4 : i32
    %get3A_1639 = arith.index_cast %get3A_1638 : i32 to index
    %get3A_1640 = arith.constant 416 : index
    %get3A_1641 = tpu.vector_load %arg4[%get3A_1639, %get3A_1640] {strides = array<i32>} : memref<8x512xf32, #tpu.memory_space<vmem>>, vector<16xf32>,
    %masked_sort3A_1642 = arith.constant dense<true> : vector<16xi1>
    %masked_sort3A_1643, %masked_sort3A_1644, %masked_sort3A_1645 = tpu.sort %get3A_1637, %get3A_1641 masked %masked_sort3A_1642 {descending = true} : (vector<16xf32>, vector<16xf32>, vector<16xi1>) -> (vector<16xi1>, vector<16xf32>, vector<16xf32>)
    %le3A_1646 = arith.cmpf ole, %masked_sort3A_1499, %masked_sort3A_1644 : vector<16xf32>
    %select_n3A_1647 = arith.select %le3A_1646, %masked_sort3A_1499, %masked_sort3A_1644 : vector<16xi1>, vector<16xf32>
    %select_n3A_1648 = arith.select %le3A_1646, %masked_sort3A_1500, %masked_sort3A_1645 : vector<16xi1>, vector<16xf32>
    %masked_sort3A_1649 = arith.constant dense<true> : vector<16xi1>
    %masked_sort3A_1650, %masked_sort3A_1651, %masked_sort3A_1652 = tpu.sort %select_n3A_1647, %select_n3A_1648 masked %masked_sort3A_1649 : (vector<16xf32>, vector<16xf32>, vector<16xi1>) -> (vector<16xi1>, vector<16xf32>, vector<16xf32>)
    %get3A_1653 = arith.constant 5 : i32
    %get3A_1654 = arith.index_cast %get3A_1653 : i32 to index
    %get3A_1655 = arith.constant 160 : index
    %get3A_1656 = tpu.vector_load %arg4[%get3A_1654, %get3A_1655] {strides = array<i32>} : memref<8x512xf32, #tpu.memory_space<vmem>>, vector<16xf32>,
    %get3A_1657 = arith.constant 5 : i32
    %get3A_1658 = arith.index_cast %get3A_1657 : i32 to index
    %get3A_1659 = arith.constant 416 : index
    %get3A_1660 = tpu.vector_load %arg4[%get3A_1658, %get3A_1659] {strides = array<i32>} : memref<8x512xf32, #tpu.memory_space<vmem>>, vector<16xf32>,
    %masked_sort3A_1661 = arith.constant dense<true> : vector<16xi1>
    %masked_sort3A_1662, %masked_sort3A_1663, %masked_sort3A_1664 = tpu.sort %get3A_1656, %get3A_1660 masked %masked_sort3A_1661 {descending = true} : (vector<16xf32>, vector<16xf32>, vector<16xi1>) -> (vector<16xi1>, vector<16xf32>, vector<16xf32>)
    %le3A_1665 = arith.cmpf ole, %masked_sort3A_1518, %masked_sort3A_1663 : vector<16xf32>
    %select_n3A_1666 = arith.select %le3A_1665, %masked_sort3A_1518, %masked_sort3A_1663 : vector<16xi1>, vector<16xf32>
    %select_n3A_1667 = arith.select %le3A_1665, %masked_sort3A_1519, %masked_sort3A_1664 : vector<16xi1>, vector<16xf32>
    %masked_sort3A_1668 = arith.constant dense<true> : vector<16xi1>
    %masked_sort3A_1669, %masked_sort3A_1670, %masked_sort3A_1671 = tpu.sort %select_n3A_1666, %select_n3A_1667 masked %masked_sort3A_1668 : (vector<16xf32>, vector<16xf32>, vector<16xi1>) -> (vector<16xi1>, vector<16xf32>, vector<16xf32>)
    %get3A_1672 = arith.constant 6 : i32
    %get3A_1673 = arith.index_cast %get3A_1672 : i32 to index
    %get3A_1674 = arith.constant 160 : index
    %get3A_1675 = tpu.vector_load %arg4[%get3A_1673, %get3A_1674] {strides = array<i32>} : memref<8x512xf32, #tpu.memory_space<vmem>>, vector<16xf32>,
    %get3A_1676 = arith.constant 6 : i32
    %get3A_1677 = arith.index_cast %get3A_1676 : i32 to index
    %get3A_1678 = arith.constant 416 : index
    %get3A_1679 = tpu.vector_load %arg4[%get3A_1677, %get3A_1678] {strides = array<i32>} : memref<8x512xf32, #tpu.memory_space<vmem>>, vector<16xf32>,
    %masked_sort3A_1680 = arith.constant dense<true> : vector<16xi1>
    %masked_sort3A_1681, %masked_sort3A_1682, %masked_sort3A_1683 = tpu.sort %get3A_1675, %get3A_1679 masked %masked_sort3A_1680 {descending = true} : (vector<16xf32>, vector<16xf32>, vector<16xi1>) -> (vector<16xi1>, vector<16xf32>, vector<16xf32>)
    %le3A_1684 = arith.cmpf ole, %masked_sort3A_1537, %masked_sort3A_1682 : vector<16xf32>
    %select_n3A_1685 = arith.select %le3A_1684, %masked_sort3A_1537, %masked_sort3A_1682 : vector<16xi1>, vector<16xf32>
    %select_n3A_1686 = arith.select %le3A_1684, %masked_sort3A_1538, %masked_sort3A_1683 : vector<16xi1>, vector<16xf32>
    %masked_sort3A_1687 = arith.constant dense<true> : vector<16xi1>
    %masked_sort3A_1688, %masked_sort3A_1689, %masked_sort3A_1690 = tpu.sort %select_n3A_1685, %select_n3A_1686 masked %masked_sort3A_1687 : (vector<16xf32>, vector<16xf32>, vector<16xi1>) -> (vector<16xi1>, vector<16xf32>, vector<16xf32>)
    %get3A_1691 = arith.constant 7 : i32
    %get3A_1692 = arith.index_cast %get3A_1691 : i32 to index
    %get3A_1693 = arith.constant 160 : index
    %get3A_1694 = tpu.vector_load %arg4[%get3A_1692, %get3A_1693] {strides = array<i32>} : memref<8x512xf32, #tpu.memory_space<vmem>>, vector<16xf32>,
    %get3A_1695 = arith.constant 7 : i32
    %get3A_1696 = arith.index_cast %get3A_1695 : i32 to index
    %get3A_1697 = arith.constant 416 : index
    %get3A_1698 = tpu.vector_load %arg4[%get3A_1696, %get3A_1697] {strides = array<i32>} : memref<8x512xf32, #tpu.memory_space<vmem>>, vector<16xf32>,
    %masked_sort3A_1699 = arith.constant dense<true> : vector<16xi1>
    %masked_sort3A_1700, %masked_sort3A_1701, %masked_sort3A_1702 = tpu.sort %get3A_1694, %get3A_1698 masked %masked_sort3A_1699 {descending = true} : (vector<16xf32>, vector<16xf32>, vector<16xi1>) -> (vector<16xi1>, vector<16xf32>, vector<16xf32>)
    %le3A_1703 = arith.cmpf ole, %masked_sort3A_1556, %masked_sort3A_1701 : vector<16xf32>
    %select_n3A_1704 = arith.select %le3A_1703, %masked_sort3A_1556, %masked_sort3A_1701 : vector<16xi1>, vector<16xf32>
    %select_n3A_1705 = arith.select %le3A_1703, %masked_sort3A_1557, %masked_sort3A_1702 : vector<16xi1>, vector<16xf32>
    %masked_sort3A_1706 = arith.constant dense<true> : vector<16xi1>
    %masked_sort3A_1707, %masked_sort3A_1708, %masked_sort3A_1709 = tpu.sort %select_n3A_1704, %select_n3A_1705 masked %masked_sort3A_1706 : (vector<16xf32>, vector<16xf32>, vector<16xi1>) -> (vector<16xi1>, vector<16xf32>, vector<16xf32>)
    %get3A_1710 = arith.constant 0 : i32
    %get3A_1711 = arith.index_cast %get3A_1710 : i32 to index
    %get3A_1712 = arith.constant 176 : index
    %get3A_1713 = tpu.vector_load %arg4[%get3A_1711, %get3A_1712] {strides = array<i32>} : memref<8x512xf32, #tpu.memory_space<vmem>>, vector<16xf32>,
    %get3A_1714 = arith.constant 0 : i32
    %get3A_1715 = arith.index_cast %get3A_1714 : i32 to index
    %get3A_1716 = arith.constant 432 : index
    %get3A_1717 = tpu.vector_load %arg4[%get3A_1715, %get3A_1716] {strides = array<i32>} : memref<8x512xf32, #tpu.memory_space<vmem>>, vector<16xf32>,
    %masked_sort3A_1718 = arith.constant dense<true> : vector<16xi1>
    %masked_sort3A_1719, %masked_sort3A_1720, %masked_sort3A_1721 = tpu.sort %get3A_1713, %get3A_1717 masked %masked_sort3A_1718 {descending = true} : (vector<16xf32>, vector<16xf32>, vector<16xi1>) -> (vector<16xi1>, vector<16xf32>, vector<16xf32>)
    %le3A_1722 = arith.cmpf ole, %masked_sort3A_1575, %masked_sort3A_1720 : vector<16xf32>
    %select_n3A_1723 = arith.select %le3A_1722, %masked_sort3A_1575, %masked_sort3A_1720 : vector<16xi1>, vector<16xf32>
    %select_n3A_1724 = arith.select %le3A_1722, %masked_sort3A_1576, %masked_sort3A_1721 : vector<16xi1>, vector<16xf32>
    %masked_sort3A_1725 = arith.constant dense<true> : vector<16xi1>
    %masked_sort3A_1726, %masked_sort3A_1727, %masked_sort3A_1728 = tpu.sort %select_n3A_1723, %select_n3A_1724 masked %masked_sort3A_1725 : (vector<16xf32>, vector<16xf32>, vector<16xi1>) -> (vector<16xi1>, vector<16xf32>, vector<16xf32>)
    %get3A_1729 = arith.constant 1 : i32
    %get3A_1730 = arith.index_cast %get3A_1729 : i32 to index
    %get3A_1731 = arith.constant 176 : index
    %get3A_1732 = tpu.vector_load %arg4[%get3A_1730, %get3A_1731] {strides = array<i32>} : memref<8x512xf32, #tpu.memory_space<vmem>>, vector<16xf32>,
    %get3A_1733 = arith.constant 1 : i32
    %get3A_1734 = arith.index_cast %get3A_1733 : i32 to index
    %get3A_1735 = arith.constant 432 : index
    %get3A_1736 = tpu.vector_load %arg4[%get3A_1734, %get3A_1735] {strides = array<i32>} : memref<8x512xf32, #tpu.memory_space<vmem>>, vector<16xf32>,
    %masked_sort3A_1737 = arith.constant dense<true> : vector<16xi1>
    %masked_sort3A_1738, %masked_sort3A_1739, %masked_sort3A_1740 = tpu.sort %get3A_1732, %get3A_1736 masked %masked_sort3A_1737 {descending = true} : (vector<16xf32>, vector<16xf32>, vector<16xi1>) -> (vector<16xi1>, vector<16xf32>, vector<16xf32>)
    %le3A_1741 = arith.cmpf ole, %masked_sort3A_1594, %masked_sort3A_1739 : vector<16xf32>
    %select_n3A_1742 = arith.select %le3A_1741, %masked_sort3A_1594, %masked_sort3A_1739 : vector<16xi1>, vector<16xf32>
    %select_n3A_1743 = arith.select %le3A_1741, %masked_sort3A_1595, %masked_sort3A_1740 : vector<16xi1>, vector<16xf32>
    %masked_sort3A_1744 = arith.constant dense<true> : vector<16xi1>
    %masked_sort3A_1745, %masked_sort3A_1746, %masked_sort3A_1747 = tpu.sort %select_n3A_1742, %select_n3A_1743 masked %masked_sort3A_1744 : (vector<16xf32>, vector<16xf32>, vector<16xi1>) -> (vector<16xi1>, vector<16xf32>, vector<16xf32>)
    %get3A_1748 = arith.constant 2 : i32
    %get3A_1749 = arith.index_cast %get3A_1748 : i32 to index
    %get3A_1750 = arith.constant 176 : index
    %get3A_1751 = tpu.vector_load %arg4[%get3A_1749, %get3A_1750] {strides = array<i32>} : memref<8x512xf32, #tpu.memory_space<vmem>>, vector<16xf32>,
    %get3A_1752 = arith.constant 2 : i32
    %get3A_1753 = arith.index_cast %get3A_1752 : i32 to index
    %get3A_1754 = arith.constant 432 : index
    %get3A_1755 = tpu.vector_load %arg4[%get3A_1753, %get3A_1754] {strides = array<i32>} : memref<8x512xf32, #tpu.memory_space<vmem>>, vector<16xf32>,
    %masked_sort3A_1756 = arith.constant dense<true> : vector<16xi1>
    %masked_sort3A_1757, %masked_sort3A_1758, %masked_sort3A_1759 = tpu.sort %get3A_1751, %get3A_1755 masked %masked_sort3A_1756 {descending = true} : (vector<16xf32>, vector<16xf32>, vector<16xi1>) -> (vector<16xi1>, vector<16xf32>, vector<16xf32>)
    %le3A_1760 = arith.cmpf ole, %masked_sort3A_1613, %masked_sort3A_1758 : vector<16xf32>
    %select_n3A_1761 = arith.select %le3A_1760, %masked_sort3A_1613, %masked_sort3A_1758 : vector<16xi1>, vector<16xf32>
    %select_n3A_1762 = arith.select %le3A_1760, %masked_sort3A_1614, %masked_sort3A_1759 : vector<16xi1>, vector<16xf32>
    %masked_sort3A_1763 = arith.constant dense<true> : vector<16xi1>
    %masked_sort3A_1764, %masked_sort3A_1765, %masked_sort3A_1766 = tpu.sort %select_n3A_1761, %select_n3A_1762 masked %masked_sort3A_1763 : (vector<16xf32>, vector<16xf32>, vector<16xi1>) -> (vector<16xi1>, vector<16xf32>, vector<16xf32>)
    %get3A_1767 = arith.constant 3 : i32
    %get3A_1768 = arith.index_cast %get3A_1767 : i32 to index
    %get3A_1769 = arith.constant 176 : index
    %get3A_1770 = tpu.vector_load %arg4[%get3A_1768, %get3A_1769] {strides = array<i32>} : memref<8x512xf32, #tpu.memory_space<vmem>>, vector<16xf32>,
    %get3A_1771 = arith.constant 3 : i32
    %get3A_1772 = arith.index_cast %get3A_1771 : i32 to index
    %get3A_1773 = arith.constant 432 : index
    %get3A_1774 = tpu.vector_load %arg4[%get3A_1772, %get3A_1773] {strides = array<i32>} : memref<8x512xf32, #tpu.memory_space<vmem>>, vector<16xf32>,
    %masked_sort3A_1775 = arith.constant dense<true> : vector<16xi1>
    %masked_sort3A_1776, %masked_sort3A_1777, %masked_sort3A_1778 = tpu.sort %get3A_1770, %get3A_1774 masked %masked_sort3A_1775 {descending = true} : (vector<16xf32>, vector<16xf32>, vector<16xi1>) -> (vector<16xi1>, vector<16xf32>, vector<16xf32>)
    %le3A_1779 = arith.cmpf ole, %masked_sort3A_1632, %masked_sort3A_1777 : vector<16xf32>
    %select_n3A_1780 = arith.select %le3A_1779, %masked_sort3A_1632, %masked_sort3A_1777 : vector<16xi1>, vector<16xf32>
    %select_n3A_1781 = arith.select %le3A_1779, %masked_sort3A_1633, %masked_sort3A_1778 : vector<16xi1>, vector<16xf32>
    %masked_sort3A_1782 = arith.constant dense<true> : vector<16xi1>
    %masked_sort3A_1783, %masked_sort3A_1784, %masked_sort3A_1785 = tpu.sort %select_n3A_1780, %select_n3A_1781 masked %masked_sort3A_1782 : (vector<16xf32>, vector<16xf32>, vector<16xi1>) -> (vector<16xi1>, vector<16xf32>, vector<16xf32>)
    %get3A_1786 = arith.constant 4 : i32
    %get3A_1787 = arith.index_cast %get3A_1786 : i32 to index
    %get3A_1788 = arith.constant 176 : index
    %get3A_1789 = tpu.vector_load %arg4[%get3A_1787, %get3A_1788] {strides = array<i32>} : memref<8x512xf32, #tpu.memory_space<vmem>>, vector<16xf32>,
    %get3A_1790 = arith.constant 4 : i32
    %get3A_1791 = arith.index_cast %get3A_1790 : i32 to index
    %get3A_1792 = arith.constant 432 : index
    %get3A_1793 = tpu.vector_load %arg4[%get3A_1791, %get3A_1792] {strides = array<i32>} : memref<8x512xf32, #tpu.memory_space<vmem>>, vector<16xf32>,
    %masked_sort3A_1794 = arith.constant dense<true> : vector<16xi1>
    %masked_sort3A_1795, %masked_sort3A_1796, %masked_sort3A_1797 = tpu.sort %get3A_1789, %get3A_1793 masked %masked_sort3A_1794 {descending = true} : (vector<16xf32>, vector<16xf32>, vector<16xi1>) -> (vector<16xi1>, vector<16xf32>, vector<16xf32>)
    %le3A_1798 = arith.cmpf ole, %masked_sort3A_1651, %masked_sort3A_1796 : vector<16xf32>
    %select_n3A_1799 = arith.select %le3A_1798, %masked_sort3A_1651, %masked_sort3A_1796 : vector<16xi1>, vector<16xf32>
    %select_n3A_1800 = arith.select %le3A_1798, %masked_sort3A_1652, %masked_sort3A_1797 : vector<16xi1>, vector<16xf32>
    %masked_sort3A_1801 = arith.constant dense<true> : vector<16xi1>
    %masked_sort3A_1802, %masked_sort3A_1803, %masked_sort3A_1804 = tpu.sort %select_n3A_1799, %select_n3A_1800 masked %masked_sort3A_1801 : (vector<16xf32>, vector<16xf32>, vector<16xi1>) -> (vector<16xi1>, vector<16xf32>, vector<16xf32>)
    %get3A_1805 = arith.constant 5 : i32
    %get3A_1806 = arith.index_cast %get3A_1805 : i32 to index
    %get3A_1807 = arith.constant 176 : index
    %get3A_1808 = tpu.vector_load %arg4[%get3A_1806, %get3A_1807] {strides = array<i32>} : memref<8x512xf32, #tpu.memory_space<vmem>>, vector<16xf32>,
    %get3A_1809 = arith.constant 5 : i32
    %get3A_1810 = arith.index_cast %get3A_1809 : i32 to index
    %get3A_1811 = arith.constant 432 : index
    %get3A_1812 = tpu.vector_load %arg4[%get3A_1810, %get3A_1811] {strides = array<i32>} : memref<8x512xf32, #tpu.memory_space<vmem>>, vector<16xf32>,
    %masked_sort3A_1813 = arith.constant dense<true> : vector<16xi1>
    %masked_sort3A_1814, %masked_sort3A_1815, %masked_sort3A_1816 = tpu.sort %get3A_1808, %get3A_1812 masked %masked_sort3A_1813 {descending = true} : (vector<16xf32>, vector<16xf32>, vector<16xi1>) -> (vector<16xi1>, vector<16xf32>, vector<16xf32>)
    %le3A_1817 = arith.cmpf ole, %masked_sort3A_1670, %masked_sort3A_1815 : vector<16xf32>
    %select_n3A_1818 = arith.select %le3A_1817, %masked_sort3A_1670, %masked_sort3A_1815 : vector<16xi1>, vector<16xf32>
    %select_n3A_1819 = arith.select %le3A_1817, %masked_sort3A_1671, %masked_sort3A_1816 : vector<16xi1>, vector<16xf32>
    %masked_sort3A_1820 = arith.constant dense<true> : vector<16xi1>
    %masked_sort3A_1821, %masked_sort3A_1822, %masked_sort3A_1823 = tpu.sort %select_n3A_1818, %select_n3A_1819 masked %masked_sort3A_1820 : (vector<16xf32>, vector<16xf32>, vector<16xi1>) -> (vector<16xi1>, vector<16xf32>, vector<16xf32>)
    %get3A_1824 = arith.constant 6 : i32
    %get3A_1825 = arith.index_cast %get3A_1824 : i32 to index
    %get3A_1826 = arith.constant 176 : index
    %get3A_1827 = tpu.vector_load %arg4[%get3A_1825, %get3A_1826] {strides = array<i32>} : memref<8x512xf32, #tpu.memory_space<vmem>>, vector<16xf32>,
    %get3A_1828 = arith.constant 6 : i32
    %get3A_1829 = arith.index_cast %get3A_1828 : i32 to index
    %get3A_1830 = arith.constant 432 : index
    %get3A_1831 = tpu.vector_load %arg4[%get3A_1829, %get3A_1830] {strides = array<i32>} : memref<8x512xf32, #tpu.memory_space<vmem>>, vector<16xf32>,
    %masked_sort3A_1832 = arith.constant dense<true> : vector<16xi1>
    %masked_sort3A_1833, %masked_sort3A_1834, %masked_sort3A_1835 = tpu.sort %get3A_1827, %get3A_1831 masked %masked_sort3A_1832 {descending = true} : (vector<16xf32>, vector<16xf32>, vector<16xi1>) -> (vector<16xi1>, vector<16xf32>, vector<16xf32>)
    %le3A_1836 = arith.cmpf ole, %masked_sort3A_1689, %masked_sort3A_1834 : vector<16xf32>
    %select_n3A_1837 = arith.select %le3A_1836, %masked_sort3A_1689, %masked_sort3A_1834 : vector<16xi1>, vector<16xf32>
    %select_n3A_1838 = arith.select %le3A_1836, %masked_sort3A_1690, %masked_sort3A_1835 : vector<16xi1>, vector<16xf32>
    %masked_sort3A_1839 = arith.constant dense<true> : vector<16xi1>
    %masked_sort3A_1840, %masked_sort3A_1841, %masked_sort3A_1842 = tpu.sort %select_n3A_1837, %select_n3A_1838 masked %masked_sort3A_1839 : (vector<16xf32>, vector<16xf32>, vector<16xi1>) -> (vector<16xi1>, vector<16xf32>, vector<16xf32>)
    %get3A_1843 = arith.constant 7 : i32
    %get3A_1844 = arith.index_cast %get3A_1843 : i32 to index
    %get3A_1845 = arith.constant 176 : index
    %get3A_1846 = tpu.vector_load %arg4[%get3A_1844, %get3A_1845] {strides = array<i32>} : memref<8x512xf32, #tpu.memory_space<vmem>>, vector<16xf32>,
    %get3A_1847 = arith.constant 7 : i32
    %get3A_1848 = arith.index_cast %get3A_1847 : i32 to index
    %get3A_1849 = arith.constant 432 : index
    %get3A_1850 = tpu.vector_load %arg4[%get3A_1848, %get3A_1849] {strides = array<i32>} : memref<8x512xf32, #tpu.memory_space<vmem>>, vector<16xf32>,
    %masked_sort3A_1851 = arith.constant dense<true> : vector<16xi1>
    %masked_sort3A_1852, %masked_sort3A_1853, %masked_sort3A_1854 = tpu.sort %get3A_1846, %get3A_1850 masked %masked_sort3A_1851 {descending = true} : (vector<16xf32>, vector<16xf32>, vector<16xi1>) -> (vector<16xi1>, vector<16xf32>, vector<16xf32>)
    %le3A_1855 = arith.cmpf ole, %masked_sort3A_1708, %masked_sort3A_1853 : vector<16xf32>
    %select_n3A_1856 = arith.select %le3A_1855, %masked_sort3A_1708, %masked_sort3A_1853 : vector<16xi1>, vector<16xf32>
    %select_n3A_1857 = arith.select %le3A_1855, %masked_sort3A_1709, %masked_sort3A_1854 : vector<16xi1>, vector<16xf32>
    %masked_sort3A_1858 = arith.constant dense<true> : vector<16xi1>
    %masked_sort3A_1859, %masked_sort3A_1860, %masked_sort3A_1861 = tpu.sort %select_n3A_1856, %select_n3A_1857 masked %masked_sort3A_1858 : (vector<16xf32>, vector<16xf32>, vector<16xi1>) -> (vector<16xi1>, vector<16xf32>, vector<16xf32>)
    %get3A_1862 = arith.constant 0 : i32
    %get3A_1863 = arith.index_cast %get3A_1862 : i32 to index
    %get3A_1864 = arith.constant 192 : index
    %get3A_1865 = tpu.vector_load %arg4[%get3A_1863, %get3A_1864] {strides = array<i32>} : memref<8x512xf32, #tpu.memory_space<vmem>>, vector<16xf32>,
    %get3A_1866 = arith.constant 0 : i32
    %get3A_1867 = arith.index_cast %get3A_1866 : i32 to index
    %get3A_1868 = arith.constant 448 : index
    %get3A_1869 = tpu.vector_load %arg4[%get3A_1867, %get3A_1868] {strides = array<i32>} : memref<8x512xf32, #tpu.memory_space<vmem>>, vector<16xf32>,
    %masked_sort3A_1870 = arith.constant dense<true> : vector<16xi1>
    %masked_sort3A_1871, %masked_sort3A_1872, %masked_sort3A_1873 = tpu.sort %get3A_1865, %get3A_1869 masked %masked_sort3A_1870 {descending = true} : (vector<16xf32>, vector<16xf32>, vector<16xi1>) -> (vector<16xi1>, vector<16xf32>, vector<16xf32>)
    %le3A_1874 = arith.cmpf ole, %masked_sort3A_1727, %masked_sort3A_1872 : vector<16xf32>
    %select_n3A_1875 = arith.select %le3A_1874, %masked_sort3A_1727, %masked_sort3A_1872 : vector<16xi1>, vector<16xf32>
    %select_n3A_1876 = arith.select %le3A_1874, %masked_sort3A_1728, %masked_sort3A_1873 : vector<16xi1>, vector<16xf32>
    %masked_sort3A_1877 = arith.constant dense<true> : vector<16xi1>
    %masked_sort3A_1878, %masked_sort3A_1879, %masked_sort3A_1880 = tpu.sort %select_n3A_1875, %select_n3A_1876 masked %masked_sort3A_1877 : (vector<16xf32>, vector<16xf32>, vector<16xi1>) -> (vector<16xi1>, vector<16xf32>, vector<16xf32>)
    %get3A_1881 = arith.constant 1 : i32
    %get3A_1882 = arith.index_cast %get3A_1881 : i32 to index
    %get3A_1883 = arith.constant 192 : index
    %get3A_1884 = tpu.vector_load %arg4[%get3A_1882, %get3A_1883] {strides = array<i32>} : memref<8x512xf32, #tpu.memory_space<vmem>>, vector<16xf32>,
    %get3A_1885 = arith.constant 1 : i32
    %get3A_1886 = arith.index_cast %get3A_1885 : i32 to index
    %get3A_1887 = arith.constant 448 : index
    %get3A_1888 = tpu.vector_load %arg4[%get3A_1886, %get3A_1887] {strides = array<i32>} : memref<8x512xf32, #tpu.memory_space<vmem>>, vector<16xf32>,
    %masked_sort3A_1889 = arith.constant dense<true> : vector<16xi1>
    %masked_sort3A_1890, %masked_sort3A_1891, %masked_sort3A_1892 = tpu.sort %get3A_1884, %get3A_1888 masked %masked_sort3A_1889 {descending = true} : (vector<16xf32>, vector<16xf32>, vector<16xi1>) -> (vector<16xi1>, vector<16xf32>, vector<16xf32>)
    %le3A_1893 = arith.cmpf ole, %masked_sort3A_1746, %masked_sort3A_1891 : vector<16xf32>
    %select_n3A_1894 = arith.select %le3A_1893, %masked_sort3A_1746, %masked_sort3A_1891 : vector<16xi1>, vector<16xf32>
    %select_n3A_1895 = arith.select %le3A_1893, %masked_sort3A_1747, %masked_sort3A_1892 : vector<16xi1>, vector<16xf32>
    %masked_sort3A_1896 = arith.constant dense<true> : vector<16xi1>
    %masked_sort3A_1897, %masked_sort3A_1898, %masked_sort3A_1899 = tpu.sort %select_n3A_1894, %select_n3A_1895 masked %masked_sort3A_1896 : (vector<16xf32>, vector<16xf32>, vector<16xi1>) -> (vector<16xi1>, vector<16xf32>, vector<16xf32>)
    %get3A_1900 = arith.constant 2 : i32
    %get3A_1901 = arith.index_cast %get3A_1900 : i32 to index
    %get3A_1902 = arith.constant 192 : index
    %get3A_1903 = tpu.vector_load %arg4[%get3A_1901, %get3A_1902] {strides = array<i32>} : memref<8x512xf32, #tpu.memory_space<vmem>>, vector<16xf32>,
    %get3A_1904 = arith.constant 2 : i32
    %get3A_1905 = arith.index_cast %get3A_1904 : i32 to index
    %get3A_1906 = arith.constant 448 : index
    %get3A_1907 = tpu.vector_load %arg4[%get3A_1905, %get3A_1906] {strides = array<i32>} : memref<8x512xf32, #tpu.memory_space<vmem>>, vector<16xf32>,
    %masked_sort3A_1908 = arith.constant dense<true> : vector<16xi1>
    %masked_sort3A_1909, %masked_sort3A_1910, %masked_sort3A_1911 = tpu.sort %get3A_1903, %get3A_1907 masked %masked_sort3A_1908 {descending = true} : (vector<16xf32>, vector<16xf32>, vector<16xi1>) -> (vector<16xi1>, vector<16xf32>, vector<16xf32>)
    %le3A_1912 = arith.cmpf ole, %masked_sort3A_1765, %masked_sort3A_1910 : vector<16xf32>
    %select_n3A_1913 = arith.select %le3A_1912, %masked_sort3A_1765, %masked_sort3A_1910 : vector<16xi1>, vector<16xf32>
    %select_n3A_1914 = arith.select %le3A_1912, %masked_sort3A_1766, %masked_sort3A_1911 : vector<16xi1>, vector<16xf32>
    %masked_sort3A_1915 = arith.constant dense<true> : vector<16xi1>
    %masked_sort3A_1916, %masked_sort3A_1917, %masked_sort3A_1918 = tpu.sort %select_n3A_1913, %select_n3A_1914 masked %masked_sort3A_1915 : (vector<16xf32>, vector<16xf32>, vector<16xi1>) -> (vector<16xi1>, vector<16xf32>, vector<16xf32>)
    %get3A_1919 = arith.constant 3 : i32
    %get3A_1920 = arith.index_cast %get3A_1919 : i32 to index
    %get3A_1921 = arith.constant 192 : index
    %get3A_1922 = tpu.vector_load %arg4[%get3A_1920, %get3A_1921] {strides = array<i32>} : memref<8x512xf32, #tpu.memory_space<vmem>>, vector<16xf32>,
    %get3A_1923 = arith.constant 3 : i32
    %get3A_1924 = arith.index_cast %get3A_1923 : i32 to index
    %get3A_1925 = arith.constant 448 : index
    %get3A_1926 = tpu.vector_load %arg4[%get3A_1924, %get3A_1925] {strides = array<i32>} : memref<8x512xf32, #tpu.memory_space<vmem>>, vector<16xf32>,
    %masked_sort3A_1927 = arith.constant dense<true> : vector<16xi1>
    %masked_sort3A_1928, %masked_sort3A_1929, %masked_sort3A_1930 = tpu.sort %get3A_1922, %get3A_1926 masked %masked_sort3A_1927 {descending = true} : (vector<16xf32>, vector<16xf32>, vector<16xi1>) -> (vector<16xi1>, vector<16xf32>, vector<16xf32>)
    %le3A_1931 = arith.cmpf ole, %masked_sort3A_1784, %masked_sort3A_1929 : vector<16xf32>
    %select_n3A_1932 = arith.select %le3A_1931, %masked_sort3A_1784, %masked_sort3A_1929 : vector<16xi1>, vector<16xf32>
    %select_n3A_1933 = arith.select %le3A_1931, %masked_sort3A_1785, %masked_sort3A_1930 : vector<16xi1>, vector<16xf32>
    %masked_sort3A_1934 = arith.constant dense<true> : vector<16xi1>
    %masked_sort3A_1935, %masked_sort3A_1936, %masked_sort3A_1937 = tpu.sort %select_n3A_1932, %select_n3A_1933 masked %masked_sort3A_1934 : (vector<16xf32>, vector<16xf32>, vector<16xi1>) -> (vector<16xi1>, vector<16xf32>, vector<16xf32>)
    %get3A_1938 = arith.constant 4 : i32
    %get3A_1939 = arith.index_cast %get3A_1938 : i32 to index
    %get3A_1940 = arith.constant 192 : index
    %get3A_1941 = tpu.vector_load %arg4[%get3A_1939, %get3A_1940] {strides = array<i32>} : memref<8x512xf32, #tpu.memory_space<vmem>>, vector<16xf32>,
    %get3A_1942 = arith.constant 4 : i32
    %get3A_1943 = arith.index_cast %get3A_1942 : i32 to index
    %get3A_1944 = arith.constant 448 : index
    %get3A_1945 = tpu.vector_load %arg4[%get3A_1943, %get3A_1944] {strides = array<i32>} : memref<8x512xf32, #tpu.memory_space<vmem>>, vector<16xf32>,
    %masked_sort3A_1946 = arith.constant dense<true> : vector<16xi1>
    %masked_sort3A_1947, %masked_sort3A_1948, %masked_sort3A_1949 = tpu.sort %get3A_1941, %get3A_1945 masked %masked_sort3A_1946 {descending = true} : (vector<16xf32>, vector<16xf32>, vector<16xi1>) -> (vector<16xi1>, vector<16xf32>, vector<16xf32>)
    %le3A_1950 = arith.cmpf ole, %masked_sort3A_1803, %masked_sort3A_1948 : vector<16xf32>
    %select_n3A_1951 = arith.select %le3A_1950, %masked_sort3A_1803, %masked_sort3A_1948 : vector<16xi1>, vector<16xf32>
    %select_n3A_1952 = arith.select %le3A_1950, %masked_sort3A_1804, %masked_sort3A_1949 : vector<16xi1>, vector<16xf32>
    %masked_sort3A_1953 = arith.constant dense<true> : vector<16xi1>
    %masked_sort3A_1954, %masked_sort3A_1955, %masked_sort3A_1956 = tpu.sort %select_n3A_1951, %select_n3A_1952 masked %masked_sort3A_1953 : (vector<16xf32>, vector<16xf32>, vector<16xi1>) -> (vector<16xi1>, vector<16xf32>, vector<16xf32>)
    %get3A_1957 = arith.constant 5 : i32
    %get3A_1958 = arith.index_cast %get3A_1957 : i32 to index
    %get3A_1959 = arith.constant 192 : index
    %get3A_1960 = tpu.vector_load %arg4[%get3A_1958, %get3A_1959] {strides = array<i32>} : memref<8x512xf32, #tpu.memory_space<vmem>>, vector<16xf32>,
    %get3A_1961 = arith.constant 5 : i32
    %get3A_1962 = arith.index_cast %get3A_1961 : i32 to index
    %get3A_1963 = arith.constant 448 : index
    %get3A_1964 = tpu.vector_load %arg4[%get3A_1962, %get3A_1963] {strides = array<i32>} : memref<8x512xf32, #tpu.memory_space<vmem>>, vector<16xf32>,
    %masked_sort3A_1965 = arith.constant dense<true> : vector<16xi1>
    %masked_sort3A_1966, %masked_sort3A_1967, %masked_sort3A_1968 = tpu.sort %get3A_1960, %get3A_1964 masked %masked_sort3A_1965 {descending = true} : (vector<16xf32>, vector<16xf32>, vector<16xi1>) -> (vector<16xi1>, vector<16xf32>, vector<16xf32>)
    %le3A_1969 = arith.cmpf ole, %masked_sort3A_1822, %masked_sort3A_1967 : vector<16xf32>
    %select_n3A_1970 = arith.select %le3A_1969, %masked_sort3A_1822, %masked_sort3A_1967 : vector<16xi1>, vector<16xf32>
    %select_n3A_1971 = arith.select %le3A_1969, %masked_sort3A_1823, %masked_sort3A_1968 : vector<16xi1>, vector<16xf32>
    %masked_sort3A_1972 = arith.constant dense<true> : vector<16xi1>
    %masked_sort3A_1973, %masked_sort3A_1974, %masked_sort3A_1975 = tpu.sort %select_n3A_1970, %select_n3A_1971 masked %masked_sort3A_1972 : (vector<16xf32>, vector<16xf32>, vector<16xi1>) -> (vector<16xi1>, vector<16xf32>, vector<16xf32>)
    %get3A_1976 = arith.constant 6 : i32
    %get3A_1977 = arith.index_cast %get3A_1976 : i32 to index
    %get3A_1978 = arith.constant 192 : index
    %get3A_1979 = tpu.vector_load %arg4[%get3A_1977, %get3A_1978] {strides = array<i32>} : memref<8x512xf32, #tpu.memory_space<vmem>>, vector<16xf32>,
    %get3A_1980 = arith.constant 6 : i32
    %get3A_1981 = arith.index_cast %get3A_1980 : i32 to index
    %get3A_1982 = arith.constant 448 : index
    %get3A_1983 = tpu.vector_load %arg4[%get3A_1981, %get3A_1982] {strides = array<i32>} : memref<8x512xf32, #tpu.memory_space<vmem>>, vector<16xf32>,
    %masked_sort3A_1984 = arith.constant dense<true> : vector<16xi1>
    %masked_sort3A_1985, %masked_sort3A_1986, %masked_sort3A_1987 = tpu.sort %get3A_1979, %get3A_1983 masked %masked_sort3A_1984 {descending = true} : (vector<16xf32>, vector<16xf32>, vector<16xi1>) -> (vector<16xi1>, vector<16xf32>, vector<16xf32>)
    %le3A_1988 = arith.cmpf ole, %masked_sort3A_1841, %masked_sort3A_1986 : vector<16xf32>
    %select_n3A_1989 = arith.select %le3A_1988, %masked_sort3A_1841, %masked_sort3A_1986 : vector<16xi1>, vector<16xf32>
    %select_n3A_1990 = arith.select %le3A_1988, %masked_sort3A_1842, %masked_sort3A_1987 : vector<16xi1>, vector<16xf32>
    %masked_sort3A_1991 = arith.constant dense<true> : vector<16xi1>
    %masked_sort3A_1992, %masked_sort3A_1993, %masked_sort3A_1994 = tpu.sort %select_n3A_1989, %select_n3A_1990 masked %masked_sort3A_1991 : (vector<16xf32>, vector<16xf32>, vector<16xi1>) -> (vector<16xi1>, vector<16xf32>, vector<16xf32>)
    %get3A_1995 = arith.constant 7 : i32
    %get3A_1996 = arith.index_cast %get3A_1995 : i32 to index
    %get3A_1997 = arith.constant 192 : index
    %get3A_1998 = tpu.vector_load %arg4[%get3A_1996, %get3A_1997] {strides = array<i32>} : memref<8x512xf32, #tpu.memory_space<vmem>>, vector<16xf32>,
    %get3A_1999 = arith.constant 7 : i32
    %get3A_2000 = arith.index_cast %get3A_1999 : i32 to index
    %get3A_2001 = arith.constant 448 : index
    %get3A_2002 = tpu.vector_load %arg4[%get3A_2000, %get3A_2001] {strides = array<i32>} : memref<8x512xf32, #tpu.memory_space<vmem>>, vector<16xf32>,
    %masked_sort3A_2003 = arith.constant dense<true> : vector<16xi1>
    %masked_sort3A_2004, %masked_sort3A_2005, %masked_sort3A_2006 = tpu.sort %get3A_1998, %get3A_2002 masked %masked_sort3A_2003 {descending = true} : (vector<16xf32>, vector<16xf32>, vector<16xi1>) -> (vector<16xi1>, vector<16xf32>, vector<16xf32>)
    %le3A_2007 = arith.cmpf ole, %masked_sort3A_1860, %masked_sort3A_2005 : vector<16xf32>
    %select_n3A_2008 = arith.select %le3A_2007, %masked_sort3A_1860, %masked_sort3A_2005 : vector<16xi1>, vector<16xf32>
    %select_n3A_2009 = arith.select %le3A_2007, %masked_sort3A_1861, %masked_sort3A_2006 : vector<16xi1>, vector<16xf32>
    %masked_sort3A_2010 = arith.constant dense<true> : vector<16xi1>
    %masked_sort3A_2011, %masked_sort3A_2012, %masked_sort3A_2013 = tpu.sort %select_n3A_2008, %select_n3A_2009 masked %masked_sort3A_2010 : (vector<16xf32>, vector<16xf32>, vector<16xi1>) -> (vector<16xi1>, vector<16xf32>, vector<16xf32>)
    %get3A_2014 = arith.constant 0 : i32
    %get3A_2015 = arith.index_cast %get3A_2014 : i32 to index
    %get3A_2016 = arith.constant 208 : index
    %get3A_2017 = tpu.vector_load %arg4[%get3A_2015, %get3A_2016] {strides = array<i32>} : memref<8x512xf32, #tpu.memory_space<vmem>>, vector<16xf32>,
    %get3A_2018 = arith.constant 0 : i32
    %get3A_2019 = arith.index_cast %get3A_2018 : i32 to index
    %get3A_2020 = arith.constant 464 : index
    %get3A_2021 = tpu.vector_load %arg4[%get3A_2019, %get3A_2020] {strides = array<i32>} : memref<8x512xf32, #tpu.memory_space<vmem>>, vector<16xf32>,
    %masked_sort3A_2022 = arith.constant dense<true> : vector<16xi1>
    %masked_sort3A_2023, %masked_sort3A_2024, %masked_sort3A_2025 = tpu.sort %get3A_2017, %get3A_2021 masked %masked_sort3A_2022 {descending = true} : (vector<16xf32>, vector<16xf32>, vector<16xi1>) -> (vector<16xi1>, vector<16xf32>, vector<16xf32>)
    %le3A_2026 = arith.cmpf ole, %masked_sort3A_1879, %masked_sort3A_2024 : vector<16xf32>
    %select_n3A_2027 = arith.select %le3A_2026, %masked_sort3A_1879, %masked_sort3A_2024 : vector<16xi1>, vector<16xf32>
    %select_n3A_2028 = arith.select %le3A_2026, %masked_sort3A_1880, %masked_sort3A_2025 : vector<16xi1>, vector<16xf32>
    %masked_sort3A_2029 = arith.constant dense<true> : vector<16xi1>
    %masked_sort3A_2030, %masked_sort3A_2031, %masked_sort3A_2032 = tpu.sort %select_n3A_2027, %select_n3A_2028 masked %masked_sort3A_2029 : (vector<16xf32>, vector<16xf32>, vector<16xi1>) -> (vector<16xi1>, vector<16xf32>, vector<16xf32>)
    %get3A_2033 = arith.constant 1 : i32
    %get3A_2034 = arith.index_cast %get3A_2033 : i32 to index
    %get3A_2035 = arith.constant 208 : index
    %get3A_2036 = tpu.vector_load %arg4[%get3A_2034, %get3A_2035] {strides = array<i32>} : memref<8x512xf32, #tpu.memory_space<vmem>>, vector<16xf32>,
    %get3A_2037 = arith.constant 1 : i32
    %get3A_2038 = arith.index_cast %get3A_2037 : i32 to index
    %get3A_2039 = arith.constant 464 : index
    %get3A_2040 = tpu.vector_load %arg4[%get3A_2038, %get3A_2039] {strides = array<i32>} : memref<8x512xf32, #tpu.memory_space<vmem>>, vector<16xf32>,
    %masked_sort3A_2041 = arith.constant dense<true> : vector<16xi1>
    %masked_sort3A_2042, %masked_sort3A_2043, %masked_sort3A_2044 = tpu.sort %get3A_2036, %get3A_2040 masked %masked_sort3A_2041 {descending = true} : (vector<16xf32>, vector<16xf32>, vector<16xi1>) -> (vector<16xi1>, vector<16xf32>, vector<16xf32>)
    %le3A_2045 = arith.cmpf ole, %masked_sort3A_1898, %masked_sort3A_2043 : vector<16xf32>
    %select_n3A_2046 = arith.select %le3A_2045, %masked_sort3A_1898, %masked_sort3A_2043 : vector<16xi1>, vector<16xf32>
    %select_n3A_2047 = arith.select %le3A_2045, %masked_sort3A_1899, %masked_sort3A_2044 : vector<16xi1>, vector<16xf32>
    %masked_sort3A_2048 = arith.constant dense<true> : vector<16xi1>
    %masked_sort3A_2049, %masked_sort3A_2050, %masked_sort3A_2051 = tpu.sort %select_n3A_2046, %select_n3A_2047 masked %masked_sort3A_2048 : (vector<16xf32>, vector<16xf32>, vector<16xi1>) -> (vector<16xi1>, vector<16xf32>, vector<16xf32>)
    %get3A_2052 = arith.constant 2 : i32
    %get3A_2053 = arith.index_cast %get3A_2052 : i32 to index
    %get3A_2054 = arith.constant 208 : index
    %get3A_2055 = tpu.vector_load %arg4[%get3A_2053, %get3A_2054] {strides = array<i32>} : memref<8x512xf32, #tpu.memory_space<vmem>>, vector<16xf32>,
    %get3A_2056 = arith.constant 2 : i32
    %get3A_2057 = arith.index_cast %get3A_2056 : i32 to index
    %get3A_2058 = arith.constant 464 : index
    %get3A_2059 = tpu.vector_load %arg4[%get3A_2057, %get3A_2058] {strides = array<i32>} : memref<8x512xf32, #tpu.memory_space<vmem>>, vector<16xf32>,
    %masked_sort3A_2060 = arith.constant dense<true> : vector<16xi1>
    %masked_sort3A_2061, %masked_sort3A_2062, %masked_sort3A_2063 = tpu.sort %get3A_2055, %get3A_2059 masked %masked_sort3A_2060 {descending = true} : (vector<16xf32>, vector<16xf32>, vector<16xi1>) -> (vector<16xi1>, vector<16xf32>, vector<16xf32>)
    %le3A_2064 = arith.cmpf ole, %masked_sort3A_1917, %masked_sort3A_2062 : vector<16xf32>
    %select_n3A_2065 = arith.select %le3A_2064, %masked_sort3A_1917, %masked_sort3A_2062 : vector<16xi1>, vector<16xf32>
    %select_n3A_2066 = arith.select %le3A_2064, %masked_sort3A_1918, %masked_sort3A_2063 : vector<16xi1>, vector<16xf32>
    %masked_sort3A_2067 = arith.constant dense<true> : vector<16xi1>
    %masked_sort3A_2068, %masked_sort3A_2069, %masked_sort3A_2070 = tpu.sort %select_n3A_2065, %select_n3A_2066 masked %masked_sort3A_2067 : (vector<16xf32>, vector<16xf32>, vector<16xi1>) -> (vector<16xi1>, vector<16xf32>, vector<16xf32>)
    %get3A_2071 = arith.constant 3 : i32
    %get3A_2072 = arith.index_cast %get3A_2071 : i32 to index
    %get3A_2073 = arith.constant 208 : index
    %get3A_2074 = tpu.vector_load %arg4[%get3A_2072, %get3A_2073] {strides = array<i32>} : memref<8x512xf32, #tpu.memory_space<vmem>>, vector<16xf32>,
    %get3A_2075 = arith.constant 3 : i32
    %get3A_2076 = arith.index_cast %get3A_2075 : i32 to index
    %get3A_2077 = arith.constant 464 : index
    %get3A_2078 = tpu.vector_load %arg4[%get3A_2076, %get3A_2077] {strides = array<i32>} : memref<8x512xf32, #tpu.memory_space<vmem>>, vector<16xf32>,
    %masked_sort3A_2079 = arith.constant dense<true> : vector<16xi1>
    %masked_sort3A_2080, %masked_sort3A_2081, %masked_sort3A_2082 = tpu.sort %get3A_2074, %get3A_2078 masked %masked_sort3A_2079 {descending = true} : (vector<16xf32>, vector<16xf32>, vector<16xi1>) -> (vector<16xi1>, vector<16xf32>, vector<16xf32>)
    %le3A_2083 = arith.cmpf ole, %masked_sort3A_1936, %masked_sort3A_2081 : vector<16xf32>
    %select_n3A_2084 = arith.select %le3A_2083, %masked_sort3A_1936, %masked_sort3A_2081 : vector<16xi1>, vector<16xf32>
    %select_n3A_2085 = arith.select %le3A_2083, %masked_sort3A_1937, %masked_sort3A_2082 : vector<16xi1>, vector<16xf32>
    %masked_sort3A_2086 = arith.constant dense<true> : vector<16xi1>
    %masked_sort3A_2087, %masked_sort3A_2088, %masked_sort3A_2089 = tpu.sort %select_n3A_2084, %select_n3A_2085 masked %masked_sort3A_2086 : (vector<16xf32>, vector<16xf32>, vector<16xi1>) -> (vector<16xi1>, vector<16xf32>, vector<16xf32>)
    %get3A_2090 = arith.constant 4 : i32
    %get3A_2091 = arith.index_cast %get3A_2090 : i32 to index
    %get3A_2092 = arith.constant 208 : index
    %get3A_2093 = tpu.vector_load %arg4[%get3A_2091, %get3A_2092] {strides = array<i32>} : memref<8x512xf32, #tpu.memory_space<vmem>>, vector<16xf32>,
    %get3A_2094 = arith.constant 4 : i32
    %get3A_2095 = arith.index_cast %get3A_2094 : i32 to index
    %get3A_2096 = arith.constant 464 : index
    %get3A_2097 = tpu.vector_load %arg4[%get3A_2095, %get3A_2096] {strides = array<i32>} : memref<8x512xf32, #tpu.memory_space<vmem>>, vector<16xf32>,
    %masked_sort3A_2098 = arith.constant dense<true> : vector<16xi1>
    %masked_sort3A_2099, %masked_sort3A_2100, %masked_sort3A_2101 = tpu.sort %get3A_2093, %get3A_2097 masked %masked_sort3A_2098 {descending = true} : (vector<16xf32>, vector<16xf32>, vector<16xi1>) -> (vector<16xi1>, vector<16xf32>, vector<16xf32>)
    %le3A_2102 = arith.cmpf ole, %masked_sort3A_1955, %masked_sort3A_2100 : vector<16xf32>
    %select_n3A_2103 = arith.select %le3A_2102, %masked_sort3A_1955, %masked_sort3A_2100 : vector<16xi1>, vector<16xf32>
    %select_n3A_2104 = arith.select %le3A_2102, %masked_sort3A_1956, %masked_sort3A_2101 : vector<16xi1>, vector<16xf32>
    %masked_sort3A_2105 = arith.constant dense<true> : vector<16xi1>
    %masked_sort3A_2106, %masked_sort3A_2107, %masked_sort3A_2108 = tpu.sort %select_n3A_2103, %select_n3A_2104 masked %masked_sort3A_2105 : (vector<16xf32>, vector<16xf32>, vector<16xi1>) -> (vector<16xi1>, vector<16xf32>, vector<16xf32>)
    %get3A_2109 = arith.constant 5 : i32
    %get3A_2110 = arith.index_cast %get3A_2109 : i32 to index
    %get3A_2111 = arith.constant 208 : index
    %get3A_2112 = tpu.vector_load %arg4[%get3A_2110, %get3A_2111] {strides = array<i32>} : memref<8x512xf32, #tpu.memory_space<vmem>>, vector<16xf32>,
    %get3A_2113 = arith.constant 5 : i32
    %get3A_2114 = arith.index_cast %get3A_2113 : i32 to index
    %get3A_2115 = arith.constant 464 : index
    %get3A_2116 = tpu.vector_load %arg4[%get3A_2114, %get3A_2115] {strides = array<i32>} : memref<8x512xf32, #tpu.memory_space<vmem>>, vector<16xf32>,
    %masked_sort3A_2117 = arith.constant dense<true> : vector<16xi1>
    %masked_sort3A_2118, %masked_sort3A_2119, %masked_sort3A_2120 = tpu.sort %get3A_2112, %get3A_2116 masked %masked_sort3A_2117 {descending = true} : (vector<16xf32>, vector<16xf32>, vector<16xi1>) -> (vector<16xi1>, vector<16xf32>, vector<16xf32>)
    %le3A_2121 = arith.cmpf ole, %masked_sort3A_1974, %masked_sort3A_2119 : vector<16xf32>
    %select_n3A_2122 = arith.select %le3A_2121, %masked_sort3A_1974, %masked_sort3A_2119 : vector<16xi1>, vector<16xf32>
    %select_n3A_2123 = arith.select %le3A_2121, %masked_sort3A_1975, %masked_sort3A_2120 : vector<16xi1>, vector<16xf32>
    %masked_sort3A_2124 = arith.constant dense<true> : vector<16xi1>
    %masked_sort3A_2125, %masked_sort3A_2126, %masked_sort3A_2127 = tpu.sort %select_n3A_2122, %select_n3A_2123 masked %masked_sort3A_2124 : (vector<16xf32>, vector<16xf32>, vector<16xi1>) -> (vector<16xi1>, vector<16xf32>, vector<16xf32>)
    %get3A_2128 = arith.constant 6 : i32
    %get3A_2129 = arith.index_cast %get3A_2128 : i32 to index
    %get3A_2130 = arith.constant 208 : index
    %get3A_2131 = tpu.vector_load %arg4[%get3A_2129, %get3A_2130] {strides = array<i32>} : memref<8x512xf32, #tpu.memory_space<vmem>>, vector<16xf32>,
    %get3A_2132 = arith.constant 6 : i32
    %get3A_2133 = arith.index_cast %get3A_2132 : i32 to index
    %get3A_2134 = arith.constant 464 : index
    %get3A_2135 = tpu.vector_load %arg4[%get3A_2133, %get3A_2134] {strides = array<i32>} : memref<8x512xf32, #tpu.memory_space<vmem>>, vector<16xf32>,
    %masked_sort3A_2136 = arith.constant dense<true> : vector<16xi1>
    %masked_sort3A_2137, %masked_sort3A_2138, %masked_sort3A_2139 = tpu.sort %get3A_2131, %get3A_2135 masked %masked_sort3A_2136 {descending = true} : (vector<16xf32>, vector<16xf32>, vector<16xi1>) -> (vector<16xi1>, vector<16xf32>, vector<16xf32>)
    %le3A_2140 = arith.cmpf ole, %masked_sort3A_1993, %masked_sort3A_2138 : vector<16xf32>
    %select_n3A_2141 = arith.select %le3A_2140, %masked_sort3A_1993, %masked_sort3A_2138 : vector<16xi1>, vector<16xf32>
    %select_n3A_2142 = arith.select %le3A_2140, %masked_sort3A_1994, %masked_sort3A_2139 : vector<16xi1>, vector<16xf32>
    %masked_sort3A_2143 = arith.constant dense<true> : vector<16xi1>
    %masked_sort3A_2144, %masked_sort3A_2145, %masked_sort3A_2146 = tpu.sort %select_n3A_2141, %select_n3A_2142 masked %masked_sort3A_2143 : (vector<16xf32>, vector<16xf32>, vector<16xi1>) -> (vector<16xi1>, vector<16xf32>, vector<16xf32>)
    %get3A_2147 = arith.constant 7 : i32
    %get3A_2148 = arith.index_cast %get3A_2147 : i32 to index
    %get3A_2149 = arith.constant 208 : index
    %get3A_2150 = tpu.vector_load %arg4[%get3A_2148, %get3A_2149] {strides = array<i32>} : memref<8x512xf32, #tpu.memory_space<vmem>>, vector<16xf32>,
    %get3A_2151 = arith.constant 7 : i32
    %get3A_2152 = arith.index_cast %get3A_2151 : i32 to index
    %get3A_2153 = arith.constant 464 : index
    %get3A_2154 = tpu.vector_load %arg4[%get3A_2152, %get3A_2153] {strides = array<i32>} : memref<8x512xf32, #tpu.memory_space<vmem>>, vector<16xf32>,
    %masked_sort3A_2155 = arith.constant dense<true> : vector<16xi1>
    %masked_sort3A_2156, %masked_sort3A_2157, %masked_sort3A_2158 = tpu.sort %get3A_2150, %get3A_2154 masked %masked_sort3A_2155 {descending = true} : (vector<16xf32>, vector<16xf32>, vector<16xi1>) -> (vector<16xi1>, vector<16xf32>, vector<16xf32>)
    %le3A_2159 = arith.cmpf ole, %masked_sort3A_2012, %masked_sort3A_2157 : vector<16xf32>
    %select_n3A_2160 = arith.select %le3A_2159, %masked_sort3A_2012, %masked_sort3A_2157 : vector<16xi1>, vector<16xf32>
    %select_n3A_2161 = arith.select %le3A_2159, %masked_sort3A_2013, %masked_sort3A_2158 : vector<16xi1>, vector<16xf32>
    %masked_sort3A_2162 = arith.constant dense<true> : vector<16xi1>
    %masked_sort3A_2163, %masked_sort3A_2164, %masked_sort3A_2165 = tpu.sort %select_n3A_2160, %select_n3A_2161 masked %masked_sort3A_2162 : (vector<16xf32>, vector<16xf32>, vector<16xi1>) -> (vector<16xi1>, vector<16xf32>, vector<16xf32>)
    %get3A_2166 = arith.constant 0 : i32
    %get3A_2167 = arith.index_cast %get3A_2166 : i32 to index
    %get3A_2168 = arith.constant 224 : index
    %get3A_2169 = tpu.vector_load %arg4[%get3A_2167, %get3A_2168] {strides = array<i32>} : memref<8x512xf32, #tpu.memory_space<vmem>>, vector<16xf32>,
    %get3A_2170 = arith.constant 0 : i32
    %get3A_2171 = arith.index_cast %get3A_2170 : i32 to index
    %get3A_2172 = arith.constant 480 : index
    %get3A_2173 = tpu.vector_load %arg4[%get3A_2171, %get3A_2172] {strides = array<i32>} : memref<8x512xf32, #tpu.memory_space<vmem>>, vector<16xf32>,
    %masked_sort3A_2174 = arith.constant dense<true> : vector<16xi1>
    %masked_sort3A_2175, %masked_sort3A_2176, %masked_sort3A_2177 = tpu.sort %get3A_2169, %get3A_2173 masked %masked_sort3A_2174 {descending = true} : (vector<16xf32>, vector<16xf32>, vector<16xi1>) -> (vector<16xi1>, vector<16xf32>, vector<16xf32>)
    %le3A_2178 = arith.cmpf ole, %masked_sort3A_2031, %masked_sort3A_2176 : vector<16xf32>
    %select_n3A_2179 = arith.select %le3A_2178, %masked_sort3A_2031, %masked_sort3A_2176 : vector<16xi1>, vector<16xf32>
    %select_n3A_2180 = arith.select %le3A_2178, %masked_sort3A_2032, %masked_sort3A_2177 : vector<16xi1>, vector<16xf32>
    %masked_sort3A_2181 = arith.constant dense<true> : vector<16xi1>
    %masked_sort3A_2182, %masked_sort3A_2183, %masked_sort3A_2184 = tpu.sort %select_n3A_2179, %select_n3A_2180 masked %masked_sort3A_2181 : (vector<16xf32>, vector<16xf32>, vector<16xi1>) -> (vector<16xi1>, vector<16xf32>, vector<16xf32>)
    %get3A_2185 = arith.constant 1 : i32
    %get3A_2186 = arith.index_cast %get3A_2185 : i32 to index
    %get3A_2187 = arith.constant 224 : index
    %get3A_2188 = tpu.vector_load %arg4[%get3A_2186, %get3A_2187] {strides = array<i32>} : memref<8x512xf32, #tpu.memory_space<vmem>>, vector<16xf32>,
    %get3A_2189 = arith.constant 1 : i32
    %get3A_2190 = arith.index_cast %get3A_2189 : i32 to index
    %get3A_2191 = arith.constant 480 : index
    %get3A_2192 = tpu.vector_load %arg4[%get3A_2190, %get3A_2191] {strides = array<i32>} : memref<8x512xf32, #tpu.memory_space<vmem>>, vector<16xf32>,
    %masked_sort3A_2193 = arith.constant dense<true> : vector<16xi1>
    %masked_sort3A_2194, %masked_sort3A_2195, %masked_sort3A_2196 = tpu.sort %get3A_2188, %get3A_2192 masked %masked_sort3A_2193 {descending = true} : (vector<16xf32>, vector<16xf32>, vector<16xi1>) -> (vector<16xi1>, vector<16xf32>, vector<16xf32>)
    %le3A_2197 = arith.cmpf ole, %masked_sort3A_2050, %masked_sort3A_2195 : vector<16xf32>
    %select_n3A_2198 = arith.select %le3A_2197, %masked_sort3A_2050, %masked_sort3A_2195 : vector<16xi1>, vector<16xf32>
    %select_n3A_2199 = arith.select %le3A_2197, %masked_sort3A_2051, %masked_sort3A_2196 : vector<16xi1>, vector<16xf32>
    %masked_sort3A_2200 = arith.constant dense<true> : vector<16xi1>
    %masked_sort3A_2201, %masked_sort3A_2202, %masked_sort3A_2203 = tpu.sort %select_n3A_2198, %select_n3A_2199 masked %masked_sort3A_2200 : (vector<16xf32>, vector<16xf32>, vector<16xi1>) -> (vector<16xi1>, vector<16xf32>, vector<16xf32>)
    %get3A_2204 = arith.constant 2 : i32
    %get3A_2205 = arith.index_cast %get3A_2204 : i32 to index
    %get3A_2206 = arith.constant 224 : index
    %get3A_2207 = tpu.vector_load %arg4[%get3A_2205, %get3A_2206] {strides = array<i32>} : memref<8x512xf32, #tpu.memory_space<vmem>>, vector<16xf32>,
    %get3A_2208 = arith.constant 2 : i32
    %get3A_2209 = arith.index_cast %get3A_2208 : i32 to index
    %get3A_2210 = arith.constant 480 : index
    %get3A_2211 = tpu.vector_load %arg4[%get3A_2209, %get3A_2210] {strides = array<i32>} : memref<8x512xf32, #tpu.memory_space<vmem>>, vector<16xf32>,
    %masked_sort3A_2212 = arith.constant dense<true> : vector<16xi1>
    %masked_sort3A_2213, %masked_sort3A_2214, %masked_sort3A_2215 = tpu.sort %get3A_2207, %get3A_2211 masked %masked_sort3A_2212 {descending = true} : (vector<16xf32>, vector<16xf32>, vector<16xi1>) -> (vector<16xi1>, vector<16xf32>, vector<16xf32>)
    %le3A_2216 = arith.cmpf ole, %masked_sort3A_2069, %masked_sort3A_2214 : vector<16xf32>
    %select_n3A_2217 = arith.select %le3A_2216, %masked_sort3A_2069, %masked_sort3A_2214 : vector<16xi1>, vector<16xf32>
    %select_n3A_2218 = arith.select %le3A_2216, %masked_sort3A_2070, %masked_sort3A_2215 : vector<16xi1>, vector<16xf32>
    %masked_sort3A_2219 = arith.constant dense<true> : vector<16xi1>
    %masked_sort3A_2220, %masked_sort3A_2221, %masked_sort3A_2222 = tpu.sort %select_n3A_2217, %select_n3A_2218 masked %masked_sort3A_2219 : (vector<16xf32>, vector<16xf32>, vector<16xi1>) -> (vector<16xi1>, vector<16xf32>, vector<16xf32>)
    %get3A_2223 = arith.constant 3 : i32
    %get3A_2224 = arith.index_cast %get3A_2223 : i32 to index
    %get3A_2225 = arith.constant 224 : index
    %get3A_2226 = tpu.vector_load %arg4[%get3A_2224, %get3A_2225] {strides = array<i32>} : memref<8x512xf32, #tpu.memory_space<vmem>>, vector<16xf32>,
    %get3A_2227 = arith.constant 3 : i32
    %get3A_2228 = arith.index_cast %get3A_2227 : i32 to index
    %get3A_2229 = arith.constant 480 : index
    %get3A_2230 = tpu.vector_load %arg4[%get3A_2228, %get3A_2229] {strides = array<i32>} : memref<8x512xf32, #tpu.memory_space<vmem>>, vector<16xf32>,
    %masked_sort3A_2231 = arith.constant dense<true> : vector<16xi1>
    %masked_sort3A_2232, %masked_sort3A_2233, %masked_sort3A_2234 = tpu.sort %get3A_2226, %get3A_2230 masked %masked_sort3A_2231 {descending = true} : (vector<16xf32>, vector<16xf32>, vector<16xi1>) -> (vector<16xi1>, vector<16xf32>, vector<16xf32>)
    %le3A_2235 = arith.cmpf ole, %masked_sort3A_2088, %masked_sort3A_2233 : vector<16xf32>
    %select_n3A_2236 = arith.select %le3A_2235, %masked_sort3A_2088, %masked_sort3A_2233 : vector<16xi1>, vector<16xf32>
    %select_n3A_2237 = arith.select %le3A_2235, %masked_sort3A_2089, %masked_sort3A_2234 : vector<16xi1>, vector<16xf32>
    %masked_sort3A_2238 = arith.constant dense<true> : vector<16xi1>
    %masked_sort3A_2239, %masked_sort3A_2240, %masked_sort3A_2241 = tpu.sort %select_n3A_2236, %select_n3A_2237 masked %masked_sort3A_2238 : (vector<16xf32>, vector<16xf32>, vector<16xi1>) -> (vector<16xi1>, vector<16xf32>, vector<16xf32>)
    %get3A_2242 = arith.constant 4 : i32
    %get3A_2243 = arith.index_cast %get3A_2242 : i32 to index
    %get3A_2244 = arith.constant 224 : index
    %get3A_2245 = tpu.vector_load %arg4[%get3A_2243, %get3A_2244] {strides = array<i32>} : memref<8x512xf32, #tpu.memory_space<vmem>>, vector<16xf32>,
    %get3A_2246 = arith.constant 4 : i32
    %get3A_2247 = arith.index_cast %get3A_2246 : i32 to index
    %get3A_2248 = arith.constant 480 : index
    %get3A_2249 = tpu.vector_load %arg4[%get3A_2247, %get3A_2248] {strides = array<i32>} : memref<8x512xf32, #tpu.memory_space<vmem>>, vector<16xf32>,
    %masked_sort3A_2250 = arith.constant dense<true> : vector<16xi1>
    %masked_sort3A_2251, %masked_sort3A_2252, %masked_sort3A_2253 = tpu.sort %get3A_2245, %get3A_2249 masked %masked_sort3A_2250 {descending = true} : (vector<16xf32>, vector<16xf32>, vector<16xi1>) -> (vector<16xi1>, vector<16xf32>, vector<16xf32>)
    %le3A_2254 = arith.cmpf ole, %masked_sort3A_2107, %masked_sort3A_2252 : vector<16xf32>
    %select_n3A_2255 = arith.select %le3A_2254, %masked_sort3A_2107, %masked_sort3A_2252 : vector<16xi1>, vector<16xf32>
    %select_n3A_2256 = arith.select %le3A_2254, %masked_sort3A_2108, %masked_sort3A_2253 : vector<16xi1>, vector<16xf32>
    %masked_sort3A_2257 = arith.constant dense<true> : vector<16xi1>
    %masked_sort3A_2258, %masked_sort3A_2259, %masked_sort3A_2260 = tpu.sort %select_n3A_2255, %select_n3A_2256 masked %masked_sort3A_2257 : (vector<16xf32>, vector<16xf32>, vector<16xi1>) -> (vector<16xi1>, vector<16xf32>, vector<16xf32>)
    %get3A_2261 = arith.constant 5 : i32
    %get3A_2262 = arith.index_cast %get3A_2261 : i32 to index
    %get3A_2263 = arith.constant 224 : index
    %get3A_2264 = tpu.vector_load %arg4[%get3A_2262, %get3A_2263] {strides = array<i32>} : memref<8x512xf32, #tpu.memory_space<vmem>>, vector<16xf32>,
    %get3A_2265 = arith.constant 5 : i32
    %get3A_2266 = arith.index_cast %get3A_2265 : i32 to index
    %get3A_2267 = arith.constant 480 : index
    %get3A_2268 = tpu.vector_load %arg4[%get3A_2266, %get3A_2267] {strides = array<i32>} : memref<8x512xf32, #tpu.memory_space<vmem>>, vector<16xf32>,
    %masked_sort3A_2269 = arith.constant dense<true> : vector<16xi1>
    %masked_sort3A_2270, %masked_sort3A_2271, %masked_sort3A_2272 = tpu.sort %get3A_2264, %get3A_2268 masked %masked_sort3A_2269 {descending = true} : (vector<16xf32>, vector<16xf32>, vector<16xi1>) -> (vector<16xi1>, vector<16xf32>, vector<16xf32>)
    %le3A_2273 = arith.cmpf ole, %masked_sort3A_2126, %masked_sort3A_2271 : vector<16xf32>
    %select_n3A_2274 = arith.select %le3A_2273, %masked_sort3A_2126, %masked_sort3A_2271 : vector<16xi1>, vector<16xf32>
    %select_n3A_2275 = arith.select %le3A_2273, %masked_sort3A_2127, %masked_sort3A_2272 : vector<16xi1>, vector<16xf32>
    %masked_sort3A_2276 = arith.constant dense<true> : vector<16xi1>
    %masked_sort3A_2277, %masked_sort3A_2278, %masked_sort3A_2279 = tpu.sort %select_n3A_2274, %select_n3A_2275 masked %masked_sort3A_2276 : (vector<16xf32>, vector<16xf32>, vector<16xi1>) -> (vector<16xi1>, vector<16xf32>, vector<16xf32>)
    %get3A_2280 = arith.constant 6 : i32
    %get3A_2281 = arith.index_cast %get3A_2280 : i32 to index
    %get3A_2282 = arith.constant 224 : index
    %get3A_2283 = tpu.vector_load %arg4[%get3A_2281, %get3A_2282] {strides = array<i32>} : memref<8x512xf32, #tpu.memory_space<vmem>>, vector<16xf32>,
    %get3A_2284 = arith.constant 6 : i32
    %get3A_2285 = arith.index_cast %get3A_2284 : i32 to index
    %get3A_2286 = arith.constant 480 : index
    %get3A_2287 = tpu.vector_load %arg4[%get3A_2285, %get3A_2286] {strides = array<i32>} : memref<8x512xf32, #tpu.memory_space<vmem>>, vector<16xf32>,
    %masked_sort3A_2288 = arith.constant dense<true> : vector<16xi1>
    %masked_sort3A_2289, %masked_sort3A_2290, %masked_sort3A_2291 = tpu.sort %get3A_2283, %get3A_2287 masked %masked_sort3A_2288 {descending = true} : (vector<16xf32>, vector<16xf32>, vector<16xi1>) -> (vector<16xi1>, vector<16xf32>, vector<16xf32>)
    %le3A_2292 = arith.cmpf ole, %masked_sort3A_2145, %masked_sort3A_2290 : vector<16xf32>
    %select_n3A_2293 = arith.select %le3A_2292, %masked_sort3A_2145, %masked_sort3A_2290 : vector<16xi1>, vector<16xf32>
    %select_n3A_2294 = arith.select %le3A_2292, %masked_sort3A_2146, %masked_sort3A_2291 : vector<16xi1>, vector<16xf32>
    %masked_sort3A_2295 = arith.constant dense<true> : vector<16xi1>
    %masked_sort3A_2296, %masked_sort3A_2297, %masked_sort3A_2298 = tpu.sort %select_n3A_2293, %select_n3A_2294 masked %masked_sort3A_2295 : (vector<16xf32>, vector<16xf32>, vector<16xi1>) -> (vector<16xi1>, vector<16xf32>, vector<16xf32>)
    %get3A_2299 = arith.constant 7 : i32
    %get3A_2300 = arith.index_cast %get3A_2299 : i32 to index
    %get3A_2301 = arith.constant 224 : index
    %get3A_2302 = tpu.vector_load %arg4[%get3A_2300, %get3A_2301] {strides = array<i32>} : memref<8x512xf32, #tpu.memory_space<vmem>>, vector<16xf32>,
    %get3A_2303 = arith.constant 7 : i32
    %get3A_2304 = arith.index_cast %get3A_2303 : i32 to index
    %get3A_2305 = arith.constant 480 : index
    %get3A_2306 = tpu.vector_load %arg4[%get3A_2304, %get3A_2305] {strides = array<i32>} : memref<8x512xf32, #tpu.memory_space<vmem>>, vector<16xf32>,
    %masked_sort3A_2307 = arith.constant dense<true> : vector<16xi1>
    %masked_sort3A_2308, %masked_sort3A_2309, %masked_sort3A_2310 = tpu.sort %get3A_2302, %get3A_2306 masked %masked_sort3A_2307 {descending = true} : (vector<16xf32>, vector<16xf32>, vector<16xi1>) -> (vector<16xi1>, vector<16xf32>, vector<16xf32>)
    %le3A_2311 = arith.cmpf ole, %masked_sort3A_2164, %masked_sort3A_2309 : vector<16xf32>
    %select_n3A_2312 = arith.select %le3A_2311, %masked_sort3A_2164, %masked_sort3A_2309 : vector<16xi1>, vector<16xf32>
    %select_n3A_2313 = arith.select %le3A_2311, %masked_sort3A_2165, %masked_sort3A_2310 : vector<16xi1>, vector<16xf32>
    %masked_sort3A_2314 = arith.constant dense<true> : vector<16xi1>
    %masked_sort3A_2315, %masked_sort3A_2316, %masked_sort3A_2317 = tpu.sort %select_n3A_2312, %select_n3A_2313 masked %masked_sort3A_2314 : (vector<16xf32>, vector<16xf32>, vector<16xi1>) -> (vector<16xi1>, vector<16xf32>, vector<16xf32>)
    %get3A_2318 = arith.constant 0 : i32
    %get3A_2319 = arith.index_cast %get3A_2318 : i32 to index
    %get3A_2320 = arith.constant 240 : index
    %get3A_2321 = tpu.vector_load %arg4[%get3A_2319, %get3A_2320] {strides = array<i32>} : memref<8x512xf32, #tpu.memory_space<vmem>>, vector<16xf32>,
    %get3A_2322 = arith.constant 0 : i32
    %get3A_2323 = arith.index_cast %get3A_2322 : i32 to index
    %get3A_2324 = arith.constant 496 : index
    %get3A_2325 = tpu.vector_load %arg4[%get3A_2323, %get3A_2324] {strides = array<i32>} : memref<8x512xf32, #tpu.memory_space<vmem>>, vector<16xf32>,
    %masked_sort3A_2326 = arith.constant dense<true> : vector<16xi1>
    %masked_sort3A_2327, %masked_sort3A_2328, %masked_sort3A_2329 = tpu.sort %get3A_2321, %get3A_2325 masked %masked_sort3A_2326 {descending = true} : (vector<16xf32>, vector<16xf32>, vector<16xi1>) -> (vector<16xi1>, vector<16xf32>, vector<16xf32>)
    %le3A_2330 = arith.cmpf ole, %masked_sort3A_2183, %masked_sort3A_2328 : vector<16xf32>
    %select_n3A_2331 = arith.select %le3A_2330, %masked_sort3A_2183, %masked_sort3A_2328 : vector<16xi1>, vector<16xf32>
    %select_n3A_2332 = arith.select %le3A_2330, %masked_sort3A_2184, %masked_sort3A_2329 : vector<16xi1>, vector<16xf32>
    %masked_sort3A_2333 = arith.constant dense<true> : vector<16xi1>
    %masked_sort3A_2334, %masked_sort3A_2335, %masked_sort3A_2336 = tpu.sort %select_n3A_2331, %select_n3A_2332 masked %masked_sort3A_2333 : (vector<16xf32>, vector<16xf32>, vector<16xi1>) -> (vector<16xi1>, vector<16xf32>, vector<16xf32>)
    %get3A_2337 = arith.constant 1 : i32
    %get3A_2338 = arith.index_cast %get3A_2337 : i32 to index
    %get3A_2339 = arith.constant 240 : index
    %get3A_2340 = tpu.vector_load %arg4[%get3A_2338, %get3A_2339] {strides = array<i32>} : memref<8x512xf32, #tpu.memory_space<vmem>>, vector<16xf32>,
    %get3A_2341 = arith.constant 1 : i32
    %get3A_2342 = arith.index_cast %get3A_2341 : i32 to index
    %get3A_2343 = arith.constant 496 : index
    %get3A_2344 = tpu.vector_load %arg4[%get3A_2342, %get3A_2343] {strides = array<i32>} : memref<8x512xf32, #tpu.memory_space<vmem>>, vector<16xf32>,
    %masked_sort3A_2345 = arith.constant dense<true> : vector<16xi1>
    %masked_sort3A_2346, %masked_sort3A_2347, %masked_sort3A_2348 = tpu.sort %get3A_2340, %get3A_2344 masked %masked_sort3A_2345 {descending = true} : (vector<16xf32>, vector<16xf32>, vector<16xi1>) -> (vector<16xi1>, vector<16xf32>, vector<16xf32>)
    %le3A_2349 = arith.cmpf ole, %masked_sort3A_2202, %masked_sort3A_2347 : vector<16xf32>
    %select_n3A_2350 = arith.select %le3A_2349, %masked_sort3A_2202, %masked_sort3A_2347 : vector<16xi1>, vector<16xf32>
    %select_n3A_2351 = arith.select %le3A_2349, %masked_sort3A_2203, %masked_sort3A_2348 : vector<16xi1>, vector<16xf32>
    %masked_sort3A_2352 = arith.constant dense<true> : vector<16xi1>
    %masked_sort3A_2353, %masked_sort3A_2354, %masked_sort3A_2355 = tpu.sort %select_n3A_2350, %select_n3A_2351 masked %masked_sort3A_2352 : (vector<16xf32>, vector<16xf32>, vector<16xi1>) -> (vector<16xi1>, vector<16xf32>, vector<16xf32>)
    %get3A_2356 = arith.constant 2 : i32
    %get3A_2357 = arith.index_cast %get3A_2356 : i32 to index
    %get3A_2358 = arith.constant 240 : index
    %get3A_2359 = tpu.vector_load %arg4[%get3A_2357, %get3A_2358] {strides = array<i32>} : memref<8x512xf32, #tpu.memory_space<vmem>>, vector<16xf32>,
    %get3A_2360 = arith.constant 2 : i32
    %get3A_2361 = arith.index_cast %get3A_2360 : i32 to index
    %get3A_2362 = arith.constant 496 : index
    %get3A_2363 = tpu.vector_load %arg4[%get3A_2361, %get3A_2362] {strides = array<i32>} : memref<8x512xf32, #tpu.memory_space<vmem>>, vector<16xf32>,
    %masked_sort3A_2364 = arith.constant dense<true> : vector<16xi1>
    %masked_sort3A_2365, %masked_sort3A_2366, %masked_sort3A_2367 = tpu.sort %get3A_2359, %get3A_2363 masked %masked_sort3A_2364 {descending = true} : (vector<16xf32>, vector<16xf32>, vector<16xi1>) -> (vector<16xi1>, vector<16xf32>, vector<16xf32>)
    %le3A_2368 = arith.cmpf ole, %masked_sort3A_2221, %masked_sort3A_2366 : vector<16xf32>
    %select_n3A_2369 = arith.select %le3A_2368, %masked_sort3A_2221, %masked_sort3A_2366 : vector<16xi1>, vector<16xf32>
    %select_n3A_2370 = arith.select %le3A_2368, %masked_sort3A_2222, %masked_sort3A_2367 : vector<16xi1>, vector<16xf32>
    %masked_sort3A_2371 = arith.constant dense<true> : vector<16xi1>
    %masked_sort3A_2372, %masked_sort3A_2373, %masked_sort3A_2374 = tpu.sort %select_n3A_2369, %select_n3A_2370 masked %masked_sort3A_2371 : (vector<16xf32>, vector<16xf32>, vector<16xi1>) -> (vector<16xi1>, vector<16xf32>, vector<16xf32>)
    %get3A_2375 = arith.constant 3 : i32
    %get3A_2376 = arith.index_cast %get3A_2375 : i32 to index
    %get3A_2377 = arith.constant 240 : index
    %get3A_2378 = tpu.vector_load %arg4[%get3A_2376, %get3A_2377] {strides = array<i32>} : memref<8x512xf32, #tpu.memory_space<vmem>>, vector<16xf32>,
    %get3A_2379 = arith.constant 3 : i32
    %get3A_2380 = arith.index_cast %get3A_2379 : i32 to index
    %get3A_2381 = arith.constant 496 : index
    %get3A_2382 = tpu.vector_load %arg4[%get3A_2380, %get3A_2381] {strides = array<i32>} : memref<8x512xf32, #tpu.memory_space<vmem>>, vector<16xf32>,
    %masked_sort3A_2383 = arith.constant dense<true> : vector<16xi1>
    %masked_sort3A_2384, %masked_sort3A_2385, %masked_sort3A_2386 = tpu.sort %get3A_2378, %get3A_2382 masked %masked_sort3A_2383 {descending = true} : (vector<16xf32>, vector<16xf32>, vector<16xi1>) -> (vector<16xi1>, vector<16xf32>, vector<16xf32>)
    %le3A_2387 = arith.cmpf ole, %masked_sort3A_2240, %masked_sort3A_2385 : vector<16xf32>
    %select_n3A_2388 = arith.select %le3A_2387, %masked_sort3A_2240, %masked_sort3A_2385 : vector<16xi1>, vector<16xf32>
    %select_n3A_2389 = arith.select %le3A_2387, %masked_sort3A_2241, %masked_sort3A_2386 : vector<16xi1>, vector<16xf32>
    %masked_sort3A_2390 = arith.constant dense<true> : vector<16xi1>
    %masked_sort3A_2391, %masked_sort3A_2392, %masked_sort3A_2393 = tpu.sort %select_n3A_2388, %select_n3A_2389 masked %masked_sort3A_2390 : (vector<16xf32>, vector<16xf32>, vector<16xi1>) -> (vector<16xi1>, vector<16xf32>, vector<16xf32>)
    %get3A_2394 = arith.constant 4 : i32
    %get3A_2395 = arith.index_cast %get3A_2394 : i32 to index
    %get3A_2396 = arith.constant 240 : index
    %get3A_2397 = tpu.vector_load %arg4[%get3A_2395, %get3A_2396] {strides = array<i32>} : memref<8x512xf32, #tpu.memory_space<vmem>>, vector<16xf32>,
    %get3A_2398 = arith.constant 4 : i32
    %get3A_2399 = arith.index_cast %get3A_2398 : i32 to index
    %get3A_2400 = arith.constant 496 : index
    %get3A_2401 = tpu.vector_load %arg4[%get3A_2399, %get3A_2400] {strides = array<i32>} : memref<8x512xf32, #tpu.memory_space<vmem>>, vector<16xf32>,
    %masked_sort3A_2402 = arith.constant dense<true> : vector<16xi1>
    %masked_sort3A_2403, %masked_sort3A_2404, %masked_sort3A_2405 = tpu.sort %get3A_2397, %get3A_2401 masked %masked_sort3A_2402 {descending = true} : (vector<16xf32>, vector<16xf32>, vector<16xi1>) -> (vector<16xi1>, vector<16xf32>, vector<16xf32>)
    %le3A_2406 = arith.cmpf ole, %masked_sort3A_2259, %masked_sort3A_2404 : vector<16xf32>
    %select_n3A_2407 = arith.select %le3A_2406, %masked_sort3A_2259, %masked_sort3A_2404 : vector<16xi1>, vector<16xf32>
    %select_n3A_2408 = arith.select %le3A_2406, %masked_sort3A_2260, %masked_sort3A_2405 : vector<16xi1>, vector<16xf32>
    %masked_sort3A_2409 = arith.constant dense<true> : vector<16xi1>
    %masked_sort3A_2410, %masked_sort3A_2411, %masked_sort3A_2412 = tpu.sort %select_n3A_2407, %select_n3A_2408 masked %masked_sort3A_2409 : (vector<16xf32>, vector<16xf32>, vector<16xi1>) -> (vector<16xi1>, vector<16xf32>, vector<16xf32>)
    %get3A_2413 = arith.constant 5 : i32
    %get3A_2414 = arith.index_cast %get3A_2413 : i32 to index
    %get3A_2415 = arith.constant 240 : index
    %get3A_2416 = tpu.vector_load %arg4[%get3A_2414, %get3A_2415] {strides = array<i32>} : memref<8x512xf32, #tpu.memory_space<vmem>>, vector<16xf32>,
    %get3A_2417 = arith.constant 5 : i32
    %get3A_2418 = arith.index_cast %get3A_2417 : i32 to index
    %get3A_2419 = arith.constant 496 : index
    %get3A_2420 = tpu.vector_load %arg4[%get3A_2418, %get3A_2419] {strides = array<i32>} : memref<8x512xf32, #tpu.memory_space<vmem>>, vector<16xf32>,
    %masked_sort3A_2421 = arith.constant dense<true> : vector<16xi1>
    %masked_sort3A_2422, %masked_sort3A_2423, %masked_sort3A_2424 = tpu.sort %get3A_2416, %get3A_2420 masked %masked_sort3A_2421 {descending = true} : (vector<16xf32>, vector<16xf32>, vector<16xi1>) -> (vector<16xi1>, vector<16xf32>, vector<16xf32>)
    %le3A_2425 = arith.cmpf ole, %masked_sort3A_2278, %masked_sort3A_2423 : vector<16xf32>
    %select_n3A_2426 = arith.select %le3A_2425, %masked_sort3A_2278, %masked_sort3A_2423 : vector<16xi1>, vector<16xf32>
    %select_n3A_2427 = arith.select %le3A_2425, %masked_sort3A_2279, %masked_sort3A_2424 : vector<16xi1>, vector<16xf32>
    %masked_sort3A_2428 = arith.constant dense<true> : vector<16xi1>
    %masked_sort3A_2429, %masked_sort3A_2430, %masked_sort3A_2431 = tpu.sort %select_n3A_2426, %select_n3A_2427 masked %masked_sort3A_2428 : (vector<16xf32>, vector<16xf32>, vector<16xi1>) -> (vector<16xi1>, vector<16xf32>, vector<16xf32>)
    %get3A_2432 = arith.constant 6 : i32
    %get3A_2433 = arith.index_cast %get3A_2432 : i32 to index
    %get3A_2434 = arith.constant 240 : index
    %get3A_2435 = tpu.vector_load %arg4[%get3A_2433, %get3A_2434] {strides = array<i32>} : memref<8x512xf32, #tpu.memory_space<vmem>>, vector<16xf32>,
    %get3A_2436 = arith.constant 6 : i32
    %get3A_2437 = arith.index_cast %get3A_2436 : i32 to index
    %get3A_2438 = arith.constant 496 : index
    %get3A_2439 = tpu.vector_load %arg4[%get3A_2437, %get3A_2438] {strides = array<i32>} : memref<8x512xf32, #tpu.memory_space<vmem>>, vector<16xf32>,
    %masked_sort3A_2440 = arith.constant dense<true> : vector<16xi1>
    %masked_sort3A_2441, %masked_sort3A_2442, %masked_sort3A_2443 = tpu.sort %get3A_2435, %get3A_2439 masked %masked_sort3A_2440 {descending = true} : (vector<16xf32>, vector<16xf32>, vector<16xi1>) -> (vector<16xi1>, vector<16xf32>, vector<16xf32>)
    %le3A_2444 = arith.cmpf ole, %masked_sort3A_2297, %masked_sort3A_2442 : vector<16xf32>
    %select_n3A_2445 = arith.select %le3A_2444, %masked_sort3A_2297, %masked_sort3A_2442 : vector<16xi1>, vector<16xf32>
    %select_n3A_2446 = arith.select %le3A_2444, %masked_sort3A_2298, %masked_sort3A_2443 : vector<16xi1>, vector<16xf32>
    %masked_sort3A_2447 = arith.constant dense<true> : vector<16xi1>
    %masked_sort3A_2448, %masked_sort3A_2449, %masked_sort3A_2450 = tpu.sort %select_n3A_2445, %select_n3A_2446 masked %masked_sort3A_2447 : (vector<16xf32>, vector<16xf32>, vector<16xi1>) -> (vector<16xi1>, vector<16xf32>, vector<16xf32>)
    %get3A_2451 = arith.constant 7 : i32
    %get3A_2452 = arith.index_cast %get3A_2451 : i32 to index
    %get3A_2453 = arith.constant 240 : index
    %get3A_2454 = tpu.vector_load %arg4[%get3A_2452, %get3A_2453] {strides = array<i32>} : memref<8x512xf32, #tpu.memory_space<vmem>>, vector<16xf32>,
    %get3A_2455 = arith.constant 7 : i32
    %get3A_2456 = arith.index_cast %get3A_2455 : i32 to index
    %get3A_2457 = arith.constant 496 : index
    %get3A_2458 = tpu.vector_load %arg4[%get3A_2456, %get3A_2457] {strides = array<i32>} : memref<8x512xf32, #tpu.memory_space<vmem>>, vector<16xf32>,
    %masked_sort3A_2459 = arith.constant dense<true> : vector<16xi1>
    %masked_sort3A_2460, %masked_sort3A_2461, %masked_sort3A_2462 = tpu.sort %get3A_2454, %get3A_2458 masked %masked_sort3A_2459 {descending = true} : (vector<16xf32>, vector<16xf32>, vector<16xi1>) -> (vector<16xi1>, vector<16xf32>, vector<16xf32>)
    %le3A_2463 = arith.cmpf ole, %masked_sort3A_2316, %masked_sort3A_2461 : vector<16xf32>
    %select_n3A_2464 = arith.select %le3A_2463, %masked_sort3A_2316, %masked_sort3A_2461 : vector<16xi1>, vector<16xf32>
    %select_n3A_2465 = arith.select %le3A_2463, %masked_sort3A_2317, %masked_sort3A_2462 : vector<16xi1>, vector<16xf32>
    %masked_sort3A_2466 = arith.constant dense<true> : vector<16xi1>
    %masked_sort3A_2467, %masked_sort3A_2468, %masked_sort3A_2469 = tpu.sort %select_n3A_2464, %select_n3A_2465 masked %masked_sort3A_2466 : (vector<16xf32>, vector<16xf32>, vector<16xi1>) -> (vector<16xi1>, vector<16xf32>, vector<16xf32>)
    %lt3A_2470 = arith.constant 0 : i32
    %lt3A_2471 = vector.broadcast %lt3A_2470 : i32 to vector<16xi32>
    %lt3A_2472 = arith.cmpi slt, %broadcast_in_dim3A_9, %lt3A_2471 : vector<16xi32>
    %add3A_2473 = arith.constant 16 : i32
    %add3A_2474 = vector.broadcast %add3A_2473 : i32 to vector<16xi32>
    %add3A_2475 = arith.addi %broadcast_in_dim3A_9, %add3A_2474 : vector<16xi32>
    %select_n3A_2476 = arith.select %lt3A_2472, %add3A_2475, %broadcast_in_dim3A_9 : vector<16xi1>, vector<16xi32>
    %broadcast_in_dim3A_2477 = vector.shape_cast %select_n3A_2476 : vector<16xi32> to vector<16x1xi32>
    %gather3A = vector.shape_cast %broadcast_in_dim3A_2477 : vector<16x1xi32> to vector<16xi32>
    %gather3A_2478 = tpu.dynamic_gather %masked_sort3A_2335[%gather3A] in [0] : vector<16xf32>, vector<16xi32> -> vector<16xf32>
    %sub3A = arith.subf %gather3A_2478, %masked_sort3A_2335 : vector<16xf32>
    %exp3A = math.exp %sub3A : vector<16xf32>
    %jit3A = arith.constant 0.000000e+00 : f32
    %broadcast_in_dim3A_2479 = vector.broadcast %jit3A : f32 to vector<16xf32>
    %select_n3A_2480 = arith.select %lt3A_4, %exp3A, %broadcast_in_dim3A_2479 : vector<16xi1>, vector<16xf32>
    %mul3A_2481 = arith.mulf %select_n3A_2480, %masked_sort3A_2336 : vector<16xf32>
    %reduce_sum3A = arith.constant true
    %reduce_sum3A_2482 = vector.broadcast %reduce_sum3A : i1 to vector<16xi1>
    %reduce_sum3A_2483 = tpu.scan <sum>, %mul3A_2481 masked %reduce_sum3A_2482 : vector<16xf32>, vector<16xi1> -> vector<16xf32>
    %reduce_sum3A_2484 = vector.extract %reduce_sum3A_2483[15] : f32 from vector<16xf32>
    %broadcast_in_dim3A_2485 = vector.broadcast %reduce_sum3A_2484 : f32 to vector<16xf32>
    %reduce_sum3A_2486 = arith.constant true
    %reduce_sum3A_2487 = vector.broadcast %reduce_sum3A_2486 : i1 to vector<16xi1>
    %reduce_sum3A_2488 = tpu.scan <sum>, %select_n3A_2480 masked %reduce_sum3A_2487 : vector<16xf32>, vector<16xi1> -> vector<16xf32>
    %reduce_sum3A_2489 = vector.extract %reduce_sum3A_2488[15] : f32 from vector<16xf32>
    %broadcast_in_dim3A_2490 = vector.broadcast %reduce_sum3A_2489 : f32 to vector<16xf32>
    %div3A = arith.divf %broadcast_in_dim3A_2485, %broadcast_in_dim3A_2490 : vector<16xf32>
    %jit3A_2491 = arith.constant 0.000000e+00 : f32
    %broadcast_in_dim3A_2492 = vector.broadcast %jit3A_2491 : f32 to vector<16xf32>
    %select_n3A_2493 = arith.select %eq3A_6, %div3A, %broadcast_in_dim3A_2492 : vector<16xi1>, vector<16xf32>
    %add3A_2494 = arith.addf %broadcast_in_dim3A_7, %select_n3A_2493 : vector<16xf32>
    %lt3A_2495 = arith.constant 0 : i32
    %lt3A_2496 = vector.broadcast %lt3A_2495 : i32 to vector<16xi32>
    %lt3A_2497 = arith.cmpi slt, %broadcast_in_dim3A_9, %lt3A_2496 : vector<16xi32>
    %add3A_2498 = arith.constant 16 : i32
    %add3A_2499 = vector.broadcast %add3A_2498 : i32 to vector<16xi32>
    %add3A_2500 = arith.addi %broadcast_in_dim3A_9, %add3A_2499 : vector<16xi32>
    %select_n3A_2501 = arith.select %lt3A_2497, %add3A_2500, %broadcast_in_dim3A_9 : vector<16xi1>, vector<16xi32>
    %broadcast_in_dim3A_2502 = vector.shape_cast %select_n3A_2501 : vector<16xi32> to vector<16x1xi32>
    %gather3A_2503 = vector.shape_cast %broadcast_in_dim3A_2502 : vector<16x1xi32> to vector<16xi32>
    %gather3A_2504 = tpu.dynamic_gather %masked_sort3A_2354[%gather3A_2503] in [0] : vector<16xf32>, vector<16xi32> -> vector<16xf32>
    %sub3A_2505 = arith.subf %gather3A_2504, %masked_sort3A_2354 : vector<16xf32>
    %exp3A_2506 = math.exp %sub3A_2505 : vector<16xf32>
    %jit3A_2507 = arith.constant 0.000000e+00 : f32
    %broadcast_in_dim3A_2508 = vector.broadcast %jit3A_2507 : f32 to vector<16xf32>
    %select_n3A_2509 = arith.select %lt3A_4, %exp3A_2506, %broadcast_in_dim3A_2508 : vector<16xi1>, vector<16xf32>
    %mul3A_2510 = arith.mulf %select_n3A_2509, %masked_sort3A_2355 : vector<16xf32>
    %reduce_sum3A_2511 = arith.constant true
    %reduce_sum3A_2512 = vector.broadcast %reduce_sum3A_2511 : i1 to vector<16xi1>
    %reduce_sum3A_2513 = tpu.scan <sum>, %mul3A_2510 masked %reduce_sum3A_2512 : vector<16xf32>, vector<16xi1> -> vector<16xf32>
    %reduce_sum3A_2514 = vector.extract %reduce_sum3A_2513[15] : f32 from vector<16xf32>
    %broadcast_in_dim3A_2515 = vector.broadcast %reduce_sum3A_2514 : f32 to vector<16xf32>
    %reduce_sum3A_2516 = arith.constant true
    %reduce_sum3A_2517 = vector.broadcast %reduce_sum3A_2516 : i1 to vector<16xi1>
    %reduce_sum3A_2518 = tpu.scan <sum>, %select_n3A_2509 masked %reduce_sum3A_2517 : vector<16xf32>, vector<16xi1> -> vector<16xf32>
    %reduce_sum3A_2519 = vector.extract %reduce_sum3A_2518[15] : f32 from vector<16xf32>
    %broadcast_in_dim3A_2520 = vector.broadcast %reduce_sum3A_2519 : f32 to vector<16xf32>
    %div3A_2521 = arith.divf %broadcast_in_dim3A_2515, %broadcast_in_dim3A_2520 : vector<16xf32>
    %jit3A_2522 = arith.constant 0.000000e+00 : f32
    %broadcast_in_dim3A_2523 = vector.broadcast %jit3A_2522 : f32 to vector<16xf32>
    %select_n3A_2524 = arith.select %eq3A_6, %div3A_2521, %broadcast_in_dim3A_2523 : vector<16xi1>, vector<16xf32>
    %add3A_2525 = arith.addf %add3A_2494, %select_n3A_2524 : vector<16xf32>
    %lt3A_2526 = arith.constant 0 : i32
    %lt3A_2527 = vector.broadcast %lt3A_2526 : i32 to vector<16xi32>
    %lt3A_2528 = arith.cmpi slt, %broadcast_in_dim3A_9, %lt3A_2527 : vector<16xi32>
    %add3A_2529 = arith.constant 16 : i32
    %add3A_2530 = vector.broadcast %add3A_2529 : i32 to vector<16xi32>
    %add3A_2531 = arith.addi %broadcast_in_dim3A_9, %add3A_2530 : vector<16xi32>
    %select_n3A_2532 = arith.select %lt3A_2528, %add3A_2531, %broadcast_in_dim3A_9 : vector<16xi1>, vector<16xi32>
    %broadcast_in_dim3A_2533 = vector.shape_cast %select_n3A_2532 : vector<16xi32> to vector<16x1xi32>
    %gather3A_2534 = vector.shape_cast %broadcast_in_dim3A_2533 : vector<16x1xi32> to vector<16xi32>
    %gather3A_2535 = tpu.dynamic_gather %masked_sort3A_2373[%gather3A_2534] in [0] : vector<16xf32>, vector<16xi32> -> vector<16xf32>
    %sub3A_2536 = arith.subf %gather3A_2535, %masked_sort3A_2373 : vector<16xf32>
    %exp3A_2537 = math.exp %sub3A_2536 : vector<16xf32>
    %jit3A_2538 = arith.constant 0.000000e+00 : f32
    %broadcast_in_dim3A_2539 = vector.broadcast %jit3A_2538 : f32 to vector<16xf32>
    %select_n3A_2540 = arith.select %lt3A_4, %exp3A_2537, %broadcast_in_dim3A_2539 : vector<16xi1>, vector<16xf32>
    %mul3A_2541 = arith.mulf %select_n3A_2540, %masked_sort3A_2374 : vector<16xf32>
    %reduce_sum3A_2542 = arith.constant true
    %reduce_sum3A_2543 = vector.broadcast %reduce_sum3A_2542 : i1 to vector<16xi1>
    %reduce_sum3A_2544 = tpu.scan <sum>, %mul3A_2541 masked %reduce_sum3A_2543 : vector<16xf32>, vector<16xi1> -> vector<16xf32>
    %reduce_sum3A_2545 = vector.extract %reduce_sum3A_2544[15] : f32 from vector<16xf32>
    %broadcast_in_dim3A_2546 = vector.broadcast %reduce_sum3A_2545 : f32 to vector<16xf32>
    %reduce_sum3A_2547 = arith.constant true
    %reduce_sum3A_2548 = vector.broadcast %reduce_sum3A_2547 : i1 to vector<16xi1>
    %reduce_sum3A_2549 = tpu.scan <sum>, %select_n3A_2540 masked %reduce_sum3A_2548 : vector<16xf32>, vector<16xi1> -> vector<16xf32>
    %reduce_sum3A_2550 = vector.extract %reduce_sum3A_2549[15] : f32 from vector<16xf32>
    %broadcast_in_dim3A_2551 = vector.broadcast %reduce_sum3A_2550 : f32 to vector<16xf32>
    %div3A_2552 = arith.divf %broadcast_in_dim3A_2546, %broadcast_in_dim3A_2551 : vector<16xf32>
    %jit3A_2553 = arith.constant 0.000000e+00 : f32
    %broadcast_in_dim3A_2554 = vector.broadcast %jit3A_2553 : f32 to vector<16xf32>
    %select_n3A_2555 = arith.select %eq3A_6, %div3A_2552, %broadcast_in_dim3A_2554 : vector<16xi1>, vector<16xf32>
    %add3A_2556 = arith.addf %add3A_2525, %select_n3A_2555 : vector<16xf32>
    %lt3A_2557 = arith.constant 0 : i32
    %lt3A_2558 = vector.broadcast %lt3A_2557 : i32 to vector<16xi32>
    %lt3A_2559 = arith.cmpi slt, %broadcast_in_dim3A_9, %lt3A_2558 : vector<16xi32>
    %add3A_2560 = arith.constant 16 : i32
    %add3A_2561 = vector.broadcast %add3A_2560 : i32 to vector<16xi32>
    %add3A_2562 = arith.addi %broadcast_in_dim3A_9, %add3A_2561 : vector<16xi32>
    %select_n3A_2563 = arith.select %lt3A_2559, %add3A_2562, %broadcast_in_dim3A_9 : vector<16xi1>, vector<16xi32>
    %broadcast_in_dim3A_2564 = vector.shape_cast %select_n3A_2563 : vector<16xi32> to vector<16x1xi32>
    %gather3A_2565 = vector.shape_cast %broadcast_in_dim3A_2564 : vector<16x1xi32> to vector<16xi32>
    %gather3A_2566 = tpu.dynamic_gather %masked_sort3A_2392[%gather3A_2565] in [0] : vector<16xf32>, vector<16xi32> -> vector<16xf32>
    %sub3A_2567 = arith.subf %gather3A_2566, %masked_sort3A_2392 : vector<16xf32>
    %exp3A_2568 = math.exp %sub3A_2567 : vector<16xf32>
    %jit3A_2569 = arith.constant 0.000000e+00 : f32
    %broadcast_in_dim3A_2570 = vector.broadcast %jit3A_2569 : f32 to vector<16xf32>
    %select_n3A_2571 = arith.select %lt3A_4, %exp3A_2568, %broadcast_in_dim3A_2570 : vector<16xi1>, vector<16xf32>
    %mul3A_2572 = arith.mulf %select_n3A_2571, %masked_sort3A_2393 : vector<16xf32>
    %reduce_sum3A_2573 = arith.constant true
    %reduce_sum3A_2574 = vector.broadcast %reduce_sum3A_2573 : i1 to vector<16xi1>
    %reduce_sum3A_2575 = tpu.scan <sum>, %mul3A_2572 masked %reduce_sum3A_2574 : vector<16xf32>, vector<16xi1> -> vector<16xf32>
    %reduce_sum3A_2576 = vector.extract %reduce_sum3A_2575[15] : f32 from vector<16xf32>
    %broadcast_in_dim3A_2577 = vector.broadcast %reduce_sum3A_2576 : f32 to vector<16xf32>
    %reduce_sum3A_2578 = arith.constant true
    %reduce_sum3A_2579 = vector.broadcast %reduce_sum3A_2578 : i1 to vector<16xi1>
    %reduce_sum3A_2580 = tpu.scan <sum>, %select_n3A_2571 masked %reduce_sum3A_2579 : vector<16xf32>, vector<16xi1> -> vector<16xf32>
    %reduce_sum3A_2581 = vector.extract %reduce_sum3A_2580[15] : f32 from vector<16xf32>
    %broadcast_in_dim3A_2582 = vector.broadcast %reduce_sum3A_2581 : f32 to vector<16xf32>
    %div3A_2583 = arith.divf %broadcast_in_dim3A_2577, %broadcast_in_dim3A_2582 : vector<16xf32>
    %jit3A_2584 = arith.constant 0.000000e+00 : f32
    %broadcast_in_dim3A_2585 = vector.broadcast %jit3A_2584 : f32 to vector<16xf32>
    %select_n3A_2586 = arith.select %eq3A_6, %div3A_2583, %broadcast_in_dim3A_2585 : vector<16xi1>, vector<16xf32>
    %add3A_2587 = arith.addf %add3A_2556, %select_n3A_2586 : vector<16xf32>
    %lt3A_2588 = arith.constant 0 : i32
    %lt3A_2589 = vector.broadcast %lt3A_2588 : i32 to vector<16xi32>
    %lt3A_2590 = arith.cmpi slt, %broadcast_in_dim3A_9, %lt3A_2589 : vector<16xi32>
    %add3A_2591 = arith.constant 16 : i32
    %add3A_2592 = vector.broadcast %add3A_2591 : i32 to vector<16xi32>
    %add3A_2593 = arith.addi %broadcast_in_dim3A_9, %add3A_2592 : vector<16xi32>
    %select_n3A_2594 = arith.select %lt3A_2590, %add3A_2593, %broadcast_in_dim3A_9 : vector<16xi1>, vector<16xi32>
    %broadcast_in_dim3A_2595 = vector.shape_cast %select_n3A_2594 : vector<16xi32> to vector<16x1xi32>
    %gather3A_2596 = vector.shape_cast %broadcast_in_dim3A_2595 : vector<16x1xi32> to vector<16xi32>
    %gather3A_2597 = tpu.dynamic_gather %masked_sort3A_2411[%gather3A_2596] in [0] : vector<16xf32>, vector<16xi32> -> vector<16xf32>
    %sub3A_2598 = arith.subf %gather3A_2597, %masked_sort3A_2411 : vector<16xf32>
    %exp3A_2599 = math.exp %sub3A_2598 : vector<16xf32>
    %jit3A_2600 = arith.constant 0.000000e+00 : f32
    %broadcast_in_dim3A_2601 = vector.broadcast %jit3A_2600 : f32 to vector<16xf32>
    %select_n3A_2602 = arith.select %lt3A_4, %exp3A_2599, %broadcast_in_dim3A_2601 : vector<16xi1>, vector<16xf32>
    %mul3A_2603 = arith.mulf %select_n3A_2602, %masked_sort3A_2412 : vector<16xf32>
    %reduce_sum3A_2604 = arith.constant true
    %reduce_sum3A_2605 = vector.broadcast %reduce_sum3A_2604 : i1 to vector<16xi1>
    %reduce_sum3A_2606 = tpu.scan <sum>, %mul3A_2603 masked %reduce_sum3A_2605 : vector<16xf32>, vector<16xi1> -> vector<16xf32>
    %reduce_sum3A_2607 = vector.extract %reduce_sum3A_2606[15] : f32 from vector<16xf32>
    %broadcast_in_dim3A_2608 = vector.broadcast %reduce_sum3A_2607 : f32 to vector<16xf32>
    %reduce_sum3A_2609 = arith.constant true
    %reduce_sum3A_2610 = vector.broadcast %reduce_sum3A_2609 : i1 to vector<16xi1>
    %reduce_sum3A_2611 = tpu.scan <sum>, %select_n3A_2602 masked %reduce_sum3A_2610 : vector<16xf32>, vector<16xi1> -> vector<16xf32>
    %reduce_sum3A_2612 = vector.extract %reduce_sum3A_2611[15] : f32 from vector<16xf32>
    %broadcast_in_dim3A_2613 = vector.broadcast %reduce_sum3A_2612 : f32 to vector<16xf32>
    %div3A_2614 = arith.divf %broadcast_in_dim3A_2608, %broadcast_in_dim3A_2613 : vector<16xf32>
    %jit3A_2615 = arith.constant 0.000000e+00 : f32
    %broadcast_in_dim3A_2616 = vector.broadcast %jit3A_2615 : f32 to vector<16xf32>
    %select_n3A_2617 = arith.select %eq3A_6, %div3A_2614, %broadcast_in_dim3A_2616 : vector<16xi1>, vector<16xf32>
    %add3A_2618 = arith.addf %add3A_2587, %select_n3A_2617 : vector<16xf32>
    %lt3A_2619 = arith.constant 0 : i32
    %lt3A_2620 = vector.broadcast %lt3A_2619 : i32 to vector<16xi32>
    %lt3A_2621 = arith.cmpi slt, %broadcast_in_dim3A_9, %lt3A_2620 : vector<16xi32>
    %add3A_2622 = arith.constant 16 : i32
    %add3A_2623 = vector.broadcast %add3A_2622 : i32 to vector<16xi32>
    %add3A_2624 = arith.addi %broadcast_in_dim3A_9, %add3A_2623 : vector<16xi32>
    %select_n3A_2625 = arith.select %lt3A_2621, %add3A_2624, %broadcast_in_dim3A_9 : vector<16xi1>, vector<16xi32>
    %broadcast_in_dim3A_2626 = vector.shape_cast %select_n3A_2625 : vector<16xi32> to vector<16x1xi32>
    %gather3A_2627 = vector.shape_cast %broadcast_in_dim3A_2626 : vector<16x1xi32> to vector<16xi32>
    %gather3A_2628 = tpu.dynamic_gather %masked_sort3A_2430[%gather3A_2627] in [0] : vector<16xf32>, vector<16xi32> -> vector<16xf32>
    %sub3A_2629 = arith.subf %gather3A_2628, %masked_sort3A_2430 : vector<16xf32>
    %exp3A_2630 = math.exp %sub3A_2629 : vector<16xf32>
    %jit3A_2631 = arith.constant 0.000000e+00 : f32
    %broadcast_in_dim3A_2632 = vector.broadcast %jit3A_2631 : f32 to vector<16xf32>
    %select_n3A_2633 = arith.select %lt3A_4, %exp3A_2630, %broadcast_in_dim3A_2632 : vector<16xi1>, vector<16xf32>
    %mul3A_2634 = arith.mulf %select_n3A_2633, %masked_sort3A_2431 : vector<16xf32>
    %reduce_sum3A_2635 = arith.constant true
    %reduce_sum3A_2636 = vector.broadcast %reduce_sum3A_2635 : i1 to vector<16xi1>
    %reduce_sum3A_2637 = tpu.scan <sum>, %mul3A_2634 masked %reduce_sum3A_2636 : vector<16xf32>, vector<16xi1> -> vector<16xf32>
    %reduce_sum3A_2638 = vector.extract %reduce_sum3A_2637[15] : f32 from vector<16xf32>
    %broadcast_in_dim3A_2639 = vector.broadcast %reduce_sum3A_2638 : f32 to vector<16xf32>
    %reduce_sum3A_2640 = arith.constant true
    %reduce_sum3A_2641 = vector.broadcast %reduce_sum3A_2640 : i1 to vector<16xi1>
    %reduce_sum3A_2642 = tpu.scan <sum>, %select_n3A_2633 masked %reduce_sum3A_2641 : vector<16xf32>, vector<16xi1> -> vector<16xf32>
    %reduce_sum3A_2643 = vector.extract %reduce_sum3A_2642[15] : f32 from vector<16xf32>
    %broadcast_in_dim3A_2644 = vector.broadcast %reduce_sum3A_2643 : f32 to vector<16xf32>
    %div3A_2645 = arith.divf %broadcast_in_dim3A_2639, %broadcast_in_dim3A_2644 : vector<16xf32>
    %jit3A_2646 = arith.constant 0.000000e+00 : f32
    %broadcast_in_dim3A_2647 = vector.broadcast %jit3A_2646 : f32 to vector<16xf32>
    %select_n3A_2648 = arith.select %eq3A_6, %div3A_2645, %broadcast_in_dim3A_2647 : vector<16xi1>, vector<16xf32>
    %add3A_2649 = arith.addf %add3A_2618, %select_n3A_2648 : vector<16xf32>
    %lt3A_2650 = arith.constant 0 : i32
    %lt3A_2651 = vector.broadcast %lt3A_2650 : i32 to vector<16xi32>
    %lt3A_2652 = arith.cmpi slt, %broadcast_in_dim3A_9, %lt3A_2651 : vector<16xi32>
    %add3A_2653 = arith.constant 16 : i32
    %add3A_2654 = vector.broadcast %add3A_2653 : i32 to vector<16xi32>
    %add3A_2655 = arith.addi %broadcast_in_dim3A_9, %add3A_2654 : vector<16xi32>
    %select_n3A_2656 = arith.select %lt3A_2652, %add3A_2655, %broadcast_in_dim3A_9 : vector<16xi1>, vector<16xi32>
    %broadcast_in_dim3A_2657 = vector.shape_cast %select_n3A_2656 : vector<16xi32> to vector<16x1xi32>
    %gather3A_2658 = vector.shape_cast %broadcast_in_dim3A_2657 : vector<16x1xi32> to vector<16xi32>
    %gather3A_2659 = tpu.dynamic_gather %masked_sort3A_2449[%gather3A_2658] in [0] : vector<16xf32>, vector<16xi32> -> vector<16xf32>
    %sub3A_2660 = arith.subf %gather3A_2659, %masked_sort3A_2449 : vector<16xf32>
    %exp3A_2661 = math.exp %sub3A_2660 : vector<16xf32>
    %jit3A_2662 = arith.constant 0.000000e+00 : f32
    %broadcast_in_dim3A_2663 = vector.broadcast %jit3A_2662 : f32 to vector<16xf32>
    %select_n3A_2664 = arith.select %lt3A_4, %exp3A_2661, %broadcast_in_dim3A_2663 : vector<16xi1>, vector<16xf32>
    %mul3A_2665 = arith.mulf %select_n3A_2664, %masked_sort3A_2450 : vector<16xf32>
    %reduce_sum3A_2666 = arith.constant true
    %reduce_sum3A_2667 = vector.broadcast %reduce_sum3A_2666 : i1 to vector<16xi1>
    %reduce_sum3A_2668 = tpu.scan <sum>, %mul3A_2665 masked %reduce_sum3A_2667 : vector<16xf32>, vector<16xi1> -> vector<16xf32>
    %reduce_sum3A_2669 = vector.extract %reduce_sum3A_2668[15] : f32 from vector<16xf32>
    %broadcast_in_dim3A_2670 = vector.broadcast %reduce_sum3A_2669 : f32 to vector<16xf32>
    %reduce_sum3A_2671 = arith.constant true
    %reduce_sum3A_2672 = vector.broadcast %reduce_sum3A_2671 : i1 to vector<16xi1>
    %reduce_sum3A_2673 = tpu.scan <sum>, %select_n3A_2664 masked %reduce_sum3A_2672 : vector<16xf32>, vector<16xi1> -> vector<16xf32>
    %reduce_sum3A_2674 = vector.extract %reduce_sum3A_2673[15] : f32 from vector<16xf32>
    %broadcast_in_dim3A_2675 = vector.broadcast %reduce_sum3A_2674 : f32 to vector<16xf32>
    %div3A_2676 = arith.divf %broadcast_in_dim3A_2670, %broadcast_in_dim3A_2675 : vector<16xf32>
    %jit3A_2677 = arith.constant 0.000000e+00 : f32
    %broadcast_in_dim3A_2678 = vector.broadcast %jit3A_2677 : f32 to vector<16xf32>
    %select_n3A_2679 = arith.select %eq3A_6, %div3A_2676, %broadcast_in_dim3A_2678 : vector<16xi1>, vector<16xf32>
    %add3A_2680 = arith.addf %add3A_2649, %select_n3A_2679 : vector<16xf32>
    %lt3A_2681 = arith.constant 0 : i32
    %lt3A_2682 = vector.broadcast %lt3A_2681 : i32 to vector<16xi32>
    %lt3A_2683 = arith.cmpi slt, %broadcast_in_dim3A_9, %lt3A_2682 : vector<16xi32>
    %add3A_2684 = arith.constant 16 : i32
    %add3A_2685 = vector.broadcast %add3A_2684 : i32 to vector<16xi32>
    %add3A_2686 = arith.addi %broadcast_in_dim3A_9, %add3A_2685 : vector<16xi32>
    %select_n3A_2687 = arith.select %lt3A_2683, %add3A_2686, %broadcast_in_dim3A_9 : vector<16xi1>, vector<16xi32>
    %broadcast_in_dim3A_2688 = vector.shape_cast %select_n3A_2687 : vector<16xi32> to vector<16x1xi32>
    %gather3A_2689 = vector.shape_cast %broadcast_in_dim3A_2688 : vector<16x1xi32> to vector<16xi32>
    %gather3A_2690 = tpu.dynamic_gather %masked_sort3A_2468[%gather3A_2689] in [0] : vector<16xf32>, vector<16xi32> -> vector<16xf32>
    %sub3A_2691 = arith.subf %gather3A_2690, %masked_sort3A_2468 : vector<16xf32>
    %exp3A_2692 = math.exp %sub3A_2691 : vector<16xf32>
    %jit3A_2693 = arith.constant 0.000000e+00 : f32
    %broadcast_in_dim3A_2694 = vector.broadcast %jit3A_2693 : f32 to vector<16xf32>
    %select_n3A_2695 = arith.select %lt3A_4, %exp3A_2692, %broadcast_in_dim3A_2694 : vector<16xi1>, vector<16xf32>
    %mul3A_2696 = arith.mulf %select_n3A_2695, %masked_sort3A_2469 : vector<16xf32>
    %reduce_sum3A_2697 = arith.constant true
    %reduce_sum3A_2698 = vector.broadcast %reduce_sum3A_2697 : i1 to vector<16xi1>
    %reduce_sum3A_2699 = tpu.scan <sum>, %mul3A_2696 masked %reduce_sum3A_2698 : vector<16xf32>, vector<16xi1> -> vector<16xf32>
    %reduce_sum3A_2700 = vector.extract %reduce_sum3A_2699[15] : f32 from vector<16xf32>
    %broadcast_in_dim3A_2701 = vector.broadcast %reduce_sum3A_2700 : f32 to vector<16xf32>
    %reduce_sum3A_2702 = arith.constant true
    %reduce_sum3A_2703 = vector.broadcast %reduce_sum3A_2702 : i1 to vector<16xi1>
    %reduce_sum3A_2704 = tpu.scan <sum>, %select_n3A_2695 masked %reduce_sum3A_2703 : vector<16xf32>, vector<16xi1> -> vector<16xf32>
    %reduce_sum3A_2705 = vector.extract %reduce_sum3A_2704[15] : f32 from vector<16xf32>
    %broadcast_in_dim3A_2706 = vector.broadcast %reduce_sum3A_2705 : f32 to vector<16xf32>
    %div3A_2707 = arith.divf %broadcast_in_dim3A_2701, %broadcast_in_dim3A_2706 : vector<16xf32>
    %jit3A_2708 = arith.constant 0.000000e+00 : f32
    %broadcast_in_dim3A_2709 = vector.broadcast %jit3A_2708 : f32 to vector<16xf32>
    %select_n3A_2710 = arith.select %eq3A_6, %div3A_2707, %broadcast_in_dim3A_2709 : vector<16xi1>, vector<16xf32>
    %add3A_2711 = arith.addf %add3A_2680, %select_n3A_2710 : vector<16xf32>
    %swap3A = arith.constant 0 : index
    %swap3A_2712 = tpu.vector_load %arg5[%swap3A] {strides = array<i32>} : memref<16xf32, #tpu.memory_space<vmem>>, vector<16xf32>,
    tpu.vector_store %arg5[%swap3A], %add3A_2711 {strides = array<i32>} : memref<16xf32, #tpu.memory_space<vmem>>, vector<16xf32>,
    "tpu.region"() ({
      %run_scoped3A = tpu.sem_alloc : memref<!tpu.dma_semaphore, #tpu.memory_space<semaphore_mem>>
      %dma_start3A = arith.constant 0 : i32
      %dma_start3A_2713 = tpu.memref_slice %arg3[%add3A, %dma_start3A] : memref<32x16xf32, #tpu.memory_space<hbm>> -> memref<1x16xf32, #tpu.memory_space<hbm>>
      %dma_start3A_2714 = tpu.memref_squeeze %dma_start3A_2713 : memref<1x16xf32, #tpu.memory_space<hbm>> -> memref<16xf32, #tpu.memory_space<hbm>>
      %dma_start3A_2715 = arith.constant 0 : i32
      %dma_start3A_2716 = tpu.memref_slice %arg3[%add3A, %dma_start3A_2715] : memref<32x16xf32, #tpu.memory_space<hbm>> -> memref<1x16xf32, #tpu.memory_space<hbm>>
      %dma_start3A_2717 = tpu.memref_squeeze %dma_start3A_2716 : memref<1x16xf32, #tpu.memory_space<hbm>> -> memref<16xf32, #tpu.memory_space<hbm>>
      tpu.enqueue_dma source(%arg5 : memref<16xf32, #tpu.memory_space<vmem>>) target(%dma_start3A_2717 : memref<16xf32, #tpu.memory_space<hbm>>) target_semaphore(%run_scoped3A : memref<!tpu.dma_semaphore, #tpu.memory_space<semaphore_mem>>)
      %dma_wait3A = arith.constant 0 : i32
      %dma_wait3A_2718 = tpu.memref_slice %arg3[%add3A, %dma_wait3A] : memref<32x16xf32, #tpu.memory_space<hbm>> -> memref<1x16xf32, #tpu.memory_space<hbm>>
      %dma_wait3A_2719 = tpu.memref_squeeze %dma_wait3A_2718 : memref<1x16xf32, #tpu.memory_space<hbm>> -> memref<16xf32, #tpu.memory_space<hbm>>
      %dma_wait3A_2720 = arith.constant 0 : i32
      %dma_wait3A_2721 = tpu.memref_slice %arg3[%add3A, %dma_wait3A_2720] : memref<32x16xf32, #tpu.memory_space<hbm>> -> memref<1x16xf32, #tpu.memory_space<hbm>>
      %dma_wait3A_2722 = tpu.memref_squeeze %dma_wait3A_2721 : memref<1x16xf32, #tpu.memory_space<hbm>> -> memref<16xf32, #tpu.memory_space<hbm>>
      tpu.wait_dma2 semaphore(%run_scoped3A : memref<!tpu.dma_semaphore, #tpu.memory_space<semaphore_mem>>) src(%arg5 : memref<16xf32, #tpu.memory_space<vmem>>) dst(%dma_wait3A_2722 : memref<16xf32, #tpu.memory_space<hbm>>)
      tpu.yield
    }) : () -> ()
    return
  }
}

module attributes {stable_mosaic.version = 14 : i64} {
  func.func @_dense_kernel(%arg0: memref<256x512xf32, #tpu.memory_space<vmem>>, %arg1: memref<256x512xf32, #tpu.memory_space<vmem>>, %arg2: memref<256x512xf32, #tpu.memory_space<vmem>>, %arg3: memref<256x512xf32, #tpu.memory_space<vmem>>, %arg4: memref<256x512xf32, #tpu.memory_space<vmem>>, %arg5: memref<1x1xf32, #tpu.memory_space<vmem>>) attributes {dimension_semantics = [], scalar_prefetch = 0 : i64, scratch_operands = 0 : i64, tpu.core_type = #tpu.core_type<tc>} {
    %get3A = arith.constant 0 : index
    %get3A_0 = arith.constant 0 : index
    %get3A_1 = vector.load %arg1[%get3A, %get3A_0] : memref<256x512xf32, #tpu.memory_space<vmem>>, vector<256x512xf32>
    %get3A_2 = arith.constant 0 : index
    %get3A_3 = arith.constant 0 : index
    %get3A_4 = vector.load %arg3[%get3A_2, %get3A_3] : memref<256x512xf32, #tpu.memory_space<vmem>>, vector<256x512xf32>
    %dot_general3A = arith.constant dense<0.000000e+00> : vector<256x256xf32>
    %dot_general3A_5 = tpu.matmul %get3A_1, %get3A_1, %dot_general3A {dimension_numbers = #tpu.dot_dimension_numbers<[1], [1], [0], [0], [0, 0, 1, 0], [], []>, transpose_lhs_hint = false} : vector<256x512xf32>, vector<256x512xf32>, vector<256x256xf32> -> vector<256x256xf32>
    %dot_general3A_6 = arith.constant dense<0.000000e+00> : vector<256x256xf32>
    %dot_general3A_7 = tpu.matmul %get3A_4, %get3A_4, %dot_general3A_6 {dimension_numbers = #tpu.dot_dimension_numbers<[1], [1], [0], [0], [0, 0, 1, 0], [], []>, transpose_lhs_hint = false} : vector<256x512xf32>, vector<256x512xf32>, vector<256x256xf32> -> vector<256x256xf32>
    %mul3A = arith.mulf %get3A_1, %get3A_1 : vector<256x512xf32>
    %reduce_sum3A = arith.constant dense<0.000000e+00> : vector<256xf32>
    %reduce_sum3A_8 = vector.multi_reduction <add>, %mul3A, %reduce_sum3A [1] : vector<256x512xf32> to vector<256xf32>
    %broadcast_in_dim3A = vector.shape_cast %reduce_sum3A_8 : vector<256xf32> to vector<256x1xf32>
    %reduce_sum3A_9 = arith.constant dense<0.000000e+00> : vector<256xf32>
    %reduce_sum3A_10 = vector.multi_reduction <add>, %get3A_1, %reduce_sum3A_9 [1] : vector<256x512xf32> to vector<256xf32>
    %broadcast_in_dim3A_11 = vector.shape_cast %reduce_sum3A_10 : vector<256xf32> to vector<256x1xf32>
    %reduce_sum3A_12 = arith.constant dense<0.000000e+00> : vector<256xf32>
    %reduce_sum3A_13 = vector.multi_reduction <add>, %get3A_4, %reduce_sum3A_12 [1] : vector<256x512xf32> to vector<256xf32>
    %broadcast_in_dim3A_14 = vector.shape_cast %reduce_sum3A_13 : vector<256xf32> to vector<256x1xf32>
    %transpose3A = tpu.transpose %broadcast_in_dim3A, [1, 0] : vector<256x1xf32> -> vector<1x256xf32>
    %add3A = vector.broadcast %broadcast_in_dim3A : vector<256x1xf32> to vector<256x256xf32>
    %add3A_15 = vector.broadcast %transpose3A : vector<1x256xf32> to vector<256x256xf32>
    %add3A_16 = arith.addf %add3A, %add3A_15 : vector<256x256xf32>
    %mul3A_17 = arith.constant 2.000000e+00 : f32
    %mul3A_18 = vector.broadcast %mul3A_17 : f32 to vector<256x256xf32>
    %mul3A_19 = arith.mulf %mul3A_18, %dot_general3A_5 : vector<256x256xf32>
    %sub3A = arith.subf %add3A_16, %mul3A_19 : vector<256x256xf32>
    %transpose3A_20 = tpu.transpose %broadcast_in_dim3A_11, [1, 0] : vector<256x1xf32> -> vector<1x256xf32>
    %sub3A_21 = vector.broadcast %broadcast_in_dim3A_11 : vector<256x1xf32> to vector<256x256xf32>
    %sub3A_22 = vector.broadcast %transpose3A_20 : vector<1x256xf32> to vector<256x256xf32>
    %sub3A_23 = arith.subf %sub3A_21, %sub3A_22 : vector<256x256xf32>
    %mul3A_24 = arith.mulf %sub3A_23, %sub3A_23 : vector<256x256xf32>
    %mul3A_25 = arith.constant 0.001953125 : f32
    %mul3A_26 = vector.broadcast %mul3A_25 : f32 to vector<256x256xf32>
    %mul3A_27 = arith.mulf %mul3A_24, %mul3A_26 : vector<256x256xf32>
    %sub3A_28 = arith.subf %sub3A, %mul3A_27 : vector<256x256xf32>
    %mul3A_29 = arith.constant 0.00195694715 : f32
    %mul3A_30 = vector.broadcast %mul3A_29 : f32 to vector<256x256xf32>
    %mul3A_31 = arith.mulf %sub3A_28, %mul3A_30 : vector<256x256xf32>
    %gt3A = arith.constant 0.000000e+00 : f32
    %gt3A_32 = vector.broadcast %gt3A : f32 to vector<256x256xf32>
    %gt3A_33 = arith.cmpf ogt, %mul3A_31, %gt3A_32 : vector<256x256xf32>
    %jit3A = arith.constant 1.000000e+00 : f32
    %broadcast_in_dim3A_34 = vector.broadcast %jit3A : f32 to vector<256x256xf32>
    %select_n3A = arith.select %gt3A_33, %mul3A_31, %broadcast_in_dim3A_34 : vector<256x256xi1>, vector<256x256xf32>
    %sqrt3A = math.sqrt %select_n3A : vector<256x256xf32>
    %jit3A_35 = arith.constant 0.000000e+00 : f32
    %broadcast_in_dim3A_36 = vector.broadcast %jit3A_35 : f32 to vector<256x256xf32>
    %select_n3A_37 = arith.select %gt3A_33, %sqrt3A, %broadcast_in_dim3A_36 : vector<256x256xi1>, vector<256x256xf32>
    %transpose3A_38 = tpu.transpose %broadcast_in_dim3A_14, [1, 0] : vector<256x1xf32> -> vector<1x256xf32>
    %add3A_39 = vector.broadcast %broadcast_in_dim3A_14 : vector<256x1xf32> to vector<256x256xf32>
    %add3A_40 = vector.broadcast %transpose3A_38 : vector<1x256xf32> to vector<256x256xf32>
    %add3A_41 = arith.addf %add3A_39, %add3A_40 : vector<256x256xf32>
    %mul3A_42 = arith.constant 2.000000e+00 : f32
    %mul3A_43 = vector.broadcast %mul3A_42 : f32 to vector<256x256xf32>
    %mul3A_44 = arith.mulf %mul3A_43, %dot_general3A_7 : vector<256x256xf32>
    %sub3A_45 = arith.subf %add3A_41, %mul3A_44 : vector<256x256xf32>
    %iota3A = tpu.iota {dimensions = array<i32: 0>} : vector<256x256xi32>
    %iota3A_46 = tpu.iota {dimensions = array<i32: 1>} : vector<256x256xi32>
    %eq3A = arith.cmpi eq, %iota3A, %iota3A_46 : vector<256x256xi32>
    %le3A = arith.constant 5.000000e-01 : f32
    %le3A_47 = vector.broadcast %le3A : f32 to vector<256x256xf32>
    %le3A_48 = arith.cmpf ole, %sub3A_45, %le3A_47 : vector<256x256xf32>
    %or3A = arith.ori %eq3A, %le3A_48 : vector<256x256xi1>
    %jit3A_49 = arith.constant 9.999000e+03 : f32
    %broadcast_in_dim3A_50 = vector.broadcast %jit3A_49 : f32 to vector<256x256xf32>
    %select_n3A_51 = arith.select %or3A, %broadcast_in_dim3A_50, %select_n3A_37 : vector<256x256xi1>, vector<256x256xf32>
    %swap3A = arith.constant 0 : index
    %swap3A_52 = arith.constant 0 : index
    %swap3A_53 = vector.load %arg4[%swap3A, %swap3A_52] : memref<256x512xf32, #tpu.memory_space<vmem>>, vector<256x256xf32>
    tpu.vector_store %arg4[%swap3A, %swap3A_52], %select_n3A_51 {strides = array<i32>} : memref<256x512xf32, #tpu.memory_space<vmem>>, vector<256x256xf32>,
    %gt3A_54 = arith.constant 0.000000e+00 : f32
    %gt3A_55 = vector.broadcast %gt3A_54 : f32 to vector<256x256xf32>
    %gt3A_56 = arith.cmpf ogt, %sub3A, %gt3A_55 : vector<256x256xf32>
    %jit3A_57 = arith.constant 1.000000e+00 : f32
    %broadcast_in_dim3A_58 = vector.broadcast %jit3A_57 : f32 to vector<256x256xf32>
    %select_n3A_59 = arith.select %gt3A_56, %sub3A, %broadcast_in_dim3A_58 : vector<256x256xi1>, vector<256x256xf32>
    %sqrt3A_60 = math.sqrt %select_n3A_59 : vector<256x256xf32>
    %jit3A_61 = arith.constant 0.000000e+00 : f32
    %broadcast_in_dim3A_62 = vector.broadcast %jit3A_61 : f32 to vector<256x256xf32>
    %select_n3A_63 = arith.select %gt3A_56, %sqrt3A_60, %broadcast_in_dim3A_62 : vector<256x256xi1>, vector<256x256xf32>
    %swap3A_64 = arith.constant 0 : index
    %swap3A_65 = arith.constant 256 : index
    %swap3A_66 = vector.load %arg4[%swap3A_64, %swap3A_65] : memref<256x512xf32, #tpu.memory_space<vmem>>, vector<256x256xf32>
    tpu.vector_store %arg4[%swap3A_64, %swap3A_65], %select_n3A_63 {strides = array<i32>} : memref<256x512xf32, #tpu.memory_space<vmem>>, vector<256x256xf32>,
    %get3A_67 = arith.constant 0 : index
    %get3A_68 = arith.constant 0 : index
    %get3A_69 = vector.load %arg0[%get3A_67, %get3A_68] : memref<256x512xf32, #tpu.memory_space<vmem>>, vector<256x512xf32>
    %sub3A_70 = arith.subf %get3A_69, %get3A_1 : vector<256x512xf32>
    %get3A_71 = arith.constant 0 : index
    %get3A_72 = arith.constant 0 : index
    %get3A_73 = vector.load %arg2[%get3A_71, %get3A_72] : memref<256x512xf32, #tpu.memory_space<vmem>>, vector<256x512xf32>
    %add3A_74 = arith.addf %sub3A_70, %get3A_73 : vector<256x512xf32>
    %mul3A_75 = arith.mulf %get3A_4, %add3A_74 : vector<256x512xf32>
    %mul3A_76 = arith.mulf %mul3A_75, %add3A_74 : vector<256x512xf32>
    %reduce_sum3A_77 = vector.shape_cast %mul3A_76 : vector<256x512xf32> to vector<1x256x512xf32>
    %reduce_sum3A_78 = arith.constant dense<0.000000e+00> : vector<1xf32>
    %reduce_sum3A_79 = vector.multi_reduction <add>, %reduce_sum3A_77, %reduce_sum3A_78 [1, 2] : vector<1x256x512xf32> to vector<1xf32>
    %reduce_sum3A_80 = vector.shape_cast %reduce_sum3A_79 : vector<1xf32> to vector<1x1x1xf32>
    %reduce_sum3A_81 = vector.extract %reduce_sum3A_80[0, 0, 0] : f32 from vector<1x1x1xf32>
    %reshape3A = vector.broadcast %reduce_sum3A_81 : f32 to vector<1x1xf32>
    %swap3A_82 = arith.constant 0 : index
    %swap3A_83 = arith.constant 0 : index
    %swap3A_84 = vector.load %arg5[%swap3A_82, %swap3A_83] : memref<1x1xf32, #tpu.memory_space<vmem>>, vector<1x1xf32>
    tpu.vector_store %arg5[%swap3A_82, %swap3A_83], %reshape3A {strides = array<i32>} : memref<1x1xf32, #tpu.memory_space<vmem>>, vector<1x1xf32>,
    return
  }
}

</mosaic_0001>

<sc_bundles>
// kernel: kernel.4.cloned.1.call-start
scs
__scs_entry_jumppad:
0x0: {  	(pc) =	sbr.rel $0x88, $3  }
0x1: {  	(tag) =	ssettag $0x0;
	lr =	simm.s32 $0x1  }
0x2: {  	[smem:$0x3F9D] =	sst lr;
	_ =	strace $0xD0000000  }
0x3: {  	_ = 	snop  }
0x4: {  	_ = 	snop  }
0x5: {  	_ = 	snop  }
0x6: {  	_ = 	snop  }
0x7: {  	_ = 	snop  }
__scs_overlays_trampoline_lowered:
0x8: {  	[smem:$0x3FAC] =	sst s0  }
0x9: {  	[smem:$0x3FAD] =	sst s1  }
0xa: {  	[smem:$0x3FAE] =	sst s2  }
0xb: {  	[smem:$0x3FAF] =	sst s3  }
0xc: {  	[smem:$0x3FB0] =	sst s4  }
0xd: {  	[smem:$0x3FB1] =	sst s5  }
0xe: {  	[smem:$0x3FB2] =	sst s6  }
0xf: {  	[smem:$0x3FB3] =	sst s7  }
0x10: {  	[smem:$0x3FB4] =	sst s8  }
0x11: {  	[smem:$0x3FB5] =	sst s9;
	s0 =	simm.s32 @!p0 $0x0  }
0x12: {  	s1 =	sld [smem:$0x3F9B];
	s0 =	simm.s32 @p0 $0x1  }
0x13: {  	[smem:$0x3FB6] =	sst s0;
	s0 =	simm.s32 @!p1 $0x0  }
0x14: {  	s2 =	sld [smem:$0x3F9A];
	s0 =	simm.s32 @p1 $0x1  }
0x15: {  	[smem:$0x3FB7] =	sst s0;
	s0 =	simm.s32 @!p2 $0x0  }
0x16: {  	s3 =	sld [smem:$0x3FDB];
	s0 =	simm.s32 @p2 $0x1  }
0x17: {  	s4 =	simm.s32 $0x1BF5;
	[smem:$0x3FB9] =	sst s0  }
0x18: {  	s0 =	sld [smem:$0x3F9C];
	_ =	swait.ge [sflag:s4], $0x0  }
0x19: {  	s7 =	sld [smem:$0x3F9D]  }
0x1a: {  	s8 =	sadd.s32 $0xFFFFE003, lr  }
0x1b: {  	s9 =	sadd.s32 $0xFFFFFEF7, lr;
	s5 =	simm.s32 $0xFFFFFFFF;
	p2 =	slt.u32 s8, $0xFFFFF086  }
0x1c: {  	p1 =	slt.u32 s9, $0xF7A;
	s5 =	simm.s32 @!p2 $0x0  }
0x1d: {  	s5 =	simm.s32 @p1 $0x1;
	p0 =	seq.s32 s7, s2  }
0x1e: {  	s7 =	smul.u32 @!p0 $0xF7A, s2;
	p2 =	seq.s32 @!p0 s5, $0x0  }
0x1f: {  	s9 =	smul.u32 $0xF7A, s1;
	s8 =	simm.s32 @!p0 $0x1BF5;
	p2 =	por !p2, p0  }
0x20: {  	[sflag:s8] =	ssyncset.s32 @!p0 $0xFFFFF086;
	s6 =	sadd.s32 @!p0 s3, s7;
	s7 =	simm.s32 @!p0 $0x108  }
0x21: {  	s3 =	sadd.s32 s3, s9;
	s6 =	sadd.s32 @!p0 $0x88, s6;
	s7 =	simm.s32 @p2 $0x1082  }
0x22: {  	[simem:s7], [sflag:s8] =	dma.local @!p0 [hbm:s6], $0xF7A  }
0x23: {  	s9 =	sor.u32 $0xD0000000, s2;
	s6 =	simm.s32 $0x108;
	_ =	swait.ge @!p0 [sflag:s8], $0x0  }
0x24: {  	s3 =	sadd.s32 $0x88, s3;
	s6 =	simm.s32 @!p1 $0x1082;
	[sflag:s4] =	ssyncset.s32 $0xFFFFF086  }
0x25: {  	[simem:s6], [sflag:s4] =	dma.local [hbm:s3], $0xF7A  }
0x26: {  	[smem:$0x3F9D] =	sst s1;
	(tag) =	ssettag s2;
	_ =	strace s9  }
0x27: {  	s1 =	sld [smem:$0x3FAD]  }
0x28: {  	s2 =	sld [smem:$0x3FAE]  }
0x29: {  	s4 =	sld [smem:$0x3FB0]  }
0x2a: {  	p0 =	seq.s32 s5, $0x0;
	s5 =	sld [smem:$0x3FB1]  }
0x2b: {  	s6 =	sld [smem:$0x3FB2]  }
0x2c: {  	s7 =	sld [smem:$0x3FB3]  }
0x2d: {  	s3 =	simm.s32 $0x108;
	s8 =	sld [smem:$0x3FB4]  }
0x2e: {  	s3 =	simm.s32 @!p0 $0x1082;
	s9 =	sld [smem:$0x3FB5]  }
0x2f: {  	lr =	sadd.s32 s0, s3;
	s0 =	sld [smem:$0x3FAC]  }
0x30: {  	s3 =	sld [smem:$0x3FAF]  }
0x31: {  	[smem:$0x3FB8] =	sst s10  }
0x32: {  	s10 =	sld [smem:$0x3FB6];
	_ =	sdelay $0x3  }
0x33: {  	p0 =	seq.s32 s10, $0x1;
	s10 =	sld [smem:$0x3FB8];
	_ =	sdelay $0x3  }
0x34: {  	[smem:$0x3FB8] =	sst s10  }
0x35: {  	s10 =	sld [smem:$0x3FB7];
	_ =	sdelay $0x3  }
0x36: {  	p1 =	seq.s32 s10, $0x1;
	s10 =	sld [smem:$0x3FB8];
	_ =	sdelay $0x3  }
0x37: {  	[smem:$0x3FB8] =	sst s10  }
0x38: {  	s10 =	sld [smem:$0x3FB9]  }
0x39: {  	_ = 	snop;
	(pc) =	sbr.ind lr, $3  }
0x3a: {  	_ = 	snop  }
0x3b: {  	_ = 	snop  }
0x3c: {  	p2 =	seq.s32 s10, $0x1;
	s10 =	sld [smem:$0x3FB8]  }
0x3d: {  	_ =	shalt  }
0x3e: {  	_ =	shalt  }
0x3f: {  	_ =	shalt  }
0x40: {  	_ =	shalt  }
0x41: {  	_ =	shalt  }
0x42: {  	_ =	shalt  }
0x43: {  	_ =	shalt  }
0x44: {  	_ =	shalt  }
0x45: {  	_ =	shalt  }
0x46: {  	_ =	shalt  }
0x47: {  	_ =	shalt  }
0x48: {  	_ =	shalt  }
0x49: {  	_ =	shalt  }
0x4a: {  	_ =	shalt  }
0x4b: {  	_ =	shalt  }
0x4c: {  	_ =	shalt  }
0x4d: {  	_ =	shalt  }
0x4e: {  	_ =	shalt  }
0x4f: {  	_ =	shalt  }
0x50: {  	_ =	shalt  }
0x51: {  	_ =	shalt  }
0x52: {  	_ =	shalt  }
0x53: {  	_ =	shalt  }
0x54: {  	_ =	shalt  }
0x55: {  	_ =	shalt  }
0x56: {  	_ =	shalt  }
0x57: {  	_ =	shalt  }
0x58: {  	_ =	shalt  }
0x59: {  	_ =	shalt  }
0x5a: {  	_ =	shalt  }
0x5b: {  	_ =	shalt  }
0x5c: {  	_ =	shalt  }
0x5d: {  	_ =	shalt  }
0x5e: {  	_ =	shalt  }
0x5f: {  	_ =	shalt  }
0x60: {  	_ =	shalt  }
0x61: {  	_ =	shalt  }
0x62: {  	_ =	shalt  }
0x63: {  	_ =	shalt  }
0x64: {  	_ =	shalt  }
0x65: {  	_ =	shalt  }
0x66: {  	_ =	shalt  }
0x67: {  	_ =	shalt  }
0x68: {  	_ =	shalt  }
0x69: {  	_ =	shalt  }
0x6a: {  	_ =	shalt  }
0x6b: {  	_ =	shalt  }
0x6c: {  	_ =	shalt  }
0x6d: {  	_ =	shalt  }
0x6e: {  	_ =	shalt  }
0x6f: {  	_ =	shalt  }
0x70: {  	_ =	shalt  }
0x71: {  	_ =	shalt  }
0x72: {  	_ =	shalt  }
0x73: {  	_ =	shalt  }
0x74: {  	_ =	shalt  }
0x75: {  	_ =	shalt  }
0x76: {  	_ =	shalt  }
0x77: {  	_ =	shalt  }
0x78: {  	_ =	shalt  }
0x79: {  	_ =	shalt  }
0x7a: {  	_ =	shalt  }
0x7b: {  	_ =	shalt  }
0x7c: {  	_ =	shalt  }
0x7d: {  	_ =	shalt  }
0x7e: {  	_ =	shalt  }
0x7f: {  	_ =	shalt  }
0x80: {  	_ =	shalt  }
0x81: {  	_ =	shalt  }
0x82: {  	_ =	shalt  }
0x83: {  	_ =	shalt  }
0x84: {  	_ =	shalt  }
0x85: {  	_ =	shalt  }
0x86: {  	_ =	shalt  }
0x87: {  	_ =	shalt  }
.Lfunc_end0:
.L_simem_size_0:
called_computation_lowered:
.L_overlay_start_0:
0x88: {  	s2 =	sld [smem:$0x3FD9]  }
0x89: {  	s3 =	sld [smem:$0x3FFE];
	_ =	sdelay $0x1  }
0x8a: {  	s1 =	srdreg.scid  }
0x8b: {  	s0 =	sand.u32 $0x1, s1  }
0x8c: {  	s16 =	sshll.u32 s0, $0xA;
	s2 =	sadd.s32 s3, s2  }
0x8d: {  	s2 =	sadd.s32 s2, s16  }
0x8e: {  	[smem:$0x3FC4] =	sst s2  }
0x8f: {  	_ = 	snop  }
0x90: {  	(tm) =	ssettm $0x1  }
0x91: {  	s17 =	sld [smem:$0x3FFB];
	_ =	sdelay $0x3  }
0x92: {  	_ =	strace s17  }
0x93: {  	s2 =	sld [smem:$0x3FFC];
	_ =	sdelay $0x3  }
0x94: {  	_ =	strace s2  }
0x95: {  	s2 =	sld [smem:$0x3FFD];
	_ =	sdelay $0x3  }
0x96: {  	_ =	strace s2  }
0x97: {  	_ =	strace $0x8FFFFFFF  }
0x98: {  	s18 =	sld [smem:$0x3FDB];
	_ =	sdelay $0x1  }
0x99: {  	s19 =	simm.s32 $_scs_section_size  }
0x9a: {  	s4 =	simm.s32 $_size__tile_overlayer_lowered;
	s5 =	simm.s32 $_tile_overlayer_lowered  }
0x9b: {  	s22 =	simm.s32 $0x1BFF;
	s21 =	sshll.u32 s5, $0x1;
	s2 =	sadd.s32 s19, s18  }
0x9c: {  	s6 =	simm.s32 $0x0;
	s20 =	sshll.u32 s4, $0x1;
	s4 =	sadd.s32 s21, s2  }
0x9d: {  	[timem:s6], [sflag:s22] =	dma.local [hbm:s4], s20  }
0x9e: {  	_ =	swait.ge [sflag:s22], s20  }
0x9f: {  	s3 =	ssub.s32 $0x0, s20;
	[sflag:s22] =	ssyncset.done $0x0  }
0xa0: {  	[sflag:s22] =	ssyncadd.s32 s3;
	_ =	sdelay $0x1  }
0xa1: {  	s23 =	simm.s32 $0x1B8B  }
0xa2: {  	_ =	swait.ge [sflag:s23], $0x1  }
0xa3: {  	[sflag:s23] =	ssyncset.done $0x0  }
0xa4: {  	s25 =	simm.s32 $0x1B8E;
	s24 =	sld [smem:$0x3FFE];
	[sflag:s23] =	ssyncadd.s32 $0xFFFFFFFF  }
0xa5: {  	s26 =	simm.s32 $execute0_lowered;
	[smem:$0x3FD2] =	sst s25  }
0xa6: {  	s4 =	sshll.u32 s26, $0x1;
	_ =	strace $0x80000046;
	[dreg:$0x1] =	wrdreg $0xFFFFFFFF  }
0xa7: {  	s28 =	simm.s32 $_size_execute0_lowered;
	s2 =	sadd.s32 s2, s4;
	[dreg:$0x0] =	wrdreg $0x0  }
0xa8: {  	s4 =	sshll.u32 s28, $0x1;
	[dreg:$0x2] =	wrdreg s2  }
0xa9: {  	[dreg:$0x3] =	wrdreg s4  }
0xaa: {  	[dreg:$0x4] =	wrdreg $0xC0  }
0xab: {  	_ =	task [dreg:s6], $0x5FFFF  }
0xac: {  	[dreg:$0x1] =	wrdreg $0xFFFFFFFF  }
0xad: {  	[dreg:$0x0] =	wrdreg $0x60  }
0xae: {  	[dreg:$0x2] =	wrdreg s24  }
0xaf: {  	[dreg:$0x3] =	wrdreg $0x9  }
0xb0: {  	_ =	task.clear_ibuf [dreg:s6], $0x4FFFF;
	_ =	strace $0x90000046  }
0xb1: {  	s29 =	simm.s32 $0x9;
	_ =	strace $0x80000048  }
0xb2: {  	_ =	swait.ge [sflag:s29], $0x1  }
0xb3: {  	[sflag:s29] =	ssyncadd.s32 $0xFFFFFFFF  }
0xb4: {  	_ =	strace $0x90000048  }
0xb5: {  	_ =	sfence  }
0xb6: {  	s30 =	sld [smem:$0x0];
	_ =	sdelay $0x2  }
0xb7: {  	s31 =	sshll.u32 s1, $0xD;
	s1 =	sshrl.u32 s1, $0x2  }
0xb8: {  	s3 =	sand.u32 $0x4000, s31;
	s1 =	sadd.s32 s1, s30  }
0xb9: {  	s0 =	sor.u32 s3, s0;
	s1 =	sshll.u32 s1, $0x11  }
0xba: {  	s0 =	sor.u32 s1, s0  }
0xbb: {  	s0 =	sadd.s32 $0x8F2B, s0  }
0xbc: {  	[sflag:s0] =	ssyncadd.remote.s32 $0x1  }
0xbd: {  	_ =	sfence.sel $0xFFFF  }
0xbe: {  	[dreg:$0x0] =	wrdreg $0xFFFFFFFF;
	(pc) =	sbr.abs _section_cstart, $3  }
0xbf: {  	[dreg:$0x1] =	wrdreg $0xFFFFFFFF  }
0xc0: {  	_ =	task.clear_ibuf [dreg:s6], $0x2FFFF;
	_ =	strace $0x9FFFFFFF  }
0xc1: {  	(tm) =	ssettm $0x7FFFFFFF  }
tec
execute0_lowered:
.L_overlay_start_1:
0x0: {  	(tag) =	ssettag $0x1  }
0x1: {  	s3 =	rddreg [dreg:$0x0]  }
0x2: {  	s2 =	simm.s32 $0x0;
	s4 =	srdreg.scid;
	s1 =	stileid.u32  }
0x3: {  	[smem:$0x7FF] =	sst s2;
	s4 =	sand.u32 $0x1, s4;
	s5 =	sshll.u32 s1, $0x1  }
0x4: {  	s0 =	rddreg [dreg:$0x1];
	_ =	strace $0x80000047;
	s5 =	sor.u32 s4, s5  }
0x5: {  	s4 =	ssub.s32 $0x2, s4;
	s6 =	sshll.u32 s5, $0x9;
	s5 =	sshll.u32 s5, $0x4  }
0x6: {  	s31 =	sshrl.u32 s4, $0x1;
	s6 =	sadd.s32 s6, s3;
	s5 =	sadd.s32 s5, s3  }
0x7: {  	s7 =	ssub.s32 s4, s31;
	s3 =	sadd.s32 $0xC00, s6;
	s4 =	sadd.s32 $0x4C00, s5  }
0x8: {  	v0 =	vimm.s32 $0x0;
	vm0 =	vmmov $0xff;
	vm1 =	vmmov $0x1;
	s5 =	smax.u32 s7, $0x1;
	s6 =	simm.s32 $0x1;
	s7 =	simm.s32 $0x1000  }
.LBB2_1:
0x9: {  	[tilespmem:s2], [sflag:$0x1] =	stream.linear.gather [hbm4b:s3+s2], $0x1000, $0x38;
	[tilespmem:$0x1080] =	vst v63  }
0xa: {  	_ =	swait.ge [sflag:s6], $0x1000  }
0xb: {  	[sflag:s6] =	ssyncset.done $0x0  }
0xc: {  	[sflag:s6] =	ssyncadd.s32 $0xFFFFF000  }
0xd: {  	v1 =	vld [tilespmem:$0x0]  }
0xe: {  	v2 =	vld [tilespmem:$0x800];
	_ =	sdelay $0x4  }
0xf: {  	(xrf1) =	vsort.dscd.msk.f32 $0xffff, v1, v2;
	_ =	sdelay $0xb  }
0x10: {  	v1 =	vld [tilespmem:$0x80]  }
0x11: {  	v2 =	vld [tilespmem:$0x880]  }
0x12: {  	v3, v4, _ =	vpop (xrf1)  }
0x13: {  	vm2 =	vge.f32 v3, $3.000000010e+38  }
0x14: {  	v3 =	vsel vm2, $0x7F61B1E6, v3;
	v4 =	vsel vm2, $0x0, v4  }
0x15: {  	(xrf1) =	vsort.ascd.msk.f32 $0xffff, v3, v4  }
0x16: {  	(xrf1) =	vsort.dscd.msk.f32 $0xffff, v1, v2;
	_ =	sdelay $0xb  }
0x17: {  	v31 =	vld [tilespmem:$0x900]  }
0x18: {  	v1 =	vld [tilespmem:$0x100];
	v2, v3, _ =	vpop (xrf1)  }
0x19: {  	v5, v6, _ =	vpop (xrf1)  }
0x1a: {  	vm2 =	vge.f32 v5, $3.000000010e+38  }
0x1b: {  	v5 =	vsel vm2, $0x7F61B1E6, v5;
	v6 =	vsel vm2, $0x0, v6  }
0x1c: {  	(xrf1) =	vsort.ascd.msk.f32 $0xffff, v5, v6  }
0x1d: {  	(xrf1) =	vsort.dscd.msk.f32 $0xffff, v1, v31;
	_ =	sdelay $0xb  }
0x1e: {  	v33 =	vld [tilespmem:$0x980]  }
0x1f: {  	v1 =	vld [tilespmem:$0x180];
	v32, v5, _ =	vpop (xrf1)  }
0x20: {  	v7, v8, _ =	vpop (xrf1)  }
0x21: {  	vm2 =	vge.f32 v7, $3.000000010e+38  }
0x22: {  	v7 =	vsel vm2, $0x7F61B1E6, v7;
	v8 =	vsel vm2, $0x0, v8  }
0x23: {  	(xrf1) =	vsort.ascd.msk.f32 $0xffff, v7, v8  }
0x24: {  	(xrf1) =	vsort.dscd.msk.f32 $0xffff, v1, v33;
	_ =	sdelay $0xb  }
0x25: {  	v35 =	vld [tilespmem:$0xA00]  }
0x26: {  	v1 =	vld [tilespmem:$0x200];
	v34, v7, _ =	vpop (xrf1)  }
0x27: {  	v9, v10, _ =	vpop (xrf1)  }
0x28: {  	vm2 =	vge.f32 v9, $3.000000010e+38  }
0x29: {  	v9 =	vsel vm2, $0x7F61B1E6, v9;
	v10 =	vsel vm2, $0x0, v10  }
0x2a: {  	(xrf1) =	vsort.ascd.msk.f32 $0xffff, v9, v10  }
0x2b: {  	(xrf1) =	vsort.dscd.msk.f32 $0xffff, v1, v35;
	_ =	sdelay $0xb  }
0x2c: {  	v37 =	vld [tilespmem:$0xA80]  }
0x2d: {  	v1 =	vld [tilespmem:$0x280];
	v36, v9, _ =	vpop (xrf1)  }
0x2e: {  	v11, v12, _ =	vpop (xrf1)  }
0x2f: {  	vm2 =	vge.f32 v11, $3.000000010e+38  }
0x30: {  	v11 =	vsel vm2, $0x7F61B1E6, v11;
	v12 =	vsel vm2, $0x0, v12  }
0x31: {  	(xrf1) =	vsort.ascd.msk.f32 $0xffff, v11, v12  }
0x32: {  	(xrf1) =	vsort.dscd.msk.f32 $0xffff, v1, v37;
	_ =	sdelay $0xb  }
0x33: {  	v39 =	vld [tilespmem:$0xB00]  }
0x34: {  	v1 =	vld [tilespmem:$0x300];
	v38, v11, _ =	vpop (xrf1)  }
0x35: {  	v13, v14, _ =	vpop (xrf1)  }
0x36: {  	vm2 =	vge.f32 v13, $3.000000010e+38  }
0x37: {  	v13 =	vsel vm2, $0x7F61B1E6, v13;
	v14 =	vsel vm2, $0x0, v14  }
0x38: {  	(xrf1) =	vsort.ascd.msk.f32 $0xffff, v13, v14  }
0x39: {  	(xrf1) =	vsort.dscd.msk.f32 $0xffff, v1, v39;
	_ =	sdelay $0xb  }
0x3a: {  	v41 =	vld [tilespmem:$0xB80]  }
0x3b: {  	v1 =	vld [tilespmem:$0x380];
	v40, v13, _ =	vpop (xrf1)  }
0x3c: {  	v15, v16, _ =	vpop (xrf1)  }
0x3d: {  	vm2 =	vge.f32 v15, $3.000000010e+38  }
0x3e: {  	v15 =	vsel vm2, $0x7F61B1E6, v15;
	v16 =	vsel vm2, $0x0, v16  }
0x3f: {  	(xrf1) =	vsort.ascd.msk.f32 $0xffff, v15, v16  }
0x40: {  	(xrf1) =	vsort.dscd.msk.f32 $0xffff, v1, v41;
	_ =	sdelay $0xb  }
0x41: {  	v43 =	vld [tilespmem:$0x810]  }
0x42: {  	v1 =	vld [tilespmem:$0x10];
	v42, v15, _ =	vpop (xrf1)  }
0x43: {  	v17, v18, _ =	vpop (xrf1)  }
0x44: {  	vm2 =	vge.f32 v17, $3.000000010e+38  }
0x45: {  	v17 =	vsel vm2, $0x7F61B1E6, v17;
	v18 =	vsel vm2, $0x0, v18  }
0x46: {  	(xrf1) =	vsort.ascd.msk.f32 $0xffff, v17, v18  }
0x47: {  	(xrf1) =	vsort.dscd.msk.f32 $0xffff, v1, v43;
	_ =	sdelay $0xb  }
0x48: {  	v45 =	vld [tilespmem:$0x890]  }
0x49: {  	v1 =	vld [tilespmem:$0x90];
	v44, v17, _ =	vpop (xrf1)  }
0x4a: {  	v19, v20, _ =	vpop (xrf1)  }
0x4b: {  	vm2 =	vle.f32 v2, v19  }
0x4c: {  	v2 =	vsel vm2, v2, v19;
	v3 =	vsel vm2, v3, v20  }
0x4d: {  	(xrf1) =	vsort.ascd.msk.f32 $0xffff, v2, v3  }
0x4e: {  	(xrf1) =	vsort.dscd.msk.f32 $0xffff, v1, v45;
	_ =	sdelay $0xb  }
0x4f: {  	v46 =	vld [tilespmem:$0x910]  }
0x50: {  	v1 =	vld [tilespmem:$0x110];
	v2, v3, _ =	vpop (xrf1)  }
0x51: {  	v47, v48, _ =	vpop (xrf1)  }
0x52: {  	vm2 =	vle.f32 v32, v47  }
0x53: {  	v4 =	vsel vm2, v32, v47;
	v5 =	vsel vm2, v5, v48  }
0x54: {  	(xrf1) =	vsort.ascd.msk.f32 $0xffff, v4, v5  }
0x55: {  	(xrf1) =	vsort.dscd.msk.f32 $0xffff, v1, v46;
	_ =	sdelay $0xb  }
0x56: {  	v49 =	vld [tilespmem:$0x990]  }
0x57: {  	v1 =	vld [tilespmem:$0x190];
	v4, v5, _ =	vpop (xrf1)  }
0x58: {  	v50, v51, _ =	vpop (xrf1)  }
0x59: {  	vm2 =	vle.f32 v34, v50  }
0x5a: {  	v6 =	vsel vm2, v34, v50;
	v7 =	vsel vm2, v7, v51  }
0x5b: {  	(xrf1) =	vsort.ascd.msk.f32 $0xffff, v6, v7  }
0x5c: {  	(xrf1) =	vsort.dscd.msk.f32 $0xffff, v1, v49;
	_ =	sdelay $0xb  }
0x5d: {  	v52 =	vld [tilespmem:$0xA10]  }
0x5e: {  	v1 =	vld [tilespmem:$0x210];
	v6, v7, _ =	vpop (xrf1)  }
0x5f: {  	v53, v54, _ =	vpop (xrf1)  }
0x60: {  	vm2 =	vle.f32 v36, v53  }
0x61: {  	v8 =	vsel vm2, v36, v53;
	v9 =	vsel vm2, v9, v54  }
0x62: {  	(xrf1) =	vsort.ascd.msk.f32 $0xffff, v8, v9  }
0x63: {  	(xrf1) =	vsort.dscd.msk.f32 $0xffff, v1, v52;
	_ =	sdelay $0xb  }
0x64: {  	v55 =	vld [tilespmem:$0xA90]  }
0x65: {  	v1 =	vld [tilespmem:$0x290];
	v8, v9, _ =	vpop (xrf1)  }
0x66: {  	v56, v57, _ =	vpop (xrf1)  }
0x67: {  	vm2 =	vle.f32 v38, v56  }
0x68: {  	v10 =	vsel vm2, v38, v56;
	v11 =	vsel vm2, v11, v57  }
0x69: {  	(xrf1) =	vsort.ascd.msk.f32 $0xffff, v10, v11  }
0x6a: {  	(xrf1) =	vsort.dscd.msk.f32 $0xffff, v1, v55;
	_ =	sdelay $0xb  }
0x6b: {  	v58 =	vld [tilespmem:$0xB10]  }
0x6c: {  	v1 =	vld [tilespmem:$0x310];
	v10, v11, _ =	vpop (xrf1)  }
0x6d: {  	v59, v60, _ =	vpop (xrf1)  }
0x6e: {  	vm2 =	vle.f32 v40, v59  }
0x6f: {  	v12 =	vsel vm2, v40, v59;
	v13 =	vsel vm2, v13, v60  }
0x70: {  	(xrf1) =	vsort.ascd.msk.f32 $0xffff, v12, v13  }
0x71: {  	(xrf1) =	vsort.dscd.msk.f32 $0xffff, v1, v58;
	_ =	sdelay $0xb  }
0x72: {  	v61 =	vld [tilespmem:$0xB90]  }
0x73: {  	v1 =	vld [tilespmem:$0x390];
	v12, v13, _ =	vpop (xrf1)  }
0x74: {  	v62, v63, _ =	vpop (xrf1)  }
0x75: {  	vm2 =	vle.f32 v42, v62  }
0x76: {  	v14 =	vsel vm2, v42, v62;
	v15 =	vsel vm2, v15, v63  }
0x77: {  	(xrf1) =	vsort.ascd.msk.f32 $0xffff, v14, v15  }
0x78: {  	(xrf1) =	vsort.dscd.msk.f32 $0xffff, v1, v61;
	_ =	sdelay $0xb  }
0x79: {  	v24 =	vld [tilespmem:$0x820]  }
0x7a: {  	v1 =	vld [tilespmem:$0x20];
	v14, v15, _ =	vpop (xrf1)  }
0x7b: {  	v25, v26, _ =	vpop (xrf1)  }
0x7c: {  	vm2 =	vle.f32 v44, v25  }
0x7d: {  	v16 =	vsel vm2, v44, v25;
	v17 =	vsel vm2, v17, v26  }
0x7e: {  	(xrf1) =	vsort.ascd.msk.f32 $0xffff, v16, v17  }
0x7f: {  	(xrf1) =	vsort.dscd.msk.f32 $0xffff, v1, v24;
	_ =	sdelay $0xb  }
0x80: {  	v27 =	vld [tilespmem:$0x8A0]  }
0x81: {  	v1 =	vld [tilespmem:$0xA0];
	v16, v17, _ =	vpop (xrf1)  }
0x82: {  	v28, v29, _ =	vpop (xrf1)  }
0x83: {  	vm2 =	vle.f32 v2, v28  }
0x84: {  	v2 =	vsel vm2, v2, v28;
	v3 =	vsel vm2, v3, v29  }
0x85: {  	(xrf1) =	vsort.ascd.msk.f32 $0xffff, v2, v3  }
0x86: {  	(xrf1) =	vsort.dscd.msk.f32 $0xffff, v1, v27;
	_ =	sdelay $0xb  }
0x87: {  	v30 =	vld [tilespmem:$0x920]  }
0x88: {  	v1 =	vld [tilespmem:$0x120];
	v2, v3, _ =	vpop (xrf1)  }
0x89: {  	v31, v32, _ =	vpop (xrf1)  }
0x8a: {  	vm2 =	vle.f32 v4, v31  }
0x8b: {  	v4 =	vsel vm2, v4, v31;
	v5 =	vsel vm2, v5, v32  }
0x8c: {  	(xrf1) =	vsort.ascd.msk.f32 $0xffff, v4, v5  }
0x8d: {  	(xrf1) =	vsort.dscd.msk.f32 $0xffff, v1, v30;
	_ =	sdelay $0xb  }
0x8e: {  	v33 =	vld [tilespmem:$0x9A0]  }
0x8f: {  	v1 =	vld [tilespmem:$0x1A0];
	v4, v5, _ =	vpop (xrf1)  }
0x90: {  	v34, v35, _ =	vpop (xrf1)  }
0x91: {  	vm2 =	vle.f32 v6, v34  }
0x92: {  	v6 =	vsel vm2, v6, v34;
	v7 =	vsel vm2, v7, v35  }
0x93: {  	(xrf1) =	vsort.ascd.msk.f32 $0xffff, v6, v7  }
0x94: {  	(xrf1) =	vsort.dscd.msk.f32 $0xffff, v1, v33;
	_ =	sdelay $0xb  }
0x95: {  	v36 =	vld [tilespmem:$0xA20]  }
0x96: {  	v1 =	vld [tilespmem:$0x220];
	v6, v7, _ =	vpop (xrf1)  }
0x97: {  	v37, v38, _ =	vpop (xrf1)  }
0x98: {  	vm2 =	vle.f32 v8, v37  }
0x99: {  	v8 =	vsel vm2, v8, v37;
	v9 =	vsel vm2, v9, v38  }
0x9a: {  	(xrf1) =	vsort.ascd.msk.f32 $0xffff, v8, v9  }
0x9b: {  	(xrf1) =	vsort.dscd.msk.f32 $0xffff, v1, v36;
	_ =	sdelay $0xb  }
0x9c: {  	v39 =	vld [tilespmem:$0xAA0]  }
0x9d: {  	v1 =	vld [tilespmem:$0x2A0];
	v8, v9, _ =	vpop (xrf1)  }
0x9e: {  	v40, v41, _ =	vpop (xrf1)  }
0x9f: {  	vm2 =	vle.f32 v10, v40  }
0xa0: {  	v10 =	vsel vm2, v10, v40;
	v11 =	vsel vm2, v11, v41  }
0xa1: {  	(xrf1) =	vsort.ascd.msk.f32 $0xffff, v10, v11  }
0xa2: {  	(xrf1) =	vsort.dscd.msk.f32 $0xffff, v1, v39;
	_ =	sdelay $0xb  }
0xa3: {  	v42 =	vld [tilespmem:$0xB20]  }
0xa4: {  	v1 =	vld [tilespmem:$0x320];
	v10, v11, _ =	vpop (xrf1)  }
0xa5: {  	v43, v44, _ =	vpop (xrf1)  }
0xa6: {  	vm2 =	vle.f32 v12, v43  }
0xa7: {  	v12 =	vsel vm2, v12, v43;
	v13 =	vsel vm2, v13, v44  }
0xa8: {  	(xrf1) =	vsort.ascd.msk.f32 $0xffff, v12, v13  }
0xa9: {  	(xrf1) =	vsort.dscd.msk.f32 $0xffff, v1, v42;
	_ =	sdelay $0xb  }
0xaa: {  	v45 =	vld [tilespmem:$0xBA0]  }
0xab: {  	v1 =	vld [tilespmem:$0x3A0];
	v12, v13, _ =	vpop (xrf1)  }
0xac: {  	v46, v47, _ =	vpop (xrf1)  }
0xad: {  	vm2 =	vle.f32 v14, v46  }
0xae: {  	v14 =	vsel vm2, v14, v46;
	v15 =	vsel vm2, v15, v47  }
0xaf: {  	(xrf1) =	vsort.ascd.msk.f32 $0xffff, v14, v15  }
0xb0: {  	(xrf1) =	vsort.dscd.msk.f32 $0xffff, v1, v45;
	_ =	sdelay $0xb  }
0xb1: {  	v48 =	vld [tilespmem:$0x830]  }
0xb2: {  	v1 =	vld [tilespmem:$0x30];
	v14, v15, _ =	vpop (xrf1)  }
0xb3: {  	v49, v50, _ =	vpop (xrf1)  }
0xb4: {  	vm2 =	vle.f32 v16, v49  }
0xb5: {  	v16 =	vsel vm2, v16, v49;
	v17 =	vsel vm2, v17, v50  }
0xb6: {  	(xrf1) =	vsort.ascd.msk.f32 $0xffff, v16, v17  }
0xb7: {  	(xrf1) =	vsort.dscd.msk.f32 $0xffff, v1, v48;
	_ =	sdelay $0xb  }
0xb8: {  	v51 =	vld [tilespmem:$0x8B0]  }
0xb9: {  	v1 =	vld [tilespmem:$0xB0];
	v16, v17, _ =	vpop (xrf1)  }
0xba: {  	v52, v53, _ =	vpop (xrf1)  }
0xbb: {  	vm2 =	vle.f32 v2, v52  }
0xbc: {  	v2 =	vsel vm2, v2, v52;
	v3 =	vsel vm2, v3, v53  }
0xbd: {  	(xrf1) =	vsort.ascd.msk.f32 $0xffff, v2, v3  }
0xbe: {  	(xrf1) =	vsort.dscd.msk.f32 $0xffff, v1, v51;
	_ =	sdelay $0xb  }
0xbf: {  	v54 =	vld [tilespmem:$0x930]  }
0xc0: {  	v1 =	vld [tilespmem:$0x130];
	v2, v3, _ =	vpop (xrf1)  }
0xc1: {  	v55, v56, _ =	vpop (xrf1)  }
0xc2: {  	vm2 =	vle.f32 v4, v55  }
0xc3: {  	v4 =	vsel vm2, v4, v55;
	v5 =	vsel vm2, v5, v56  }
0xc4: {  	(xrf1) =	vsort.ascd.msk.f32 $0xffff, v4, v5  }
0xc5: {  	(xrf1) =	vsort.dscd.msk.f32 $0xffff, v1, v54;
	_ =	sdelay $0xb  }
0xc6: {  	v57 =	vld [tilespmem:$0x9B0]  }
0xc7: {  	v1 =	vld [tilespmem:$0x1B0];
	v4, v5, _ =	vpop (xrf1)  }
0xc8: {  	v58, v59, _ =	vpop (xrf1)  }
0xc9: {  	vm2 =	vle.f32 v6, v58  }
0xca: {  	v6 =	vsel vm2, v6, v58;
	v7 =	vsel vm2, v7, v59  }
0xcb: {  	(xrf1) =	vsort.ascd.msk.f32 $0xffff, v6, v7  }
0xcc: {  	(xrf1) =	vsort.dscd.msk.f32 $0xffff, v1, v57;
	_ =	sdelay $0xb  }
0xcd: {  	v60 =	vld [tilespmem:$0xA30]  }
0xce: {  	v1 =	vld [tilespmem:$0x230];
	v6, v7, _ =	vpop (xrf1)  }
0xcf: {  	v61, v62, _ =	vpop (xrf1)  }
0xd0: {  	vm2 =	vle.f32 v8, v61  }
0xd1: {  	v8 =	vsel vm2, v8, v61;
	v9 =	vsel vm2, v9, v62  }
0xd2: {  	(xrf1) =	vsort.ascd.msk.f32 $0xffff, v8, v9  }
0xd3: {  	(xrf1) =	vsort.dscd.msk.f32 $0xffff, v1, v60;
	_ =	sdelay $0xb  }
0xd4: {  	v63 =	vld [tilespmem:$0xAB0]  }
0xd5: {  	v1 =	vld [tilespmem:$0x2B0];
	v8, v9, _ =	vpop (xrf1)  }
0xd6: {  	v24, v25, _ =	vpop (xrf1)  }
0xd7: {  	vm2 =	vle.f32 v10, v24  }
0xd8: {  	v10 =	vsel vm2, v10, v24;
	v11 =	vsel vm2, v11, v25  }
0xd9: {  	(xrf1) =	vsort.ascd.msk.f32 $0xffff, v10, v11  }
0xda: {  	(xrf1) =	vsort.dscd.msk.f32 $0xffff, v1, v63;
	_ =	sdelay $0xb  }
0xdb: {  	v26 =	vld [tilespmem:$0xB30]  }
0xdc: {  	v1 =	vld [tilespmem:$0x330];
	v10, v11, _ =	vpop (xrf1)  }
0xdd: {  	v27, v28, _ =	vpop (xrf1)  }
0xde: {  	vm2 =	vle.f32 v12, v27  }
0xdf: {  	v12 =	vsel vm2, v12, v27;
	v13 =	vsel vm2, v13, v28  }
0xe0: {  	(xrf1) =	vsort.ascd.msk.f32 $0xffff, v12, v13  }
0xe1: {  	(xrf1) =	vsort.dscd.msk.f32 $0xffff, v1, v26;
	_ =	sdelay $0xb  }
0xe2: {  	v29 =	vld [tilespmem:$0xBB0]  }
0xe3: {  	v1 =	vld [tilespmem:$0x3B0];
	v12, v13, _ =	vpop (xrf1)  }
0xe4: {  	v30, v31, _ =	vpop (xrf1)  }
0xe5: {  	vm2 =	vle.f32 v14, v30  }
0xe6: {  	v14 =	vsel vm2, v14, v30;
	v15 =	vsel vm2, v15, v31  }
0xe7: {  	(xrf1) =	vsort.ascd.msk.f32 $0xffff, v14, v15  }
0xe8: {  	(xrf1) =	vsort.dscd.msk.f32 $0xffff, v1, v29;
	_ =	sdelay $0xb  }
0xe9: {  	v32 =	vld [tilespmem:$0x840]  }
0xea: {  	v1 =	vld [tilespmem:$0x40];
	v14, v15, _ =	vpop (xrf1)  }
0xeb: {  	v33, v34, _ =	vpop (xrf1)  }
0xec: {  	vm2 =	vle.f32 v16, v33  }
0xed: {  	v16 =	vsel vm2, v16, v33;
	v17 =	vsel vm2, v17, v34  }
0xee: {  	(xrf1) =	vsort.ascd.msk.f32 $0xffff, v16, v17  }
0xef: {  	(xrf1) =	vsort.dscd.msk.f32 $0xffff, v1, v32;
	_ =	sdelay $0xb  }
0xf0: {  	v35 =	vld [tilespmem:$0x8C0]  }
0xf1: {  	v1 =	vld [tilespmem:$0xC0];
	v16, v17, _ =	vpop (xrf1)  }
0xf2: {  	v36, v37, _ =	vpop (xrf1)  }
0xf3: {  	vm2 =	vle.f32 v2, v36  }
0xf4: {  	v2 =	vsel vm2, v2, v36;
	v3 =	vsel vm2, v3, v37  }
0xf5: {  	(xrf1) =	vsort.ascd.msk.f32 $0xffff, v2, v3  }
0xf6: {  	(xrf1) =	vsort.dscd.msk.f32 $0xffff, v1, v35;
	_ =	sdelay $0xb  }
0xf7: {  	v38 =	vld [tilespmem:$0x940]  }
0xf8: {  	v1 =	vld [tilespmem:$0x140];
	v2, v3, _ =	vpop (xrf1)  }
0xf9: {  	v39, v40, _ =	vpop (xrf1)  }
0xfa: {  	vm2 =	vle.f32 v4, v39  }
0xfb: {  	v4 =	vsel vm2, v4, v39;
	v5 =	vsel vm2, v5, v40  }
0xfc: {  	(xrf1) =	vsort.ascd.msk.f32 $0xffff, v4, v5  }
0xfd: {  	(xrf1) =	vsort.dscd.msk.f32 $0xffff, v1, v38;
	_ =	sdelay $0xb  }
0xfe: {  	v41 =	vld [tilespmem:$0x9C0]  }
0xff: {  	v1 =	vld [tilespmem:$0x1C0];
	v4, v5, _ =	vpop (xrf1)  }
0x100: {  	v42, v43, _ =	vpop (xrf1)  }
0x101: {  	vm2 =	vle.f32 v6, v42  }
0x102: {  	v6 =	vsel vm2, v6, v42;
	v7 =	vsel vm2, v7, v43  }
0x103: {  	(xrf1) =	vsort.ascd.msk.f32 $0xffff, v6, v7  }
0x104: {  	(xrf1) =	vsort.dscd.msk.f32 $0xffff, v1, v41;
	_ =	sdelay $0xb  }
0x105: {  	v44 =	vld [tilespmem:$0xA40]  }
0x106: {  	v1 =	vld [tilespmem:$0x240];
	v6, v7, _ =	vpop (xrf1)  }
0x107: {  	v45, v46, _ =	vpop (xrf1)  }
0x108: {  	vm2 =	vle.f32 v8, v45  }
0x109: {  	v8 =	vsel vm2, v8, v45;
	v9 =	vsel vm2, v9, v46  }
0x10a: {  	(xrf1) =	vsort.ascd.msk.f32 $0xffff, v8, v9  }
0x10b: {  	(xrf1) =	vsort.dscd.msk.f32 $0xffff, v1, v44;
	_ =	sdelay $0xb  }
0x10c: {  	v47 =	vld [tilespmem:$0xAC0]  }
0x10d: {  	v1 =	vld [tilespmem:$0x2C0];
	v8, v9, _ =	vpop (xrf1)  }
0x10e: {  	v48, v49, _ =	vpop (xrf1)  }
0x10f: {  	vm2 =	vle.f32 v10, v48  }
0x110: {  	v10 =	vsel vm2, v10, v48;
	v11 =	vsel vm2, v11, v49  }
0x111: {  	(xrf1) =	vsort.ascd.msk.f32 $0xffff, v10, v11  }
0x112: {  	(xrf1) =	vsort.dscd.msk.f32 $0xffff, v1, v47;
	_ =	sdelay $0xb  }
0x113: {  	v50 =	vld [tilespmem:$0xB40]  }
0x114: {  	v1 =	vld [tilespmem:$0x340];
	v10, v11, _ =	vpop (xrf1)  }
0x115: {  	v51, v52, _ =	vpop (xrf1)  }
0x116: {  	vm2 =	vle.f32 v12, v51  }
0x117: {  	v12 =	vsel vm2, v12, v51;
	v13 =	vsel vm2, v13, v52  }
0x118: {  	(xrf1) =	vsort.ascd.msk.f32 $0xffff, v12, v13  }
0x119: {  	(xrf1) =	vsort.dscd.msk.f32 $0xffff, v1, v50;
	_ =	sdelay $0xb  }
0x11a: {  	v53 =	vld [tilespmem:$0xBC0]  }
0x11b: {  	v1 =	vld [tilespmem:$0x3C0];
	v12, v13, _ =	vpop (xrf1)  }
0x11c: {  	v54, v55, _ =	vpop (xrf1)  }
0x11d: {  	vm2 =	vle.f32 v14, v54  }
0x11e: {  	v14 =	vsel vm2, v14, v54;
	v15 =	vsel vm2, v15, v55  }
0x11f: {  	(xrf1) =	vsort.ascd.msk.f32 $0xffff, v14, v15  }
0x120: {  	(xrf1) =	vsort.dscd.msk.f32 $0xffff, v1, v53;
	_ =	sdelay $0xb  }
0x121: {  	v56 =	vld [tilespmem:$0x850]  }
0x122: {  	v1 =	vld [tilespmem:$0x50];
	v14, v15, _ =	vpop (xrf1)  }
0x123: {  	v57, v58, _ =	vpop (xrf1)  }
0x124: {  	vm2 =	vle.f32 v16, v57  }
0x125: {  	v16 =	vsel vm2, v16, v57;
	v17 =	vsel vm2, v17, v58  }
0x126: {  	(xrf1) =	vsort.ascd.msk.f32 $0xffff, v16, v17  }
0x127: {  	(xrf1) =	vsort.dscd.msk.f32 $0xffff, v1, v56;
	_ =	sdelay $0xb  }
0x128: {  	v59 =	vld [tilespmem:$0x8D0]  }
0x129: {  	v1 =	vld [tilespmem:$0xD0];
	v16, v17, _ =	vpop (xrf1)  }
0x12a: {  	v60, v61, _ =	vpop (xrf1)  }
0x12b: {  	vm2 =	vle.f32 v2, v60  }
0x12c: {  	v2 =	vsel vm2, v2, v60;
	v3 =	vsel vm2, v3, v61  }
0x12d: {  	(xrf1) =	vsort.ascd.msk.f32 $0xffff, v2, v3  }
0x12e: {  	(xrf1) =	vsort.dscd.msk.f32 $0xffff, v1, v59;
	_ =	sdelay $0xb  }
0x12f: {  	v62 =	vld [tilespmem:$0x950]  }
0x130: {  	v1 =	vld [tilespmem:$0x150];
	v2, v3, _ =	vpop (xrf1)  }
0x131: {  	v63, v24, _ =	vpop (xrf1)  }
0x132: {  	vm2 =	vle.f32 v4, v63  }
0x133: {  	v4 =	vsel vm2, v4, v63;
	v5 =	vsel vm2, v5, v24  }
0x134: {  	(xrf1) =	vsort.ascd.msk.f32 $0xffff, v4, v5  }
0x135: {  	(xrf1) =	vsort.dscd.msk.f32 $0xffff, v1, v62;
	_ =	sdelay $0xb  }
0x136: {  	v25 =	vld [tilespmem:$0x9D0]  }
0x137: {  	v1 =	vld [tilespmem:$0x1D0];
	v4, v5, _ =	vpop (xrf1)  }
0x138: {  	v26, v27, _ =	vpop (xrf1)  }
0x139: {  	vm2 =	vle.f32 v6, v26  }
0x13a: {  	v6 =	vsel vm2, v6, v26;
	v7 =	vsel vm2, v7, v27  }
0x13b: {  	(xrf1) =	vsort.ascd.msk.f32 $0xffff, v6, v7  }
0x13c: {  	(xrf1) =	vsort.dscd.msk.f32 $0xffff, v1, v25;
	_ =	sdelay $0xb  }
0x13d: {  	v28 =	vld [tilespmem:$0xA50]  }
0x13e: {  	v1 =	vld [tilespmem:$0x250];
	v6, v7, _ =	vpop (xrf1)  }
0x13f: {  	v29, v30, _ =	vpop (xrf1)  }
0x140: {  	vm2 =	vle.f32 v8, v29  }
0x141: {  	v8 =	vsel vm2, v8, v29;
	v9 =	vsel vm2, v9, v30  }
0x142: {  	(xrf1) =	vsort.ascd.msk.f32 $0xffff, v8, v9  }
0x143: {  	(xrf1) =	vsort.dscd.msk.f32 $0xffff, v1, v28;
	_ =	sdelay $0xb  }
0x144: {  	v31 =	vld [tilespmem:$0xAD0]  }
0x145: {  	v1 =	vld [tilespmem:$0x2D0];
	v8, v9, _ =	vpop (xrf1)  }
0x146: {  	v32, v33, _ =	vpop (xrf1)  }
0x147: {  	vm2 =	vle.f32 v10, v32  }
0x148: {  	v10 =	vsel vm2, v10, v32;
	v11 =	vsel vm2, v11, v33  }
0x149: {  	(xrf1) =	vsort.ascd.msk.f32 $0xffff, v10, v11  }
0x14a: {  	(xrf1) =	vsort.dscd.msk.f32 $0xffff, v1, v31;
	_ =	sdelay $0xb  }
0x14b: {  	v34 =	vld [tilespmem:$0xB50]  }
0x14c: {  	v1 =	vld [tilespmem:$0x350];
	v10, v11, _ =	vpop (xrf1)  }
0x14d: {  	v35, v36, _ =	vpop (xrf1)  }
0x14e: {  	vm2 =	vle.f32 v12, v35  }
0x14f: {  	v12 =	vsel vm2, v12, v35;
	v13 =	vsel vm2, v13, v36  }
0x150: {  	(xrf1) =	vsort.ascd.msk.f32 $0xffff, v12, v13  }
0x151: {  	(xrf1) =	vsort.dscd.msk.f32 $0xffff, v1, v34;
	_ =	sdelay $0xb  }
0x152: {  	v37 =	vld [tilespmem:$0xBD0]  }
0x153: {  	v1 =	vld [tilespmem:$0x3D0];
	v12, v13, _ =	vpop (xrf1)  }
0x154: {  	v38, v39, _ =	vpop (xrf1)  }
0x155: {  	vm2 =	vle.f32 v14, v38  }
0x156: {  	v14 =	vsel vm2, v14, v38;
	v15 =	vsel vm2, v15, v39  }
0x157: {  	(xrf1) =	vsort.ascd.msk.f32 $0xffff, v14, v15  }
0x158: {  	(xrf1) =	vsort.dscd.msk.f32 $0xffff, v1, v37;
	_ =	sdelay $0xb  }
0x159: {  	v40 =	vld [tilespmem:$0x860]  }
0x15a: {  	v1 =	vld [tilespmem:$0x60];
	v14, v15, _ =	vpop (xrf1)  }
0x15b: {  	v41, v42, _ =	vpop (xrf1)  }
0x15c: {  	vm2 =	vle.f32 v16, v41  }
0x15d: {  	v16 =	vsel vm2, v16, v41;
	v17 =	vsel vm2, v17, v42  }
0x15e: {  	(xrf1) =	vsort.ascd.msk.f32 $0xffff, v16, v17  }
0x15f: {  	(xrf1) =	vsort.dscd.msk.f32 $0xffff, v1, v40;
	_ =	sdelay $0xb  }
0x160: {  	v43 =	vld [tilespmem:$0x8E0]  }
0x161: {  	v1 =	vld [tilespmem:$0xE0];
	v16, v17, _ =	vpop (xrf1)  }
0x162: {  	v44, v45, _ =	vpop (xrf1)  }
0x163: {  	vm2 =	vle.f32 v2, v44  }
0x164: {  	v2 =	vsel vm2, v2, v44;
	v3 =	vsel vm2, v3, v45  }
0x165: {  	(xrf1) =	vsort.ascd.msk.f32 $0xffff, v2, v3  }
0x166: {  	(xrf1) =	vsort.dscd.msk.f32 $0xffff, v1, v43;
	_ =	sdelay $0xb  }
0x167: {  	v46 =	vld [tilespmem:$0x960]  }
0x168: {  	v1 =	vld [tilespmem:$0x160];
	v2, v3, _ =	vpop (xrf1)  }
0x169: {  	v47, v48, _ =	vpop (xrf1)  }
0x16a: {  	vm2 =	vle.f32 v4, v47  }
0x16b: {  	v4 =	vsel vm2, v4, v47;
	v5 =	vsel vm2, v5, v48  }
0x16c: {  	(xrf1) =	vsort.ascd.msk.f32 $0xffff, v4, v5  }
0x16d: {  	(xrf1) =	vsort.dscd.msk.f32 $0xffff, v1, v46;
	_ =	sdelay $0xb  }
0x16e: {  	v49 =	vld [tilespmem:$0x9E0]  }
0x16f: {  	v1 =	vld [tilespmem:$0x1E0];
	v4, v5, _ =	vpop (xrf1)  }
0x170: {  	v50, v51, _ =	vpop (xrf1)  }
0x171: {  	vm2 =	vle.f32 v6, v50  }
0x172: {  	v6 =	vsel vm2, v6, v50;
	v7 =	vsel vm2, v7, v51  }
0x173: {  	(xrf1) =	vsort.ascd.msk.f32 $0xffff, v6, v7  }
0x174: {  	(xrf1) =	vsort.dscd.msk.f32 $0xffff, v1, v49;
	_ =	sdelay $0xb  }
0x175: {  	v52 =	vld [tilespmem:$0xA60]  }
0x176: {  	v1 =	vld [tilespmem:$0x260];
	v6, v7, _ =	vpop (xrf1)  }
0x177: {  	v53, v54, _ =	vpop (xrf1)  }
0x178: {  	vm2 =	vle.f32 v8, v53  }
0x179: {  	v8 =	vsel vm2, v8, v53;
	v9 =	vsel vm2, v9, v54  }
0x17a: {  	(xrf1) =	vsort.ascd.msk.f32 $0xffff, v8, v9  }
0x17b: {  	(xrf1) =	vsort.dscd.msk.f32 $0xffff, v1, v52;
	_ =	sdelay $0xb  }
0x17c: {  	v55 =	vld [tilespmem:$0xAE0]  }
0x17d: {  	v1 =	vld [tilespmem:$0x2E0];
	v8, v9, _ =	vpop (xrf1)  }
0x17e: {  	v56, v57, _ =	vpop (xrf1)  }
0x17f: {  	vm2 =	vle.f32 v10, v56  }
0x180: {  	v10 =	vsel vm2, v10, v56;
	v11 =	vsel vm2, v11, v57  }
0x181: {  	(xrf1) =	vsort.ascd.msk.f32 $0xffff, v10, v11  }
0x182: {  	(xrf1) =	vsort.dscd.msk.f32 $0xffff, v1, v55;
	_ =	sdelay $0xb  }
0x183: {  	v58 =	vld [tilespmem:$0xB60]  }
0x184: {  	v1 =	vld [tilespmem:$0x360];
	v10, v11, _ =	vpop (xrf1)  }
0x185: {  	v59, v60, _ =	vpop (xrf1)  }
0x186: {  	vm2 =	vle.f32 v12, v59  }
0x187: {  	v12 =	vsel vm2, v12, v59;
	v13 =	vsel vm2, v13, v60  }
0x188: {  	(xrf1) =	vsort.ascd.msk.f32 $0xffff, v12, v13  }
0x189: {  	(xrf1) =	vsort.dscd.msk.f32 $0xffff, v1, v58;
	_ =	sdelay $0xb  }
0x18a: {  	v61 =	vld [tilespmem:$0xBE0]  }
0x18b: {  	v1 =	vld [tilespmem:$0x3E0];
	v12, v13, _ =	vpop (xrf1)  }
0x18c: {  	v62, v63, _ =	vpop (xrf1)  }
0x18d: {  	vm2 =	vle.f32 v14, v62  }
0x18e: {  	v14 =	vsel vm2, v14, v62;
	v15 =	vsel vm2, v15, v63  }
0x18f: {  	(xrf1) =	vsort.ascd.msk.f32 $0xffff, v14, v15  }
0x190: {  	(xrf1) =	vsort.dscd.msk.f32 $0xffff, v1, v61;
	_ =	sdelay $0xc  }
0x191: {  	v1, v14, _ =	vpop (xrf1)  }
0x192: {  	v22, v18, _ =	vpop (xrf1)  }
0x193: {  	vm2 =	vle.f32 v16, v22  }
0x194: {  	v15 =	vsel vm2, v16, v22;
	v23 =	vsel vm2, v17, v18  }
0x195: {  	(xrf1) =	vsort.ascd.msk.f32 $0xffff, v15, v23;
	_ =	sdelay $0xd  }
0x196: {  	v15, v16, _ =	vpop (xrf1)  }
0x197: {  	v24 =	vld [tilespmem:$0x70]  }
0x198: {  	v25 =	vld [tilespmem:$0x870];
	_ =	sdelay $0x4  }
0x199: {  	(xrf1) =	vsort.dscd.msk.f32 $0xffff, v24, v25;
	_ =	sdelay $0xb  }
0x19a: {  	v26 =	vld [tilespmem:$0xF0]  }
0x19b: {  	v27 =	vld [tilespmem:$0x8F0]  }
0x19c: {  	v28, v29, _ =	vpop (xrf1)  }
0x19d: {  	vm2 =	vle.f32 v2, v28  }
0x19e: {  	v2 =	vsel vm2, v2, v28;
	v3 =	vsel vm2, v3, v29  }
0x19f: {  	(xrf1) =	vsort.ascd.msk.f32 $0xffff, v2, v3  }
0x1a0: {  	(xrf1) =	vsort.dscd.msk.f32 $0xffff, v26, v27;
	_ =	sdelay $0xb  }
0x1a1: {  	v31 =	vld [tilespmem:$0x970]  }
0x1a2: {  	v2 =	vld [tilespmem:$0x170];
	v3, v30, _ =	vpop (xrf1)  }
0x1a3: {  	v32, v33, _ =	vpop (xrf1)  }
0x1a4: {  	vm2 =	vle.f32 v4, v32  }
0x1a5: {  	v4 =	vsel vm2, v4, v32;
	v5 =	vsel vm2, v5, v33  }
0x1a6: {  	(xrf1) =	vsort.ascd.msk.f32 $0xffff, v4, v5  }
0x1a7: {  	(xrf1) =	vsort.dscd.msk.f32 $0xffff, v2, v31;
	_ =	sdelay $0xb  }
0x1a8: {  	v34 =	vld [tilespmem:$0x9F0]  }
0x1a9: {  	v2 =	vld [tilespmem:$0x1F0];
	v4, v5, _ =	vpop (xrf1)  }
0x1aa: {  	v35, v36, _ =	vpop (xrf1)  }
0x1ab: {  	vm2 =	vle.f32 v6, v35  }
0x1ac: {  	v6 =	vsel vm2, v6, v35;
	v7 =	vsel vm2, v7, v36  }
0x1ad: {  	(xrf1) =	vsort.ascd.msk.f32 $0xffff, v6, v7  }
0x1ae: {  	(xrf1) =	vsort.dscd.msk.f32 $0xffff, v2, v34;
	_ =	sdelay $0xb  }
0x1af: {  	v37 =	vld [tilespmem:$0xA70]  }
0x1b0: {  	v2 =	vld [tilespmem:$0x270];
	v6, v7, _ =	vpop (xrf1)  }
0x1b1: {  	v38, v39, _ =	vpop (xrf1)  }
0x1b2: {  	vm2 =	vle.f32 v8, v38  }
0x1b3: {  	v8 =	vsel vm2, v8, v38;
	v9 =	vsel vm2, v9, v39  }
0x1b4: {  	(xrf1) =	vsort.ascd.msk.f32 $0xffff, v8, v9  }
0x1b5: {  	(xrf1) =	vsort.dscd.msk.f32 $0xffff, v2, v37;
	_ =	sdelay $0xb  }
0x1b6: {  	v40 =	vld [tilespmem:$0xAF0]  }
0x1b7: {  	v2 =	vld [tilespmem:$0x2F0];
	v8, v9, _ =	vpop (xrf1)  }
0x1b8: {  	v41, v42, _ =	vpop (xrf1)  }
0x1b9: {  	vm2 =	vle.f32 v10, v41  }
0x1ba: {  	v10 =	vsel vm2, v10, v41;
	v11 =	vsel vm2, v11, v42  }
0x1bb: {  	(xrf1) =	vsort.ascd.msk.f32 $0xffff, v10, v11  }
0x1bc: {  	(xrf1) =	vsort.dscd.msk.f32 $0xffff, v2, v40;
	_ =	sdelay $0xb  }
0x1bd: {  	v43 =	vld [tilespmem:$0xB70]  }
0x1be: {  	v2 =	vld [tilespmem:$0x370];
	v10, v11, _ =	vpop (xrf1)  }
0x1bf: {  	v44, v45, _ =	vpop (xrf1)  }
0x1c0: {  	vm2 =	vle.f32 v12, v44  }
0x1c1: {  	v12 =	vsel vm2, v12, v44;
	v13 =	vsel vm2, v13, v45  }
0x1c2: {  	(xrf1) =	vsort.ascd.msk.f32 $0xffff, v12, v13  }
0x1c3: {  	(xrf1) =	vsort.dscd.msk.f32 $0xffff, v2, v43;
	_ =	sdelay $0xb  }
0x1c4: {  	v46 =	vld [tilespmem:$0xBF0]  }
0x1c5: {  	v2 =	vld [tilespmem:$0x3F0];
	v12, v13, _ =	vpop (xrf1)  }
0x1c6: {  	v47, v48, _ =	vpop (xrf1)  }
0x1c7: {  	vm2 =	vle.f32 v1, v47  }
0x1c8: {  	v1 =	vsel vm2, v1, v47;
	v14 =	vsel vm2, v14, v48  }
0x1c9: {  	(xrf1) =	vsort.ascd.msk.f32 $0xffff, v1, v14  }
0x1ca: {  	(xrf1) =	vsort.dscd.msk.f32 $0xffff, v2, v46;
	_ =	sdelay $0xb  }
0x1cb: {  	v49 =	vld [tilespmem:$0xC00]  }
0x1cc: {  	v1 =	vld [tilespmem:$0x400];
	v2, v14, _ =	vpop (xrf1)  }
0x1cd: {  	v50, v51, _ =	vpop (xrf1)  }
0x1ce: {  	vm2 =	vle.f32 v15, v50  }
0x1cf: {  	v15 =	vsel vm2, v15, v50;
	v16 =	vsel vm2, v16, v51  }
0x1d0: {  	(xrf1) =	vsort.ascd.msk.f32 $0xffff, v15, v16  }
0x1d1: {  	(xrf1) =	vsort.dscd.msk.f32 $0xffff, v1, v49;
	_ =	sdelay $0xb  }
0x1d2: {  	v52 =	vld [tilespmem:$0xC80]  }
0x1d3: {  	v1 =	vld [tilespmem:$0x480];
	v15, v16, _ =	vpop (xrf1)  }
0x1d4: {  	v53, v54, _ =	vpop (xrf1)  }
0x1d5: {  	vm2 =	vle.f32 v3, v53  }
0x1d6: {  	v3 =	vsel vm2, v3, v53;
	v17 =	vsel vm2, v30, v54  }
0x1d7: {  	(xrf1) =	vsort.ascd.msk.f32 $0xffff, v3, v17  }
0x1d8: {  	(xrf1) =	vsort.dscd.msk.f32 $0xffff, v1, v52;
	_ =	sdelay $0xb  }
0x1d9: {  	v55 =	vld [tilespmem:$0xD00]  }
0x1da: {  	v1 =	vld [tilespmem:$0x500];
	v3, v17, _ =	vpop (xrf1)  }
0x1db: {  	v56, v57, _ =	vpop (xrf1)  }
0x1dc: {  	vm2 =	vle.f32 v4, v56  }
0x1dd: {  	v4 =	vsel vm2, v4, v56;
	v5 =	vsel vm2, v5, v57  }
0x1de: {  	(xrf1) =	vsort.ascd.msk.f32 $0xffff, v4, v5  }
0x1df: {  	(xrf1) =	vsort.dscd.msk.f32 $0xffff, v1, v55;
	_ =	sdelay $0xb  }
0x1e0: {  	v58 =	vld [tilespmem:$0xD80]  }
0x1e1: {  	v1 =	vld [tilespmem:$0x580];
	v4, v5, _ =	vpop (xrf1)  }
0x1e2: {  	v59, v60, _ =	vpop (xrf1)  }
0x1e3: {  	vm2 =	vle.f32 v6, v59  }
0x1e4: {  	v6 =	vsel vm2, v6, v59;
	v7 =	vsel vm2, v7, v60  }
0x1e5: {  	(xrf1) =	vsort.ascd.msk.f32 $0xffff, v6, v7  }
0x1e6: {  	(xrf1) =	vsort.dscd.msk.f32 $0xffff, v1, v58;
	_ =	sdelay $0xb  }
0x1e7: {  	v61 =	vld [tilespmem:$0xE00]  }
0x1e8: {  	v1 =	vld [tilespmem:$0x600];
	v6, v7, _ =	vpop (xrf1)  }
0x1e9: {  	v62, v63, _ =	vpop (xrf1)  }
0x1ea: {  	vm2 =	vle.f32 v8, v62  }
0x1eb: {  	v8 =	vsel vm2, v8, v62;
	v9 =	vsel vm2, v9, v63  }
0x1ec: {  	(xrf1) =	vsort.ascd.msk.f32 $0xffff, v8, v9  }
0x1ed: {  	(xrf1) =	vsort.dscd.msk.f32 $0xffff, v1, v61;
	_ =	sdelay $0xb  }
0x1ee: {  	v24 =	vld [tilespmem:$0xE80]  }
0x1ef: {  	v1 =	vld [tilespmem:$0x680];
	v8, v9, _ =	vpop (xrf1)  }
0x1f0: {  	v25, v26, _ =	vpop (xrf1)  }
0x1f1: {  	vm2 =	vle.f32 v10, v25  }
0x1f2: {  	v10 =	vsel vm2, v10, v25;
	v11 =	vsel vm2, v11, v26  }
0x1f3: {  	(xrf1) =	vsort.ascd.msk.f32 $0xffff, v10, v11  }
0x1f4: {  	(xrf1) =	vsort.dscd.msk.f32 $0xffff, v1, v24;
	_ =	sdelay $0xb  }
0x1f5: {  	v27 =	vld [tilespmem:$0xF00]  }
0x1f6: {  	v1 =	vld [tilespmem:$0x700];
	v10, v11, _ =	vpop (xrf1)  }
0x1f7: {  	v28, v29, _ =	vpop (xrf1)  }
0x1f8: {  	vm2 =	vle.f32 v12, v28  }
0x1f9: {  	v12 =	vsel vm2, v12, v28;
	v13 =	vsel vm2, v13, v29  }
0x1fa: {  	(xrf1) =	vsort.ascd.msk.f32 $0xffff, v12, v13  }
0x1fb: {  	(xrf1) =	vsort.dscd.msk.f32 $0xffff, v1, v27;
	_ =	sdelay $0xb  }
0x1fc: {  	v30 =	vld [tilespmem:$0xF80]  }
0x1fd: {  	v1 =	vld [tilespmem:$0x780];
	v12, v13, _ =	vpop (xrf1)  }
0x1fe: {  	v31, v32, _ =	vpop (xrf1)  }
0x1ff: {  	vm2 =	vle.f32 v2, v31  }
0x200: {  	v2 =	vsel vm2, v2, v31;
	v14 =	vsel vm2, v14, v32  }
0x201: {  	(xrf1) =	vsort.ascd.msk.f32 $0xffff, v2, v14  }
0x202: {  	(xrf1) =	vsort.dscd.msk.f32 $0xffff, v1, v30;
	_ =	sdelay $0xb  }
0x203: {  	v33 =	vld [tilespmem:$0xC10]  }
0x204: {  	v1 =	vld [tilespmem:$0x410];
	v2, v14, _ =	vpop (xrf1)  }
0x205: {  	v34, v35, _ =	vpop (xrf1)  }
0x206: {  	vm2 =	vle.f32 v15, v34  }
0x207: {  	v15 =	vsel vm2, v15, v34;
	v16 =	vsel vm2, v16, v35  }
0x208: {  	(xrf1) =	vsort.ascd.msk.f32 $0xffff, v15, v16  }
0x209: {  	(xrf1) =	vsort.dscd.msk.f32 $0xffff, v1, v33;
	_ =	sdelay $0xb  }
0x20a: {  	v36 =	vld [tilespmem:$0xC90]  }
0x20b: {  	v1 =	vld [tilespmem:$0x490];
	v15, v16, _ =	vpop (xrf1)  }
0x20c: {  	v37, v38, _ =	vpop (xrf1)  }
0x20d: {  	vm2 =	vle.f32 v3, v37  }
0x20e: {  	v3 =	vsel vm2, v3, v37;
	v17 =	vsel vm2, v17, v38  }
0x20f: {  	(xrf1) =	vsort.ascd.msk.f32 $0xffff, v3, v17  }
0x210: {  	(xrf1) =	vsort.dscd.msk.f32 $0xffff, v1, v36;
	_ =	sdelay $0xb  }
0x211: {  	v39 =	vld [tilespmem:$0xD10]  }
0x212: {  	v1 =	vld [tilespmem:$0x510];
	v3, v17, _ =	vpop (xrf1)  }
0x213: {  	v40, v41, _ =	vpop (xrf1)  }
0x214: {  	vm2 =	vle.f32 v4, v40  }
0x215: {  	v4 =	vsel vm2, v4, v40;
	v5 =	vsel vm2, v5, v41  }
0x216: {  	(xrf1) =	vsort.ascd.msk.f32 $0xffff, v4, v5  }
0x217: {  	(xrf1) =	vsort.dscd.msk.f32 $0xffff, v1, v39;
	_ =	sdelay $0xb  }
0x218: {  	v42 =	vld [tilespmem:$0xD90]  }
0x219: {  	v1 =	vld [tilespmem:$0x590];
	v4, v5, _ =	vpop (xrf1)  }
0x21a: {  	v43, v44, _ =	vpop (xrf1)  }
0x21b: {  	vm2 =	vle.f32 v6, v43  }
0x21c: {  	v6 =	vsel vm2, v6, v43;
	v7 =	vsel vm2, v7, v44  }
0x21d: {  	(xrf1) =	vsort.ascd.msk.f32 $0xffff, v6, v7  }
0x21e: {  	(xrf1) =	vsort.dscd.msk.f32 $0xffff, v1, v42;
	_ =	sdelay $0xb  }
0x21f: {  	v45 =	vld [tilespmem:$0xE10]  }
0x220: {  	v1 =	vld [tilespmem:$0x610];
	v6, v7, _ =	vpop (xrf1)  }
0x221: {  	v46, v47, _ =	vpop (xrf1)  }
0x222: {  	vm2 =	vle.f32 v8, v46  }
0x223: {  	v8 =	vsel vm2, v8, v46;
	v9 =	vsel vm2, v9, v47  }
0x224: {  	(xrf1) =	vsort.ascd.msk.f32 $0xffff, v8, v9  }
0x225: {  	(xrf1) =	vsort.dscd.msk.f32 $0xffff, v1, v45;
	_ =	sdelay $0xb  }
0x226: {  	v48 =	vld [tilespmem:$0xE90]  }
0x227: {  	v1 =	vld [tilespmem:$0x690];
	v8, v9, _ =	vpop (xrf1)  }
0x228: {  	v49, v50, _ =	vpop (xrf1)  }
0x229: {  	vm2 =	vle.f32 v10, v49  }
0x22a: {  	v10 =	vsel vm2, v10, v49;
	v11 =	vsel vm2, v11, v50  }
0x22b: {  	(xrf1) =	vsort.ascd.msk.f32 $0xffff, v10, v11  }
0x22c: {  	(xrf1) =	vsort.dscd.msk.f32 $0xffff, v1, v48;
	_ =	sdelay $0xb  }
0x22d: {  	v51 =	vld [tilespmem:$0xF10]  }
0x22e: {  	v1 =	vld [tilespmem:$0x710];
	v10, v11, _ =	vpop (xrf1)  }
0x22f: {  	v52, v53, _ =	vpop (xrf1)  }
0x230: {  	vm2 =	vle.f32 v12, v52  }
0x231: {  	v12 =	vsel vm2, v12, v52;
	v13 =	vsel vm2, v13, v53  }
0x232: {  	(xrf1) =	vsort.ascd.msk.f32 $0xffff, v12, v13  }
0x233: {  	(xrf1) =	vsort.dscd.msk.f32 $0xffff, v1, v51;
	_ =	sdelay $0xb  }
0x234: {  	v54 =	vld [tilespmem:$0xF90]  }
0x235: {  	v1 =	vld [tilespmem:$0x790];
	v12, v13, _ =	vpop (xrf1)  }
0x236: {  	v55, v56, _ =	vpop (xrf1)  }
0x237: {  	vm2 =	vle.f32 v2, v55  }
0x238: {  	v2 =	vsel vm2, v2, v55;
	v14 =	vsel vm2, v14, v56  }
0x239: {  	(xrf1) =	vsort.ascd.msk.f32 $0xffff, v2, v14  }
0x23a: {  	(xrf1) =	vsort.dscd.msk.f32 $0xffff, v1, v54;
	_ =	sdelay $0xb  }
0x23b: {  	v57 =	vld [tilespmem:$0xC20]  }
0x23c: {  	v1 =	vld [tilespmem:$0x420];
	v2, v14, _ =	vpop (xrf1)  }
0x23d: {  	v58, v59, _ =	vpop (xrf1)  }
0x23e: {  	vm2 =	vle.f32 v15, v58  }
0x23f: {  	v15 =	vsel vm2, v15, v58;
	v16 =	vsel vm2, v16, v59  }
0x240: {  	(xrf1) =	vsort.ascd.msk.f32 $0xffff, v15, v16  }
0x241: {  	(xrf1) =	vsort.dscd.msk.f32 $0xffff, v1, v57;
	_ =	sdelay $0xb  }
0x242: {  	v60 =	vld [tilespmem:$0xCA0]  }
0x243: {  	v1 =	vld [tilespmem:$0x4A0];
	v15, v16, _ =	vpop (xrf1)  }
0x244: {  	v61, v62, _ =	vpop (xrf1)  }
0x245: {  	vm2 =	vle.f32 v3, v61  }
0x246: {  	v3 =	vsel vm2, v3, v61;
	v17 =	vsel vm2, v17, v62  }
0x247: {  	(xrf1) =	vsort.ascd.msk.f32 $0xffff, v3, v17  }
0x248: {  	(xrf1) =	vsort.dscd.msk.f32 $0xffff, v1, v60;
	_ =	sdelay $0xb  }
0x249: {  	v63 =	vld [tilespmem:$0xD20]  }
0x24a: {  	v1 =	vld [tilespmem:$0x520];
	v3, v17, _ =	vpop (xrf1)  }
0x24b: {  	v24, v25, _ =	vpop (xrf1)  }
0x24c: {  	vm2 =	vle.f32 v4, v24  }
0x24d: {  	v4 =	vsel vm2, v4, v24;
	v5 =	vsel vm2, v5, v25  }
0x24e: {  	(xrf1) =	vsort.ascd.msk.f32 $0xffff, v4, v5  }
0x24f: {  	(xrf1) =	vsort.dscd.msk.f32 $0xffff, v1, v63;
	_ =	sdelay $0xb  }
0x250: {  	v26 =	vld [tilespmem:$0xDA0]  }
0x251: {  	v1 =	vld [tilespmem:$0x5A0];
	v4, v5, _ =	vpop (xrf1)  }
0x252: {  	v27, v28, _ =	vpop (xrf1)  }
0x253: {  	vm2 =	vle.f32 v6, v27  }
0x254: {  	v6 =	vsel vm2, v6, v27;
	v7 =	vsel vm2, v7, v28  }
0x255: {  	(xrf1) =	vsort.ascd.msk.f32 $0xffff, v6, v7  }
0x256: {  	(xrf1) =	vsort.dscd.msk.f32 $0xffff, v1, v26;
	_ =	sdelay $0xb  }
0x257: {  	v29 =	vld [tilespmem:$0xE20]  }
0x258: {  	v1 =	vld [tilespmem:$0x620];
	v6, v7, _ =	vpop (xrf1)  }
0x259: {  	v30, v31, _ =	vpop (xrf1)  }
0x25a: {  	vm2 =	vle.f32 v8, v30  }
0x25b: {  	v8 =	vsel vm2, v8, v30;
	v9 =	vsel vm2, v9, v31  }
0x25c: {  	(xrf1) =	vsort.ascd.msk.f32 $0xffff, v8, v9  }
0x25d: {  	(xrf1) =	vsort.dscd.msk.f32 $0xffff, v1, v29;
	_ =	sdelay $0xb  }
0x25e: {  	v32 =	vld [tilespmem:$0xEA0]  }
0x25f: {  	v1 =	vld [tilespmem:$0x6A0];
	v8, v9, _ =	vpop (xrf1)  }
0x260: {  	v33, v34, _ =	vpop (xrf1)  }
0x261: {  	vm2 =	vle.f32 v10, v33  }
0x262: {  	v10 =	vsel vm2, v10, v33;
	v11 =	vsel vm2, v11, v34  }
0x263: {  	(xrf1) =	vsort.ascd.msk.f32 $0xffff, v10, v11  }
0x264: {  	(xrf1) =	vsort.dscd.msk.f32 $0xffff, v1, v32;
	_ =	sdelay $0xb  }
0x265: {  	v35 =	vld [tilespmem:$0xF20]  }
0x266: {  	v1 =	vld [tilespmem:$0x720];
	v10, v11, _ =	vpop (xrf1)  }
0x267: {  	v36, v37, _ =	vpop (xrf1)  }
0x268: {  	vm2 =	vle.f32 v12, v36  }
0x269: {  	v12 =	vsel vm2, v12, v36;
	v13 =	vsel vm2, v13, v37  }
0x26a: {  	(xrf1) =	vsort.ascd.msk.f32 $0xffff, v12, v13  }
0x26b: {  	(xrf1) =	vsort.dscd.msk.f32 $0xffff, v1, v35;
	_ =	sdelay $0xb  }
0x26c: {  	v38 =	vld [tilespmem:$0xFA0]  }
0x26d: {  	v1 =	vld [tilespmem:$0x7A0];
	v12, v13, _ =	vpop (xrf1)  }
0x26e: {  	v39, v40, _ =	vpop (xrf1)  }
0x26f: {  	vm2 =	vle.f32 v2, v39  }
0x270: {  	v2 =	vsel vm2, v2, v39;
	v14 =	vsel vm2, v14, v40  }
0x271: {  	(xrf1) =	vsort.ascd.msk.f32 $0xffff, v2, v14  }
0x272: {  	(xrf1) =	vsort.dscd.msk.f32 $0xffff, v1, v38;
	_ =	sdelay $0xb  }
0x273: {  	v41 =	vld [tilespmem:$0xC30]  }
0x274: {  	v1 =	vld [tilespmem:$0x430];
	v2, v14, _ =	vpop (xrf1)  }
0x275: {  	v42, v43, _ =	vpop (xrf1)  }
0x276: {  	vm2 =	vle.f32 v15, v42  }
0x277: {  	v15 =	vsel vm2, v15, v42;
	v16 =	vsel vm2, v16, v43  }
0x278: {  	(xrf1) =	vsort.ascd.msk.f32 $0xffff, v15, v16  }
0x279: {  	(xrf1) =	vsort.dscd.msk.f32 $0xffff, v1, v41;
	_ =	sdelay $0xb  }
0x27a: {  	v44 =	vld [tilespmem:$0xCB0]  }
0x27b: {  	v1 =	vld [tilespmem:$0x4B0];
	v15, v16, _ =	vpop (xrf1)  }
0x27c: {  	v45, v46, _ =	vpop (xrf1)  }
0x27d: {  	vm2 =	vle.f32 v3, v45  }
0x27e: {  	v3 =	vsel vm2, v3, v45;
	v17 =	vsel vm2, v17, v46  }
0x27f: {  	(xrf1) =	vsort.ascd.msk.f32 $0xffff, v3, v17  }
0x280: {  	(xrf1) =	vsort.dscd.msk.f32 $0xffff, v1, v44;
	_ =	sdelay $0xb  }
0x281: {  	v47 =	vld [tilespmem:$0xD30]  }
0x282: {  	v1 =	vld [tilespmem:$0x530];
	v3, v17, _ =	vpop (xrf1)  }
0x283: {  	v48, v49, _ =	vpop (xrf1)  }
0x284: {  	vm2 =	vle.f32 v4, v48  }
0x285: {  	v4 =	vsel vm2, v4, v48;
	v5 =	vsel vm2, v5, v49  }
0x286: {  	(xrf1) =	vsort.ascd.msk.f32 $0xffff, v4, v5  }
0x287: {  	(xrf1) =	vsort.dscd.msk.f32 $0xffff, v1, v47;
	_ =	sdelay $0xb  }
0x288: {  	v50 =	vld [tilespmem:$0xDB0]  }
0x289: {  	v1 =	vld [tilespmem:$0x5B0];
	v4, v5, _ =	vpop (xrf1)  }
0x28a: {  	v51, v52, _ =	vpop (xrf1)  }
0x28b: {  	vm2 =	vle.f32 v6, v51  }
0x28c: {  	v6 =	vsel vm2, v6, v51;
	v7 =	vsel vm2, v7, v52  }
0x28d: {  	(xrf1) =	vsort.ascd.msk.f32 $0xffff, v6, v7  }
0x28e: {  	(xrf1) =	vsort.dscd.msk.f32 $0xffff, v1, v50;
	_ =	sdelay $0xb  }
0x28f: {  	v53 =	vld [tilespmem:$0xE30]  }
0x290: {  	v1 =	vld [tilespmem:$0x630];
	v6, v7, _ =	vpop (xrf1)  }
0x291: {  	v54, v55, _ =	vpop (xrf1)  }
0x292: {  	vm2 =	vle.f32 v8, v54  }
0x293: {  	v8 =	vsel vm2, v8, v54;
	v9 =	vsel vm2, v9, v55  }
0x294: {  	(xrf1) =	vsort.ascd.msk.f32 $0xffff, v8, v9  }
0x295: {  	(xrf1) =	vsort.dscd.msk.f32 $0xffff, v1, v53;
	_ =	sdelay $0xb  }
0x296: {  	v56 =	vld [tilespmem:$0xEB0]  }
0x297: {  	v1 =	vld [tilespmem:$0x6B0];
	v8, v9, _ =	vpop (xrf1)  }
0x298: {  	v57, v58, _ =	vpop (xrf1)  }
0x299: {  	vm2 =	vle.f32 v10, v57  }
0x29a: {  	v10 =	vsel vm2, v10, v57;
	v11 =	vsel vm2, v11, v58  }
0x29b: {  	(xrf1) =	vsort.ascd.msk.f32 $0xffff, v10, v11  }
0x29c: {  	(xrf1) =	vsort.dscd.msk.f32 $0xffff, v1, v56;
	_ =	sdelay $0xb  }
0x29d: {  	v59 =	vld [tilespmem:$0xF30]  }
0x29e: {  	v1 =	vld [tilespmem:$0x730];
	v10, v11, _ =	vpop (xrf1)  }
0x29f: {  	v60, v61, _ =	vpop (xrf1)  }
0x2a0: {  	vm2 =	vle.f32 v12, v60  }
0x2a1: {  	v12 =	vsel vm2, v12, v60;
	v13 =	vsel vm2, v13, v61  }
0x2a2: {  	(xrf1) =	vsort.ascd.msk.f32 $0xffff, v12, v13  }
0x2a3: {  	(xrf1) =	vsort.dscd.msk.f32 $0xffff, v1, v59;
	_ =	sdelay $0xb  }
0x2a4: {  	v62 =	vld [tilespmem:$0xFB0]  }
0x2a5: {  	v1 =	vld [tilespmem:$0x7B0];
	v12, v13, _ =	vpop (xrf1)  }
0x2a6: {  	v63, v24, _ =	vpop (xrf1)  }
0x2a7: {  	vm2 =	vle.f32 v2, v63  }
0x2a8: {  	v2 =	vsel vm2, v2, v63;
	v14 =	vsel vm2, v14, v24  }
0x2a9: {  	(xrf1) =	vsort.ascd.msk.f32 $0xffff, v2, v14  }
0x2aa: {  	(xrf1) =	vsort.dscd.msk.f32 $0xffff, v1, v62;
	_ =	sdelay $0xb  }
0x2ab: {  	v25 =	vld [tilespmem:$0xC40]  }
0x2ac: {  	v1 =	vld [tilespmem:$0x440];
	v2, v14, _ =	vpop (xrf1)  }
0x2ad: {  	v26, v27, _ =	vpop (xrf1)  }
0x2ae: {  	vm2 =	vle.f32 v15, v26  }
0x2af: {  	v15 =	vsel vm2, v15, v26;
	v16 =	vsel vm2, v16, v27  }
0x2b0: {  	(xrf1) =	vsort.ascd.msk.f32 $0xffff, v15, v16  }
0x2b1: {  	(xrf1) =	vsort.dscd.msk.f32 $0xffff, v1, v25;
	_ =	sdelay $0xb  }
0x2b2: {  	v28 =	vld [tilespmem:$0xCC0]  }
0x2b3: {  	v1 =	vld [tilespmem:$0x4C0];
	v15, v16, _ =	vpop (xrf1)  }
0x2b4: {  	v29, v30, _ =	vpop (xrf1)  }
0x2b5: {  	vm2 =	vle.f32 v3, v29  }
0x2b6: {  	v3 =	vsel vm2, v3, v29;
	v17 =	vsel vm2, v17, v30  }
0x2b7: {  	(xrf1) =	vsort.ascd.msk.f32 $0xffff, v3, v17  }
0x2b8: {  	(xrf1) =	vsort.dscd.msk.f32 $0xffff, v1, v28;
	_ =	sdelay $0xb  }
0x2b9: {  	v31 =	vld [tilespmem:$0xD40]  }
0x2ba: {  	v1 =	vld [tilespmem:$0x540];
	v3, v17, _ =	vpop (xrf1)  }
0x2bb: {  	v32, v33, _ =	vpop (xrf1)  }
0x2bc: {  	vm2 =	vle.f32 v4, v32  }
0x2bd: {  	v4 =	vsel vm2, v4, v32;
	v5 =	vsel vm2, v5, v33  }
0x2be: {  	(xrf1) =	vsort.ascd.msk.f32 $0xffff, v4, v5  }
0x2bf: {  	(xrf1) =	vsort.dscd.msk.f32 $0xffff, v1, v31;
	_ =	sdelay $0xb  }
0x2c0: {  	v34 =	vld [tilespmem:$0xDC0]  }
0x2c1: {  	v1 =	vld [tilespmem:$0x5C0];
	v4, v5, _ =	vpop (xrf1)  }
0x2c2: {  	v35, v36, _ =	vpop (xrf1)  }
0x2c3: {  	vm2 =	vle.f32 v6, v35  }
0x2c4: {  	v6 =	vsel vm2, v6, v35;
	v7 =	vsel vm2, v7, v36  }
0x2c5: {  	(xrf1) =	vsort.ascd.msk.f32 $0xffff, v6, v7  }
0x2c6: {  	(xrf1) =	vsort.dscd.msk.f32 $0xffff, v1, v34;
	_ =	sdelay $0xb  }
0x2c7: {  	v37 =	vld [tilespmem:$0xE40]  }
0x2c8: {  	v1 =	vld [tilespmem:$0x640];
	v6, v7, _ =	vpop (xrf1)  }
0x2c9: {  	v38, v39, _ =	vpop (xrf1)  }
0x2ca: {  	vm2 =	vle.f32 v8, v38  }
0x2cb: {  	v8 =	vsel vm2, v8, v38;
	v9 =	vsel vm2, v9, v39  }
0x2cc: {  	(xrf1) =	vsort.ascd.msk.f32 $0xffff, v8, v9  }
0x2cd: {  	(xrf1) =	vsort.dscd.msk.f32 $0xffff, v1, v37;
	_ =	sdelay $0xb  }
0x2ce: {  	v40 =	vld [tilespmem:$0xEC0]  }
0x2cf: {  	v1 =	vld [tilespmem:$0x6C0];
	v8, v9, _ =	vpop (xrf1)  }
0x2d0: {  	v41, v42, _ =	vpop (xrf1)  }
0x2d1: {  	vm2 =	vle.f32 v10, v41  }
0x2d2: {  	v10 =	vsel vm2, v10, v41;
	v11 =	vsel vm2, v11, v42  }
0x2d3: {  	(xrf1) =	vsort.ascd.msk.f32 $0xffff, v10, v11  }
0x2d4: {  	(xrf1) =	vsort.dscd.msk.f32 $0xffff, v1, v40;
	_ =	sdelay $0xb  }
0x2d5: {  	v43 =	vld [tilespmem:$0xF40]  }
0x2d6: {  	v1 =	vld [tilespmem:$0x740];
	v10, v11, _ =	vpop (xrf1)  }
0x2d7: {  	v44, v45, _ =	vpop (xrf1)  }
0x2d8: {  	vm2 =	vle.f32 v12, v44  }
0x2d9: {  	v12 =	vsel vm2, v12, v44;
	v13 =	vsel vm2, v13, v45  }
0x2da: {  	(xrf1) =	vsort.ascd.msk.f32 $0xffff, v12, v13  }
0x2db: {  	(xrf1) =	vsort.dscd.msk.f32 $0xffff, v1, v43;
	_ =	sdelay $0xb  }
0x2dc: {  	v46 =	vld [tilespmem:$0xFC0]  }
0x2dd: {  	v1 =	vld [tilespmem:$0x7C0];
	v12, v13, _ =	vpop (xrf1)  }
0x2de: {  	v47, v48, _ =	vpop (xrf1)  }
0x2df: {  	vm2 =	vle.f32 v2, v47  }
0x2e0: {  	v2 =	vsel vm2, v2, v47;
	v14 =	vsel vm2, v14, v48  }
0x2e1: {  	(xrf1) =	vsort.ascd.msk.f32 $0xffff, v2, v14  }
0x2e2: {  	(xrf1) =	vsort.dscd.msk.f32 $0xffff, v1, v46;
	_ =	sdelay $0xb  }
0x2e3: {  	v49 =	vld [tilespmem:$0xC50]  }
0x2e4: {  	v1 =	vld [tilespmem:$0x450];
	v2, v14, _ =	vpop (xrf1)  }
0x2e5: {  	v50, v51, _ =	vpop (xrf1)  }
0x2e6: {  	vm2 =	vle.f32 v15, v50  }
0x2e7: {  	v15 =	vsel vm2, v15, v50;
	v16 =	vsel vm2, v16, v51  }
0x2e8: {  	(xrf1) =	vsort.ascd.msk.f32 $0xffff, v15, v16  }
0x2e9: {  	(xrf1) =	vsort.dscd.msk.f32 $0xffff, v1, v49;
	_ =	sdelay $0xb  }
0x2ea: {  	v52 =	vld [tilespmem:$0xCD0]  }
0x2eb: {  	v1 =	vld [tilespmem:$0x4D0];
	v15, v16, _ =	vpop (xrf1)  }
0x2ec: {  	v53, v54, _ =	vpop (xrf1)  }
0x2ed: {  	vm2 =	vle.f32 v3, v53  }
0x2ee: {  	v3 =	vsel vm2, v3, v53;
	v17 =	vsel vm2, v17, v54  }
0x2ef: {  	(xrf1) =	vsort.ascd.msk.f32 $0xffff, v3, v17  }
0x2f0: {  	(xrf1) =	vsort.dscd.msk.f32 $0xffff, v1, v52;
	_ =	sdelay $0xb  }
0x2f1: {  	v55 =	vld [tilespmem:$0xD50]  }
0x2f2: {  	v1 =	vld [tilespmem:$0x550];
	v3, v17, _ =	vpop (xrf1)  }
0x2f3: {  	v56, v57, _ =	vpop (xrf1)  }
0x2f4: {  	vm2 =	vle.f32 v4, v56  }
0x2f5: {  	v4 =	vsel vm2, v4, v56;
	v5 =	vsel vm2, v5, v57  }
0x2f6: {  	(xrf1) =	vsort.ascd.msk.f32 $0xffff, v4, v5  }
0x2f7: {  	(xrf1) =	vsort.dscd.msk.f32 $0xffff, v1, v55;
	_ =	sdelay $0xb  }
0x2f8: {  	v58 =	vld [tilespmem:$0xDD0]  }
0x2f9: {  	v1 =	vld [tilespmem:$0x5D0];
	v4, v5, _ =	vpop (xrf1)  }
0x2fa: {  	v59, v60, _ =	vpop (xrf1)  }
0x2fb: {  	vm2 =	vle.f32 v6, v59  }
0x2fc: {  	v6 =	vsel vm2, v6, v59;
	v7 =	vsel vm2, v7, v60  }
0x2fd: {  	(xrf1) =	vsort.ascd.msk.f32 $0xffff, v6, v7  }
0x2fe: {  	(xrf1) =	vsort.dscd.msk.f32 $0xffff, v1, v58;
	_ =	sdelay $0xb  }
0x2ff: {  	v61 =	vld [tilespmem:$0xE50]  }
0x300: {  	v1 =	vld [tilespmem:$0x650];
	v6, v7, _ =	vpop (xrf1)  }
0x301: {  	v62, v63, _ =	vpop (xrf1)  }
0x302: {  	vm2 =	vle.f32 v8, v62  }
0x303: {  	v8 =	vsel vm2, v8, v62;
	v9 =	vsel vm2, v9, v63  }
0x304: {  	(xrf1) =	vsort.ascd.msk.f32 $0xffff, v8, v9  }
0x305: {  	(xrf1) =	vsort.dscd.msk.f32 $0xffff, v1, v61;
	_ =	sdelay $0xb  }
0x306: {  	v24 =	vld [tilespmem:$0xED0]  }
0x307: {  	v1 =	vld [tilespmem:$0x6D0];
	v8, v9, _ =	vpop (xrf1)  }
0x308: {  	v25, v26, _ =	vpop (xrf1)  }
0x309: {  	vm2 =	vle.f32 v10, v25  }
0x30a: {  	v10 =	vsel vm2, v10, v25;
	v11 =	vsel vm2, v11, v26  }
0x30b: {  	(xrf1) =	vsort.ascd.msk.f32 $0xffff, v10, v11  }
0x30c: {  	(xrf1) =	vsort.dscd.msk.f32 $0xffff, v1, v24;
	_ =	sdelay $0xb  }
0x30d: {  	v27 =	vld [tilespmem:$0xF50]  }
0x30e: {  	v1 =	vld [tilespmem:$0x750];
	v10, v11, _ =	vpop (xrf1)  }
0x30f: {  	v28, v29, _ =	vpop (xrf1)  }
0x310: {  	vm2 =	vle.f32 v12, v28  }
0x311: {  	v12 =	vsel vm2, v12, v28;
	v13 =	vsel vm2, v13, v29  }
0x312: {  	(xrf1) =	vsort.ascd.msk.f32 $0xffff, v12, v13  }
0x313: {  	(xrf1) =	vsort.dscd.msk.f32 $0xffff, v1, v27;
	_ =	sdelay $0xb  }
0x314: {  	v30 =	vld [tilespmem:$0xFD0]  }
0x315: {  	v1 =	vld [tilespmem:$0x7D0];
	v12, v13, _ =	vpop (xrf1)  }
0x316: {  	v31, v32, _ =	vpop (xrf1)  }
0x317: {  	vm2 =	vle.f32 v2, v31  }
0x318: {  	v2 =	vsel vm2, v2, v31;
	v14 =	vsel vm2, v14, v32  }
0x319: {  	(xrf1) =	vsort.ascd.msk.f32 $0xffff, v2, v14  }
0x31a: {  	(xrf1) =	vsort.dscd.msk.f32 $0xffff, v1, v30;
	_ =	sdelay $0xb  }
0x31b: {  	v33 =	vld [tilespmem:$0xC60]  }
0x31c: {  	v1 =	vld [tilespmem:$0x460];
	v2, v14, _ =	vpop (xrf1)  }
0x31d: {  	v34, v35, _ =	vpop (xrf1)  }
0x31e: {  	vm2 =	vle.f32 v15, v34  }
0x31f: {  	v15 =	vsel vm2, v15, v34;
	v16 =	vsel vm2, v16, v35  }
0x320: {  	(xrf1) =	vsort.ascd.msk.f32 $0xffff, v15, v16  }
0x321: {  	(xrf1) =	vsort.dscd.msk.f32 $0xffff, v1, v33;
	_ =	sdelay $0xb  }
0x322: {  	v36 =	vld [tilespmem:$0xCE0]  }
0x323: {  	v1 =	vld [tilespmem:$0x4E0];
	v15, v16, _ =	vpop (xrf1)  }
0x324: {  	v37, v38, _ =	vpop (xrf1)  }
0x325: {  	vm2 =	vle.f32 v3, v37  }
0x326: {  	v3 =	vsel vm2, v3, v37;
	v17 =	vsel vm2, v17, v38  }
0x327: {  	(xrf1) =	vsort.ascd.msk.f32 $0xffff, v3, v17  }
0x328: {  	(xrf1) =	vsort.dscd.msk.f32 $0xffff, v1, v36;
	_ =	sdelay $0xb  }
0x329: {  	v39 =	vld [tilespmem:$0xD60]  }
0x32a: {  	v1 =	vld [tilespmem:$0x560];
	v3, v17, _ =	vpop (xrf1)  }
0x32b: {  	v40, v41, _ =	vpop (xrf1)  }
0x32c: {  	vm2 =	vle.f32 v4, v40  }
0x32d: {  	v4 =	vsel vm2, v4, v40;
	v5 =	vsel vm2, v5, v41  }
0x32e: {  	(xrf1) =	vsort.ascd.msk.f32 $0xffff, v4, v5  }
0x32f: {  	(xrf1) =	vsort.dscd.msk.f32 $0xffff, v1, v39;
	_ =	sdelay $0xb  }
0x330: {  	v44 =	vld [tilespmem:$0xDE0]  }
0x331: {  	v1 =	vld [tilespmem:$0x5E0];
	v43, v42, _ =	vpop (xrf1)  }
0x332: {  	v45, v20, _ =	vpop (xrf1)  }
0x333: {  	vm2 =	vle.f32 v6, v45  }
0x334: {  	v5 =	vsel vm2, v6, v45;
	v46 =	vsel vm2, v7, v20  }
0x335: {  	(xrf1) =	vsort.ascd.msk.f32 $0xffff, v5, v46  }
0x336: {  	(xrf1) =	vsort.dscd.msk.f32 $0xffff, v1, v44;
	_ =	sdelay $0xb  }
0x337: {  	v47 =	vld [tilespmem:$0xE60]  }
0x338: {  	v1 =	vld [tilespmem:$0x660];
	v6, v7, _ =	vpop (xrf1)  }
0x339: {  	v49, v48, _ =	vpop (xrf1)  }
0x33a: {  	vm2 =	vle.f32 v8, v49  }
0x33b: {  	v5 =	vsel vm2, v8, v49;
	v50 =	vsel vm2, v9, v48  }
0x33c: {  	(xrf1) =	vsort.ascd.msk.f32 $0xffff, v5, v50  }
0x33d: {  	(xrf1) =	vsort.dscd.msk.f32 $0xffff, v1, v47;
	_ =	sdelay $0xb  }
0x33e: {  	v51 =	vld [tilespmem:$0xEE0]  }
0x33f: {  	v1 =	vld [tilespmem:$0x6E0];
	v8, v9, _ =	vpop (xrf1)  }
0x340: {  	v53, v52, _ =	vpop (xrf1)  }
0x341: {  	vm2 =	vle.f32 v10, v53  }
0x342: {  	v5 =	vsel vm2, v10, v53;
	v54 =	vsel vm2, v11, v52  }
0x343: {  	(xrf1) =	vsort.ascd.msk.f32 $0xffff, v5, v54  }
0x344: {  	(xrf1) =	vsort.dscd.msk.f32 $0xffff, v1, v51;
	_ =	sdelay $0xb  }
0x345: {  	v55 =	vld [tilespmem:$0xF60]  }
0x346: {  	v1 =	vld [tilespmem:$0x760];
	v10, v11, _ =	vpop (xrf1)  }
0x347: {  	v57, v56, _ =	vpop (xrf1)  }
0x348: {  	vm2 =	vle.f32 v12, v57  }
0x349: {  	v5 =	vsel vm2, v12, v57;
	v58 =	vsel vm2, v13, v56  }
0x34a: {  	(xrf1) =	vsort.ascd.msk.f32 $0xffff, v5, v58  }
0x34b: {  	(xrf1) =	vsort.dscd.msk.f32 $0xffff, v1, v55;
	_ =	sdelay $0xb  }
0x34c: {  	v59 =	vld [tilespmem:$0xFE0]  }
0x34d: {  	v1 =	vld [tilespmem:$0x7E0];
	v12, v13, _ =	vpop (xrf1)  }
0x34e: {  	v61, v60, _ =	vpop (xrf1)  }
0x34f: {  	vm2 =	vle.f32 v2, v61  }
0x350: {  	v2 =	vsel vm2, v2, v61;
	v62 =	vsel vm2, v14, v60  }
0x351: {  	(xrf1) =	vsort.ascd.msk.f32 $0xffff, v2, v62  }
0x352: {  	(xrf1) =	vsort.dscd.msk.f32 $0xffff, v1, v59;
	_ =	sdelay $0xb  }
0x353: {  	v2 =	vld [tilespmem:$0xC70]  }
0x354: {  	v1 =	vld [tilespmem:$0x470];
	v5, v4, _ =	vpop (xrf1)  }
0x355: {  	v14, v20, _ =	vpop (xrf1)  }
0x356: {  	vm2 =	vle.f32 v15, v14  }
0x357: {  	v14 =	vsel vm2, v15, v14;
	v63 =	vsel vm2, v16, v20  }
0x358: {  	(xrf1) =	vsort.ascd.msk.f32 $0xffff, v14, v63  }
0x359: {  	(xrf1) =	vsort.dscd.msk.f32 $0xffff, v1, v2;
	_ =	sdelay $0xc  }
0x35a: {  	v2, v1, _ =	vpop (xrf1)  }
0x35b: {  	v14, v15, _ =	vpop (xrf1)  }
0x35c: {  	vm2 =	vle.f32 v3, v14  }
0x35d: {  	v3 =	vsel vm2, v3, v14;
	v17 =	vsel vm2, v17, v15  }
0x35e: {  	(xrf1) =	vsort.ascd.msk.f32 $0xffff, v3, v17;
	_ =	sdelay $0x4  }
0x35f: {  	v20 =	vld [tilespmem:$0xCF0]  }
0x360: {  	v3 =	vld [tilespmem:$0x4F0];
	_ =	sdelay $0x4  }
0x361: {  	(xrf1) =	vsort.dscd.msk.f32 $0xffff, v3, v20;
	_ =	sdelay $0x2  }
0x362: {  	v3, v14, _ =	vpop (xrf1)  }
0x363: {  	v21 =	vperm.xlane v3, v0;
	_ =	sdelay $0x1  }
0x364: {  	v3 =	vsub.f32 v21, v3;
	_ =	sdelay $0x1  }
0x365: {  	v3 =	vmul.f32 $1.442695020e+00, v3;
	_ =	sdelay $0x1  }
0x366: {  	(erf) = vpow2.f32 v3;
	_ =	sdelay $0x3  }
0x367: {  	v3, v22, _ =	vpop (xrf1)  }
0x368: {  	vm2 =	vle.f32 v43, v3  }
0x369: {  	v3 =	vsel vm2, v43, v3;
	v15 =	vsel vm2, v42, v22  }
0x36a: {  	(xrf1) =	vsort.ascd.msk.f32 $0xffff, v3, v15;
	_ =	sdelay $0x1  }
0x36b: {  	v3 =	vpop (erf)  }
0x36c: {  	v3 =	vnsel vm0, $0x0, v3  }
0x36d: {  	v23 =	vld [tilespmem:$0x570];
	v14 =	vmul.f32 v3, v14  }
0x36e: {  	v24 =	vld [tilespmem:$0xD70]  }
0x36f: {  	(xrf2) =	vadd.scan.msk.f32 $0xffff, v14  }
0x370: {  	(xrf2) =	vadd.scan.msk.f32 $0xffff, v3;
	_ =	sdelay $0x2  }
0x371: {  	(xrf1) =	vsort.dscd.msk.f32 $0xffff, v23, v24;
	_ =	sdelay $0x3  }
0x372: {  	v25, v26, _ =	vpop (xrf1)  }
0x373: {  	v27 =	vperm.xlane v25, v0  }
0x374: {  	v3, _, _ =	vpop (xrf2)  }
0x375: {  	v14 =	vsub.f32 v27, v25;
	v28, _, _ =	vpop (xrf2)  }
0x376: {  	v29 =	vbroadcast v28, $0xF  }
0x377: {  	v14 =	vmul.f32 $1.442695020e+00, v14  }
0x378: {  	(erf) = vrcp.f32 v29  }
0x379: {  	(erf) = vpow2.f32 v14;
	_ =	sdelay $0x2  }
0x37a: {  	v31, v30, _ =	vpop (xrf1)  }
0x37b: {  	vm2 =	vle.f32 v6, v31  }
0x37c: {  	v6 =	vsel vm2, v6, v31  }
0x37d: {  	v7 =	vsel vm2, v7, v30  }
0x37e: {  	(xrf1) =	vsort.ascd.msk.f32 $0xffff, v6, v7  }
0x37f: {  	v6 =	vpop (erf)  }
0x380: {  	v32 =	vpop (erf)  }
0x381: {  	v7 =	vnsel vm0, $0x0, v32  }
0x382: {  	v34 =	vld [tilespmem:$0x5F0];
	v33 =	vmul.f32 v7, v26  }
0x383: {  	v35 =	vld [tilespmem:$0xDF0]  }
0x384: {  	(xrf2) =	vadd.scan.msk.f32 $0xffff, v33  }
0x385: {  	(xrf2) =	vadd.scan.msk.f32 $0xffff, v7;
	_ =	sdelay $0x2  }
0x386: {  	(xrf1) =	vsort.dscd.msk.f32 $0xffff, v34, v35;
	_ =	sdelay $0x3  }
0x387: {  	v37, v36, _ =	vpop (xrf1)  }
0x388: {  	v38 =	vperm.xlane v37, v0  }
0x389: {  	v16, _, _ =	vpop (xrf2)  }
0x38a: {  	v7 =	vsub.f32 v38, v37;
	v39, _, _ =	vpop (xrf2)  }
0x38b: {  	v40 =	vbroadcast v39, $0xF  }
0x38c: {  	v7 =	vmul.f32 $1.442695020e+00, v7  }
0x38d: {  	(erf) = vrcp.f32 v40  }
0x38e: {  	(erf) = vpow2.f32 v7;
	_ =	sdelay $0x2  }
0x38f: {  	v42, v41, _ =	vpop (xrf1)  }
0x390: {  	vm2 =	vle.f32 v8, v42  }
0x391: {  	v7 =	vsel vm2, v8, v42  }
0x392: {  	v43 =	vsel vm2, v9, v41  }
0x393: {  	(xrf1) =	vsort.ascd.msk.f32 $0xffff, v7, v43  }
0x394: {  	v7 =	vpop (erf)  }
0x395: {  	v44 =	vpop (erf)  }
0x396: {  	v8 =	vnsel vm0, $0x0, v44  }
0x397: {  	v46 =	vld [tilespmem:$0x670];
	v45 =	vmul.f32 v8, v36  }
0x398: {  	v47 =	vld [tilespmem:$0xE70]  }
0x399: {  	(xrf2) =	vadd.scan.msk.f32 $0xffff, v45  }
0x39a: {  	(xrf2) =	vadd.scan.msk.f32 $0xffff, v8;
	_ =	sdelay $0x2  }
0x39b: {  	(xrf1) =	vsort.dscd.msk.f32 $0xffff, v46, v47;
	_ =	sdelay $0x3  }
0x39c: {  	v49, v48, _ =	vpop (xrf1)  }
0x39d: {  	v50 =	vperm.xlane v49, v0  }
0x39e: {  	v15, _, _ =	vpop (xrf2)  }
0x39f: {  	v8 =	vsub.f32 v50, v49;
	v51, _, _ =	vpop (xrf2)  }
0x3a0: {  	v52 =	vbroadcast v51, $0xF  }
0x3a1: {  	v8 =	vmul.f32 $1.442695020e+00, v8  }
0x3a2: {  	(erf) = vrcp.f32 v52  }
0x3a3: {  	(erf) = vpow2.f32 v8;
	_ =	sdelay $0x2  }
0x3a4: {  	v54, v53, _ =	vpop (xrf1)  }
0x3a5: {  	vm2 =	vle.f32 v10, v54  }
0x3a6: {  	v8 =	vsel vm2, v10, v54  }
0x3a7: {  	v55 =	vsel vm2, v11, v53  }
0x3a8: {  	(xrf1) =	vsort.ascd.msk.f32 $0xffff, v8, v55  }
0x3a9: {  	v8 =	vpop (erf)  }
0x3aa: {  	v56 =	vpop (erf)  }
0x3ab: {  	v10 =	vnsel vm0, $0x0, v56  }
0x3ac: {  	v9 =	vmul.f32 v10, v48  }
0x3ad: {  	v57 =	vld [tilespmem:$0x6F0]  }
0x3ae: {  	v58 =	vld [tilespmem:$0xEF0];
	(xrf2) =	vadd.scan.msk.f32 $0xffff, v9  }
0x3af: {  	(xrf2) =	vadd.scan.msk.f32 $0xffff, v10;
	_ =	sdelay $0x3  }
0x3b0: {  	(xrf1) =	vsort.dscd.msk.f32 $0xffff, v57, v58;
	_ =	sdelay $0x2  }
0x3b1: {  	v59, v60, _ =	vpop (xrf1)  }
0x3b2: {  	v61 =	vperm.xlane v59, v0  }
0x3b3: {  	v62, _, _ =	vpop (xrf2)  }
0x3b4: {  	v9 =	vsub.f32 v61, v59;
	v63, _, _ =	vpop (xrf2)  }
0x3b5: {  	v17 =	vbroadcast v63, $0xF  }
0x3b6: {  	v9 =	vmul.f32 $1.442695020e+00, v9  }
0x3b7: {  	(erf) = vrcp.f32 v17  }
0x3b8: {  	(erf) = vpow2.f32 v9;
	_ =	sdelay $0x3  }
0x3b9: {  	v19, v18, _ =	vpop (xrf1)  }
0x3ba: {  	vm2 =	vle.f32 v12, v19  }
0x3bb: {  	v11 =	vsel vm2, v13, v18;
	v9 =	vsel vm2, v12, v19  }
0x3bc: {  	(xrf1) =	vsort.ascd.msk.f32 $0xffff, v9, v11  }
0x3bd: {  	v20 =	vpop (erf)  }
0x3be: {  	v21 =	vpop (erf)  }
0x3bf: {  	v11 =	vnsel vm0, $0x0, v21  }
0x3c0: {  	v10 =	vmul.f32 v11, v60  }
0x3c1: {  	v22 =	vld [tilespmem:$0x770]  }
0x3c2: {  	v23 =	vld [tilespmem:$0xF70];
	(xrf2) =	vadd.scan.msk.f32 $0xffff, v10  }
0x3c3: {  	(xrf2) =	vadd.scan.msk.f32 $0xffff, v11;
	_ =	sdelay $0x3  }
0x3c4: {  	(xrf1) =	vsort.dscd.msk.f32 $0xffff, v22, v23;
	_ =	sdelay $0x2  }
0x3c5: {  	v24, v25, _ =	vpop (xrf1)  }
0x3c6: {  	v26 =	vperm.xlane v24, v0  }
0x3c7: {  	v27, _, _ =	vpop (xrf2)  }
0x3c8: {  	v10 =	vsub.f32 v26, v24;
	v28, _, _ =	vpop (xrf2)  }
0x3c9: {  	v29 =	vbroadcast v28, $0xF  }
0x3ca: {  	v10 =	vmul.f32 $1.442695020e+00, v10  }
0x3cb: {  	(erf) = vrcp.f32 v29  }
0x3cc: {  	(erf) = vpow2.f32 v10;
	_ =	sdelay $0x3  }
0x3cd: {  	v31, v30, _ =	vpop (xrf1)  }
0x3ce: {  	vm2 =	vle.f32 v5, v31  }
0x3cf: {  	v5 =	vsel vm2, v5, v31;
	v4 =	vsel vm2, v4, v30  }
0x3d0: {  	(xrf1) =	vsort.ascd.msk.f32 $0xffff, v5, v4  }
0x3d1: {  	v32 =	vpop (erf)  }
0x3d2: {  	v33 =	vpop (erf)  }
0x3d3: {  	v5 =	vnsel vm0, $0x0, v33  }
0x3d4: {  	v35 =	vld [tilespmem:$0x7F0];
	v34 =	vmul.f32 v5, v25  }
0x3d5: {  	v36 =	vld [tilespmem:$0xFF0]  }
0x3d6: {  	(xrf2) =	vadd.scan.msk.f32 $0xffff, v34  }
0x3d7: {  	(xrf2) =	vadd.scan.msk.f32 $0xffff, v5;
	_ =	sdelay $0x2  }
0x3d8: {  	(xrf1) =	vsort.dscd.msk.f32 $0xffff, v35, v36;
	_ =	sdelay $0x3  }
0x3d9: {  	v38, v37, _ =	vpop (xrf1)  }
0x3da: {  	v39 =	vperm.xlane v38, v0  }
0x3db: {  	v40, _, _ =	vpop (xrf2)  }
0x3dc: {  	v5 =	vsub.f32 v39, v38;
	v41, _, _ =	vpop (xrf2)  }
0x3dd: {  	v42 =	vbroadcast v41, $0xF  }
0x3de: {  	v5 =	vmul.f32 $1.442695020e+00, v5  }
0x3df: {  	(erf) = vrcp.f32 v42  }
0x3e0: {  	(erf) = vpow2.f32 v5;
	_ =	sdelay $0x2  }
0x3e1: {  	v44, v43, _ =	vpop (xrf1)  }
0x3e2: {  	vm2 =	vle.f32 v2, v44  }
0x3e3: {  	v1 =	vsel vm2, v1, v43  }
0x3e4: {  	v2 =	vsel vm2, v2, v44  }
0x3e5: {  	(xrf1) =	vsort.ascd.msk.f32 $0xffff, v2, v1  }
0x3e6: {  	v1 =	vpop (erf)  }
0x3e7: {  	v2 =	vpop (erf)  }
0x3e8: {  	v2 =	vnsel vm0, $0x0, v2  }
0x3e9: {  	v45 =	vmul.f32 v2, v37;
	_ =	sdelay $0x1  }
0x3ea: {  	(xrf2) =	vadd.scan.msk.f32 $0xffff, v45  }
0x3eb: {  	(xrf2) =	vadd.scan.msk.f32 $0xffff, v2;
	_ =	sdelay $0x6  }
0x3ec: {  	v2, v46, _ =	vpop (xrf1)  }
0x3ed: {  	v47 =	vperm.xlane v2, v0  }
0x3ee: {  	v48, _, _ =	vpop (xrf2)  }
0x3ef: {  	v2 =	vsub.f32 v47, v2;
	v49, _, _ =	vpop (xrf2)  }
0x3f0: {  	v50 =	vbroadcast v49, $0xF  }
0x3f1: {  	v2 =	vmul.f32 $1.442695020e+00, v2  }
0x3f2: {  	(erf) = vrcp.f32 v50  }
0x3f3: {  	(erf) = vpow2.f32 v2;
	_ =	sdelay $0x7  }
0x3f4: {  	v2 =	vpop (erf)  }
0x3f5: {  	v51 =	vpop (erf)  }
0x3f6: {  	v10 =	vnsel vm0, $0x0, v51  }
0x3f7: {  	v5 =	vmul.f32 v10, v46;
	_ =	sdelay $0x1  }
0x3f8: {  	(xrf2) =	vadd.scan.msk.f32 $0xffff, v5  }
0x3f9: {  	(xrf2) =	vadd.scan.msk.f32 $0xffff, v10;
	_ =	sdelay $0x4  }
0x3fa: {  	v3 =	vbroadcast v3, $0xF;
	_ =	sdelay $0x1  }
0x3fb: {  	v3 =	vmul.f32 v6, v3;
	v52 =	vbroadcast v16, $0xF;
	_ =	sdelay $0x1  }
0x3fc: {  	v3 =	vnsel vm1, $0x0, v3;
	v53 =	vbroadcast v15, $0xF;
	v6 =	vmul.f32 v7, v52;
	v5, _, _ =	vpop (xrf2)  }
0x3fd: {  	v3 =	vadd.f32 $0.0e+00, v3;
	v56 =	vbroadcast v62, $0xF;
	v54, _, _ =	vpop (xrf2)  }
0x3fe: {  	v6 =	vnsel vm1, $0x0, v6;
	v8 =	vmul.f32 v8, v53;
	v55 =	vbroadcast v54, $0xF  }
0x3ff: {  	v3 =	vadd.f32 v6, v3;
	v58 =	vmul.f32 v20, v56  }
0x400: {  	v57 =	vnsel vm1, $0x0, v8;
	v59 =	vbroadcast v27, $0xF;
	(erf) = vrcp.f32 v55  }
0x401: {  	v3 =	vadd.f32 v57, v3  }
0x402: {  	v60 =	vnsel vm1, $0x0, v58;
	v4 =	vmul.f32 v32, v59  }
0x403: {  	v3 =	vadd.f32 v60, v3  }
0x404: {  	v4 =	vnsel vm1, $0x0, v4;
	v61 =	vbroadcast v40, $0xF  }
0x405: {  	v3 =	vadd.f32 v4, v3  }
0x406: {  	v1 =	vmul.f32 v1, v61;
	v62 =	vbroadcast v48, $0xF;
	_ =	sdelay $0x1  }
0x407: {  	v1 =	vnsel vm1, $0x0, v1;
	v2 =	vmul.f32 v2, v62;
	v63 =	vbroadcast v5, $0xF  }
0x408: {  	v1 =	vadd.f32 v1, v3;
	v3 =	vpop (erf)  }
0x409: {  	v2 =	vnsel vm1, $0x0, v2;
	v3 =	vmul.f32 v3, v63  }
0x40a: {  	v1 =	vadd.f32 v2, v1  }
0x40b: {  	v2 =	vnsel vm1, $0x0, v3  }
0x40c: {  	v1 =	vadd.f32 v2, v1  }
0x40d: {  	p0 =	sne.s32 s5, $0x1  }
.Ltmp0:
0x40e: {  	[tilespmem:$0x1000] =	vst v1;
	(pc) =	sbr.rel @p0 .LBB2_1-.Ltmp0, $4  }
0x40f: {  	[hbm4b:s4+s2] =	stream.linear.scatter [tilespmem:s7], [sflag:$0x1], $0x80, $0x38;
	[tilespmem:$0x1080] =	vst v63  }
0x410: {  	_ =	swait.ge [sflag:s6], $0x80  }
0x411: {  	[sflag:s6] =	ssyncset.done $0x0  }
0x412: {  	s5 =	sadd.s32 $0xFFFFFFFF, s5;
	[sflag:s6] =	ssyncadd.s32 $0xFFFFFF80  }
0x413: {  	_ =	sfence.sel $0x180000  }
0x414: {  	[bflag:$0x0] =	sbarrier.arrive $0xFFFF  }
0x415: {  	p0 =	sne.s32 s1, $0x0;
	_ =	strace $0x90000047  }
0x416: {  	s0 =	sadd.s32 @!p0 $0x100000, s0;
	[bflag:$0x2] =	sbarrier.arrive $0xFFFF  }
0x417: {  	[sflag:s0] =	ssyncadd.tile.s32 @!p0 $0x1;
	_ =	shalt  }
.Lfunc_end2:
_tile_overlayer_lowered:
.L_overlay_start_2:
0x418: {  	(tag) =	ssettag $0x2  }
0x419: {  	s0 =	rddreg [dreg:$0x0];
	s2 =	stileid.u32  }
0x41a: {  	s1 =	rddreg [dreg:$0x1];
	p0 =	sne.s32 s2, $0x0  }
0x41b: {  	s3 =	rddreg [dreg:$0x2];
	[bflag:$0x3] =	sbarrier.arrive $0xFFFF;
	s2 =	simm.s32 @!p0 $0x1C01  }
0x41c: {  	[timem:s3], [sflag:s2] =	dma.local @!p0 [hbm:s0], s1  }
0x41d: {  	s0 =	simm.s32 @!p0 $0x1  }
0x41e: {  	_ =	swait.ge @!p0 [sflag:s0], s1  }
0x41f: {  	s1 =	ssub.s32 @!p0 $0x0, s1;
	[sflag:s0] =	ssyncset.done @!p0 $0x0  }
0x420: {  	[sflag:s0] =	ssyncadd.s32 @!p0 s1  }
0x421: {  	[bflag:$0x3] =	sbarrier.arrive $0xFFFF  }
0x422: {  	_ =	shalt  }

</sc_bundles>
